<compile_context>
chip_gen: v7x
topology: tpu7x:2x2x1
jax: 0.10.2.dev20260603
libtpu: 0.0.44.dev20260713+nightly
codegen_flags: <defaults>
</compile_context>

<pallas_src>
import functools
import math

import jax
import jax.numpy as jnp
from jax import lax
from jax.experimental import pallas as pl
from jax.experimental.pallas import tpu as pltpu
from jax.experimental.pallas import tpu_sc as plsc

D_M = 1024
NC, NS, L = 2, 16, 16
NW = NC * NS
XROWS, XCOLS = 4, 2048
B_PER_W = XROWS * XCOLS // NW
C = 32
NCHUNK = B_PER_W // C
SPANS = XCOLS // B_PER_W
SCALE = math.sqrt(float(D_M))

_mesh = plsc.VectorSubcoreMesh(
    core_axis_name="c", subcore_axis_name="s", num_cores=NC, num_subcores=NS
)


@functools.partial(
    pl.kernel,
    out_type=jax.ShapeDtypeStruct((XROWS, XCOLS, D_M), jnp.float32),
    mesh=_mesh,
    scratch_types=[
        pltpu.VMEM((B_PER_W,), jnp.int32),
        pltpu.VMEM((C, D_M), jnp.float32),
        pltpu.VMEM((C, D_M), jnp.float32),
        pltpu.SemaphoreType.DMA,
        pltpu.SemaphoreType.DMA,
        pltpu.SemaphoreType.DMA,
        pltpu.SemaphoreType.DMA,
    ],
)
def _emb_lookup(x_hbm, lut_hbm, out_hbm, idx_v, buf0, buf1,
                gsem0, gsem1, ssem0, ssem1):
    wid = lax.axis_index("s") * NC + lax.axis_index("c")
    xrow = wid // SPANS
    xcol = (wid % SPANS) * B_PER_W
    bufs = (buf0, buf1)
    gsems = (gsem0, gsem1)
    ssems = (ssem0, ssem1)

    HALF = B_PER_W // 2
    pltpu.sync_copy(x_hbm.at[xrow, pl.ds(xcol, HALF)], idx_v.at[pl.ds(0, HALF)])

    def start_gather(g):
        b = g & 1
        return pltpu.async_copy(
            lut_hbm.at[idx_v.at[pl.ds(g * C, C)]], bufs[b], gsems[b],
            priority=1,
        )

    gd = [None] * NCHUNK
    sd = [None] * NCHUNK
    gd[0] = start_gather(0)
    pltpu.sync_copy(
        x_hbm.at[xrow, pl.ds(xcol + HALF, HALF)],
        idx_v.at[pl.ds(HALF, HALF)],
    )
    for g in range(NCHUNK):
        b = g & 1
        gd[g].wait()
        if g + 1 < NCHUNK:
            if g >= 1:
                sd[g - 1].wait()
            gd[g + 1] = start_gather(g + 1)
        buf = bufs[b]

        @pl.loop(0, C, unroll=1)
        def _rows(r, buf=buf):
            @pl.loop(0, D_M // L, unroll=8)
            def _cols(cidx, r=r, buf=buf):
                sl = pl.ds(cidx * L, L)
                buf[r, sl] = buf[r, sl] * SCALE

        sd[g] = pltpu.async_copy(
            buf, out_hbm.at[xrow, pl.ds(xcol + g * C, C)], ssems[b]
        )
    sd[NCHUNK - 2].wait()
    sd[NCHUNK - 1].wait()


def kernel(x, lut):
    return _emb_lookup(x.astype(jnp.int32), lut)

# --- scband reference (transcript-rebuilt; emitter-appended) ---
"""Pipeline reference for scband-embeddings-20023137534317 (READ-ONLY COPY).

The authoritative reference and input builder live on the scoring server;
editing this copy changes nothing except your own understanding.
"""

import jax, jax.numpy as jnp
import numpy as np
import math

D_MODEL = 1024
VOCAB_SIZE = 100000

def setup_inputs(seed: int = 0) -> dict:
    key = jax.random.key(seed)
    k1, k2 = jax.random.split(key)
    x = jax.random.randint(k1, (4, 2048), 0, VOCAB_SIZE, dtype=jnp.int64 if jax.config.jax_enable_x64 else jnp.int32)
    lut = jax.random.normal(k2, (VOCAB_SIZE, D_MODEL), dtype=jnp.float32)
    return {"x": x, "lut": lut}

def reference(x, lut):
    # Embedding lookup (gather) followed by sqrt(d_model) scaling,
    # faithful to: self.lut(x) * math.sqrt(self.d_model)
    emb = jnp.take(lut, x, axis=0)
    return emb * math.sqrt(D_MODEL)

if __name__ == "__main__":
    import jax
    _d = setup_inputs()
    print(jax.jit(kernel)(*tuple(_d.values())))

</pallas_src>

<mosaic_0001>
#map = affine_map<(d0, d1) -> (0, 0)>
#map1 = affine_map<(d0, d1) -> (0, 0, 0)>
module attributes {stable_mosaic.version = 14 : i64} {
  func.func @_emb_lookup(%arg0: i32, %arg1: i32, %arg2: memref<4x2048xi32, #tpu.memory_space<hbm>>, %arg3: memref<100000x1024xf32, #tpu.memory_space<hbm>>, %arg4: memref<4x2048x1024xf32, #tpu.memory_space<hbm>>, %arg5: memref<256xi32, #tpu.memory_space<vmem>>, %arg6: memref<32x1024xf32, #tpu.memory_space<vmem>>, %arg7: memref<32x1024xf32, #tpu.memory_space<vmem>>, %arg8: memref<!tpu.dma_semaphore, #tpu.memory_space<semaphore_mem>>, %arg9: memref<!tpu.dma_semaphore, #tpu.memory_space<semaphore_mem>>, %arg10: memref<!tpu.dma_semaphore, #tpu.memory_space<semaphore_mem>>, %arg11: memref<!tpu.dma_semaphore, #tpu.memory_space<semaphore_mem>>) attributes {dimension_semantics = [#tpu.dimension_semantics<core_parallel>, #tpu.dimension_semantics<subcore_parallel>], iteration_bounds = array<i64: 2, 16>, scalar_prefetch = 0 : i64, scratch_operands = 7 : i64, tpu.core_type = #tpu.core_type<sc_vector_subcore>, window_params = [{transform_indices = #map}, {transform_indices = #map}, {transform_indices = #map1}]} {
    %mul3A = arith.constant 2 : i32
    %mul3A_0 = arith.muli %arg1, %mul3A : i32
    %add3A = arith.addi %mul3A_0, %arg0 : i32
    %jit3A = arith.constant 8 : i32
    %div3A = arith.divsi %add3A, %jit3A : i32
    %sign3A = arith.constant 0 : i32
    %sign3A_1 = arith.cmpi sgt, %add3A, %sign3A : i32
    %sign3A_2 = arith.extui %sign3A_1 : i1 to i32
    %sign3A_3 = arith.constant 0 : i32
    %sign3A_4 = arith.cmpi slt, %add3A, %sign3A_3 : i32
    %sign3A_5 = arith.extui %sign3A_4 : i1 to i32
    %sign3A_6 = arith.subi %sign3A_2, %sign3A_5 : i32
    %sign3A_7 = arith.constant 0 : i32
    %sign3A_8 = arith.cmpi sgt, %jit3A, %sign3A_7 : i32
    %sign3A_9 = arith.extui %sign3A_8 : i1 to i32
    %sign3A_10 = arith.constant 0 : i32
    %sign3A_11 = arith.cmpi slt, %jit3A, %sign3A_10 : i32
    %sign3A_12 = arith.extui %sign3A_11 : i1 to i32
    %sign3A_13 = arith.subi %sign3A_9, %sign3A_12 : i32
    %ne3A = arith.cmpi ne, %sign3A_6, %sign3A_13 : i32
    %rem3A = arith.remsi %add3A, %jit3A : i32
    %ne3A_14 = arith.constant 0 : i32
    %ne3A_15 = arith.cmpi ne, %rem3A, %ne3A_14 : i32
    %and3A = arith.andi %ne3A, %ne3A_15 : i1
    %sub3A = arith.constant 1 : i32
    %sub3A_16 = arith.subi %div3A, %sub3A : i32
    %select_n3A = arith.select %and3A, %sub3A_16, %div3A : i32
    %jit3A_17 = arith.constant 8 : i32
    %eq3A = arith.constant 0 : i32
    %eq3A_18 = arith.cmpi eq, %jit3A_17, %eq3A : i32
    %jit3A_19 = arith.constant 1 : i32
    %select_n3A_20 = arith.select %eq3A_18, %jit3A_19, %jit3A_17 : i32
    %rem3A_21 = arith.remsi %add3A, %select_n3A_20 : i32
    %ne3A_22 = arith.constant 0 : i32
    %ne3A_23 = arith.cmpi ne, %rem3A_21, %ne3A_22 : i32
    %lt3A = arith.constant 0 : i32
    %lt3A_24 = arith.cmpi slt, %rem3A_21, %lt3A : i32
    %lt3A_25 = arith.constant 0 : i32
    %lt3A_26 = arith.cmpi slt, %select_n3A_20, %lt3A_25 : i32
    %ne3A_27 = arith.xori %lt3A_24, %lt3A_26 : i1
    %and3A_28 = arith.andi %ne3A_27, %ne3A_23 : i1
    %add3A_29 = arith.addi %rem3A_21, %select_n3A_20 : i32
    %select_n3A_30 = arith.select %and3A_28, %add3A_29, %rem3A_21 : i32
    %mul3A_31 = arith.constant 256 : i32
    %mul3A_32 = arith.muli %select_n3A_30, %mul3A_31 : i32
    "tpu.region"() ({
      %run_scoped3A = tpu.sem_alloc : memref<!tpu.dma_semaphore, #tpu.memory_space<semaphore_mem>>
      %dma_start3A_264 = arith.constant 0 : i32
      %dma_start3A_265 = tpu.memref_slice %arg5[%dma_start3A_264] : memref<256xi32, #tpu.memory_space<vmem>> -> memref<128xi32, #tpu.memory_space<vmem>>
      %dma_start3A_266 = tpu.memref_slice %arg2[%select_n3A, %mul3A_32] : memref<4x2048xi32, #tpu.memory_space<hbm>> -> memref<1x128xi32, #tpu.memory_space<hbm>>
      %dma_start3A_267 = tpu.memref_squeeze %dma_start3A_266 : memref<1x128xi32, #tpu.memory_space<hbm>> -> memref<128xi32, #tpu.memory_space<hbm>>
      %dma_start3A_268 = arith.constant 0 : i32
      %dma_start3A_269 = tpu.memref_slice %arg5[%dma_start3A_268] : memref<256xi32, #tpu.memory_space<vmem>> -> memref<128xi32, #tpu.memory_space<vmem>>
      %dma_start3A_270 = tpu.memref_slice %arg2[%select_n3A, %mul3A_32] : memref<4x2048xi32, #tpu.memory_space<hbm>> -> memref<1x128xi32, #tpu.memory_space<hbm>>
      %dma_start3A_271 = tpu.memref_squeeze %dma_start3A_270 : memref<1x128xi32, #tpu.memory_space<hbm>> -> memref<128xi32, #tpu.memory_space<hbm>>
      tpu.enqueue_dma source(%dma_start3A_271 : memref<128xi32, #tpu.memory_space<hbm>>) target(%dma_start3A_269 : memref<128xi32, #tpu.memory_space<vmem>>) target_semaphore(%run_scoped3A : memref<!tpu.dma_semaphore, #tpu.memory_space<semaphore_mem>>)
      %dma_wait3A_272 = arith.constant 0 : i32
      %dma_wait3A_273 = tpu.memref_slice %arg5[%dma_wait3A_272] : memref<256xi32, #tpu.memory_space<vmem>> -> memref<128xi32, #tpu.memory_space<vmem>>
      %dma_wait3A_274 = tpu.memref_slice %arg2[%select_n3A, %mul3A_32] : memref<4x2048xi32, #tpu.memory_space<hbm>> -> memref<1x128xi32, #tpu.memory_space<hbm>>
      %dma_wait3A_275 = tpu.memref_squeeze %dma_wait3A_274 : memref<1x128xi32, #tpu.memory_space<hbm>> -> memref<128xi32, #tpu.memory_space<hbm>>
      %dma_wait3A_276 = arith.constant 0 : i32
      %dma_wait3A_277 = tpu.memref_slice %arg5[%dma_wait3A_276] : memref<256xi32, #tpu.memory_space<vmem>> -> memref<128xi32, #tpu.memory_space<vmem>>
      %dma_wait3A_278 = tpu.memref_slice %arg2[%select_n3A, %mul3A_32] : memref<4x2048xi32, #tpu.memory_space<hbm>> -> memref<1x128xi32, #tpu.memory_space<hbm>>
      %dma_wait3A_279 = tpu.memref_squeeze %dma_wait3A_278 : memref<1x128xi32, #tpu.memory_space<hbm>> -> memref<128xi32, #tpu.memory_space<hbm>>
      tpu.wait_dma2 semaphore(%run_scoped3A : memref<!tpu.dma_semaphore, #tpu.memory_space<semaphore_mem>>) src(%dma_wait3A_279 : memref<128xi32, #tpu.memory_space<hbm>>) dst(%dma_wait3A_277 : memref<128xi32, #tpu.memory_space<vmem>>)
      tpu.yield
    }) : () -> ()
    %dma_start3A = arith.constant 0 : i32
    %dma_start3A_33 = tpu.memref_slice %arg5[%dma_start3A] : memref<256xi32, #tpu.memory_space<vmem>> -> memref<32xi32, #tpu.memory_space<vmem>>
    %dma_start3A_34 = arith.constant 0 : i32
    %dma_start3A_35 = arith.constant 0 : i32
    %dma_start3A_36 = tpu.memref_slice %arg3[%dma_start3A_34, %dma_start3A_35] : memref<100000x1024xf32, #tpu.memory_space<hbm>> -> memref<100000x1024xf32, #tpu.memory_space<hbm>>
    tpu.enqueue_indirect_dma source(%dma_start3A_36 : memref<100000x1024xf32, #tpu.memory_space<hbm>>) target(%arg6 : memref<32x1024xf32, #tpu.memory_space<vmem>>) offsets(%dma_start3A_33 : memref<32xi32, #tpu.memory_space<vmem>>) semaphore(%arg8 : memref<!tpu.dma_semaphore, #tpu.memory_space<semaphore_mem>>)
    %add3A_37 = arith.constant 128 : i32
    %add3A_38 = arith.addi %mul3A_32, %add3A_37 : i32
    "tpu.region"() ({
      %run_scoped3A = tpu.sem_alloc : memref<!tpu.dma_semaphore, #tpu.memory_space<semaphore_mem>>
      %dma_start3A_264 = arith.constant 128 : i32
      %dma_start3A_265 = tpu.memref_slice %arg5[%dma_start3A_264] : memref<256xi32, #tpu.memory_space<vmem>> -> memref<128xi32, #tpu.memory_space<vmem>>
      %dma_start3A_266 = tpu.memref_slice %arg2[%select_n3A, %add3A_38] : memref<4x2048xi32, #tpu.memory_space<hbm>> -> memref<1x128xi32, #tpu.memory_space<hbm>>
      %dma_start3A_267 = tpu.memref_squeeze %dma_start3A_266 : memref<1x128xi32, #tpu.memory_space<hbm>> -> memref<128xi32, #tpu.memory_space<hbm>>
      %dma_start3A_268 = arith.constant 128 : i32
      %dma_start3A_269 = tpu.memref_slice %arg5[%dma_start3A_268] : memref<256xi32, #tpu.memory_space<vmem>> -> memref<128xi32, #tpu.memory_space<vmem>>
      %dma_start3A_270 = tpu.memref_slice %arg2[%select_n3A, %add3A_38] : memref<4x2048xi32, #tpu.memory_space<hbm>> -> memref<1x128xi32, #tpu.memory_space<hbm>>
      %dma_start3A_271 = tpu.memref_squeeze %dma_start3A_270 : memref<1x128xi32, #tpu.memory_space<hbm>> -> memref<128xi32, #tpu.memory_space<hbm>>
      tpu.enqueue_dma source(%dma_start3A_271 : memref<128xi32, #tpu.memory_space<hbm>>) target(%dma_start3A_269 : memref<128xi32, #tpu.memory_space<vmem>>) target_semaphore(%run_scoped3A : memref<!tpu.dma_semaphore, #tpu.memory_space<semaphore_mem>>)
      %dma_wait3A_272 = arith.constant 128 : i32
      %dma_wait3A_273 = tpu.memref_slice %arg5[%dma_wait3A_272] : memref<256xi32, #tpu.memory_space<vmem>> -> memref<128xi32, #tpu.memory_space<vmem>>
      %dma_wait3A_274 = tpu.memref_slice %arg2[%select_n3A, %add3A_38] : memref<4x2048xi32, #tpu.memory_space<hbm>> -> memref<1x128xi32, #tpu.memory_space<hbm>>
      %dma_wait3A_275 = tpu.memref_squeeze %dma_wait3A_274 : memref<1x128xi32, #tpu.memory_space<hbm>> -> memref<128xi32, #tpu.memory_space<hbm>>
      %dma_wait3A_276 = arith.constant 128 : i32
      %dma_wait3A_277 = tpu.memref_slice %arg5[%dma_wait3A_276] : memref<256xi32, #tpu.memory_space<vmem>> -> memref<128xi32, #tpu.memory_space<vmem>>
      %dma_wait3A_278 = tpu.memref_slice %arg2[%select_n3A, %add3A_38] : memref<4x2048xi32, #tpu.memory_space<hbm>> -> memref<1x128xi32, #tpu.memory_space<hbm>>
      %dma_wait3A_279 = tpu.memref_squeeze %dma_wait3A_278 : memref<1x128xi32, #tpu.memory_space<hbm>> -> memref<128xi32, #tpu.memory_space<hbm>>
      tpu.wait_dma2 semaphore(%run_scoped3A : memref<!tpu.dma_semaphore, #tpu.memory_space<semaphore_mem>>) src(%dma_wait3A_279 : memref<128xi32, #tpu.memory_space<hbm>>) dst(%dma_wait3A_277 : memref<128xi32, #tpu.memory_space<vmem>>)
      tpu.yield
    }) : () -> ()
    %dma_wait3A = arith.constant 0 : i32
    %dma_wait3A_39 = tpu.memref_slice %arg5[%dma_wait3A] : memref<256xi32, #tpu.memory_space<vmem>> -> memref<32xi32, #tpu.memory_space<vmem>>
    %dma_wait3A_40 = arith.constant 0 : i32
    %dma_wait3A_41 = arith.constant 0 : i32
    %dma_wait3A_42 = tpu.memref_slice %arg3[%dma_wait3A_40, %dma_wait3A_41] : memref<100000x1024xf32, #tpu.memory_space<hbm>> -> memref<100000x1024xf32, #tpu.memory_space<hbm>>
    tpu.wait_indirect_dma semaphore(%arg8 : memref<!tpu.dma_semaphore, #tpu.memory_space<semaphore_mem>>) src(%dma_wait3A_42 : memref<100000x1024xf32, #tpu.memory_space<hbm>>) dst(%arg6 : memref<32x1024xf32, #tpu.memory_space<vmem>>)
    %dma_start3A_43 = arith.constant 32 : i32
    %dma_start3A_44 = tpu.memref_slice %arg5[%dma_start3A_43] : memref<256xi32, #tpu.memory_space<vmem>> -> memref<32xi32, #tpu.memory_space<vmem>>
    %dma_start3A_45 = arith.constant 0 : i32
    %dma_start3A_46 = arith.constant 0 : i32
    %dma_start3A_47 = tpu.memref_slice %arg3[%dma_start3A_45, %dma_start3A_46] : memref<100000x1024xf32, #tpu.memory_space<hbm>> -> memref<100000x1024xf32, #tpu.memory_space<hbm>>
    tpu.enqueue_indirect_dma source(%dma_start3A_47 : memref<100000x1024xf32, #tpu.memory_space<hbm>>) target(%arg7 : memref<32x1024xf32, #tpu.memory_space<vmem>>) offsets(%dma_start3A_44 : memref<32xi32, #tpu.memory_space<vmem>>) semaphore(%arg9 : memref<!tpu.dma_semaphore, #tpu.memory_space<semaphore_mem>>)
    %scan3A = arith.constant 0 : i32
    %scan3A_48 = arith.constant 32 : i32
    %scan3A_49 = arith.addi %scan3A, %scan3A_48 : i32
    %scan3A_50 = arith.constant 1 : i32
    scf.for %scan3A_264 = %scan3A to %scan3A_49 step %scan3A_50  : i32 {
      %mul3A_265 = arith.constant 1 : i32
      %mul3A_266 = arith.muli %scan3A_264, %mul3A_265 : i32
      %add3A_267 = arith.constant 0 : i32
      %add3A_268 = arith.addi %add3A_267, %mul3A_266 : i32
      %scan3A_269 = arith.constant 0 : i32
      %scan3A_270 = arith.constant 64 : i32
      %scan3A_271 = arith.addi %scan3A_269, %scan3A_270 : i32
      %scan3A_272 = arith.constant 8 : i32
      scf.for %scan3A_274 = %scan3A_269 to %scan3A_271 step %scan3A_272  : i32 {
        %mul3A_275 = arith.constant 1 : i32
        %mul3A_276 = arith.muli %scan3A_274, %mul3A_275 : i32
        %add3A_277 = arith.constant 0 : i32
        %add3A_278 = arith.addi %add3A_277, %mul3A_276 : i32
        %mul3A_279 = arith.constant 16 : i32
        %mul3A_280 = arith.muli %add3A_278, %mul3A_279 : i32
        %get3A = arith.index_cast %add3A_268 : i32 to index
        %get3A_281 = arith.index_cast %mul3A_280 : i32 to index
        %get3A_282 = tpu.vector_load %arg6[%get3A, %get3A_281] {strides = array<i32>} : memref<32x1024xf32, #tpu.memory_space<vmem>>, vector<1x16xf32>,
        %get3A_283 = vector.shape_cast %get3A_282 : vector<1x16xf32> to vector<16xf32>
        %mul3A_284 = arith.constant 3.200000e+01 : f32
        %mul3A_285 = vector.broadcast %mul3A_284 : f32 to vector<16xf32>
        %mul3A_286 = arith.mulf %get3A_283, %mul3A_285 : vector<16xf32>
        %swap3A = arith.index_cast %add3A_268 : i32 to index
        %swap3A_287 = arith.index_cast %mul3A_280 : i32 to index
        %swap3A_288 = tpu.vector_load %arg6[%swap3A, %swap3A_287] {strides = array<i32>} : memref<32x1024xf32, #tpu.memory_space<vmem>>, vector<1x16xf32>,
        %swap3A_289 = vector.shape_cast %swap3A_288 : vector<1x16xf32> to vector<16xf32>
        %swap3A_290 = vector.shape_cast %mul3A_286 : vector<16xf32> to vector<1x16xf32>
        tpu.vector_store %arg6[%swap3A, %swap3A_287], %swap3A_290 {strides = array<i32>} : memref<32x1024xf32, #tpu.memory_space<vmem>>, vector<1x16xf32>,
        %scan3A_291 = arith.constant 1 : i32
        %scan3A_292 = arith.addi %scan3A_274, %scan3A_291 : i32
        %mul3A_293 = arith.constant 1 : i32
        %mul3A_294 = arith.muli %scan3A_292, %mul3A_293 : i32
        %add3A_295 = arith.constant 0 : i32
        %add3A_296 = arith.addi %add3A_295, %mul3A_294 : i32
        %mul3A_297 = arith.constant 16 : i32
        %mul3A_298 = arith.muli %add3A_296, %mul3A_297 : i32
        %get3A_299 = arith.index_cast %add3A_268 : i32 to index
        %get3A_300 = arith.index_cast %mul3A_298 : i32 to index
        %get3A_301 = tpu.vector_load %arg6[%get3A_299, %get3A_300] {strides = array<i32>} : memref<32x1024xf32, #tpu.memory_space<vmem>>, vector<1x16xf32>,
        %get3A_302 = vector.shape_cast %get3A_301 : vector<1x16xf32> to vector<16xf32>
        %mul3A_303 = arith.constant 3.200000e+01 : f32
        %mul3A_304 = vector.broadcast %mul3A_303 : f32 to vector<16xf32>
        %mul3A_305 = arith.mulf %get3A_302, %mul3A_304 : vector<16xf32>
        %swap3A_306 = arith.index_cast %add3A_268 : i32 to index
        %swap3A_307 = arith.index_cast %mul3A_298 : i32 to index
        %swap3A_308 = tpu.vector_load %arg6[%swap3A_306, %swap3A_307] {strides = array<i32>} : memref<32x1024xf32, #tpu.memory_space<vmem>>, vector<1x16xf32>,
        %swap3A_309 = vector.shape_cast %swap3A_308 : vector<1x16xf32> to vector<16xf32>
        %swap3A_310 = vector.shape_cast %mul3A_305 : vector<16xf32> to vector<1x16xf32>
        tpu.vector_store %arg6[%swap3A_306, %swap3A_307], %swap3A_310 {strides = array<i32>} : memref<32x1024xf32, #tpu.memory_space<vmem>>, vector<1x16xf32>,
        %scan3A_311 = arith.constant 2 : i32
        %scan3A_312 = arith.addi %scan3A_274, %scan3A_311 : i32
        %mul3A_313 = arith.constant 1 : i32
        %mul3A_314 = arith.muli %scan3A_312, %mul3A_313 : i32
        %add3A_315 = arith.constant 0 : i32
        %add3A_316 = arith.addi %add3A_315, %mul3A_314 : i32
        %mul3A_317 = arith.constant 16 : i32
        %mul3A_318 = arith.muli %add3A_316, %mul3A_317 : i32
        %get3A_319 = arith.index_cast %add3A_268 : i32 to index
        %get3A_320 = arith.index_cast %mul3A_318 : i32 to index
        %get3A_321 = tpu.vector_load %arg6[%get3A_319, %get3A_320] {strides = array<i32>} : memref<32x1024xf32, #tpu.memory_space<vmem>>, vector<1x16xf32>,
        %get3A_322 = vector.shape_cast %get3A_321 : vector<1x16xf32> to vector<16xf32>
        %mul3A_323 = arith.constant 3.200000e+01 : f32
        %mul3A_324 = vector.broadcast %mul3A_323 : f32 to vector<16xf32>
        %mul3A_325 = arith.mulf %get3A_322, %mul3A_324 : vector<16xf32>
        %swap3A_326 = arith.index_cast %add3A_268 : i32 to index
        %swap3A_327 = arith.index_cast %mul3A_318 : i32 to index
        %swap3A_328 = tpu.vector_load %arg6[%swap3A_326, %swap3A_327] {strides = array<i32>} : memref<32x1024xf32, #tpu.memory_space<vmem>>, vector<1x16xf32>,
        %swap3A_329 = vector.shape_cast %swap3A_328 : vector<1x16xf32> to vector<16xf32>
        %swap3A_330 = vector.shape_cast %mul3A_325 : vector<16xf32> to vector<1x16xf32>
        tpu.vector_store %arg6[%swap3A_326, %swap3A_327], %swap3A_330 {strides = array<i32>} : memref<32x1024xf32, #tpu.memory_space<vmem>>, vector<1x16xf32>,
        %scan3A_331 = arith.constant 3 : i32
        %scan3A_332 = arith.addi %scan3A_274, %scan3A_331 : i32
        %mul3A_333 = arith.constant 1 : i32
        %mul3A_334 = arith.muli %scan3A_332, %mul3A_333 : i32
        %add3A_335 = arith.constant 0 : i32
        %add3A_336 = arith.addi %add3A_335, %mul3A_334 : i32
        %mul3A_337 = arith.constant 16 : i32
        %mul3A_338 = arith.muli %add3A_336, %mul3A_337 : i32
        %get3A_339 = arith.index_cast %add3A_268 : i32 to index
        %get3A_340 = arith.index_cast %mul3A_338 : i32 to index
        %get3A_341 = tpu.vector_load %arg6[%get3A_339, %get3A_340] {strides = array<i32>} : memref<32x1024xf32, #tpu.memory_space<vmem>>, vector<1x16xf32>,
        %get3A_342 = vector.shape_cast %get3A_341 : vector<1x16xf32> to vector<16xf32>
        %mul3A_343 = arith.constant 3.200000e+01 : f32
        %mul3A_344 = vector.broadcast %mul3A_343 : f32 to vector<16xf32>
        %mul3A_345 = arith.mulf %get3A_342, %mul3A_344 : vector<16xf32>
        %swap3A_346 = arith.index_cast %add3A_268 : i32 to index
        %swap3A_347 = arith.index_cast %mul3A_338 : i32 to index
        %swap3A_348 = tpu.vector_load %arg6[%swap3A_346, %swap3A_347] {strides = array<i32>} : memref<32x1024xf32, #tpu.memory_space<vmem>>, vector<1x16xf32>,
        %swap3A_349 = vector.shape_cast %swap3A_348 : vector<1x16xf32> to vector<16xf32>
        %swap3A_350 = vector.shape_cast %mul3A_345 : vector<16xf32> to vector<1x16xf32>
        tpu.vector_store %arg6[%swap3A_346, %swap3A_347], %swap3A_350 {strides = array<i32>} : memref<32x1024xf32, #tpu.memory_space<vmem>>, vector<1x16xf32>,
        %scan3A_351 = arith.constant 4 : i32
        %scan3A_352 = arith.addi %scan3A_274, %scan3A_351 : i32
        %mul3A_353 = arith.constant 1 : i32
        %mul3A_354 = arith.muli %scan3A_352, %mul3A_353 : i32
        %add3A_355 = arith.constant 0 : i32
        %add3A_356 = arith.addi %add3A_355, %mul3A_354 : i32
        %mul3A_357 = arith.constant 16 : i32
        %mul3A_358 = arith.muli %add3A_356, %mul3A_357 : i32
        %get3A_359 = arith.index_cast %add3A_268 : i32 to index
        %get3A_360 = arith.index_cast %mul3A_358 : i32 to index
        %get3A_361 = tpu.vector_load %arg6[%get3A_359, %get3A_360] {strides = array<i32>} : memref<32x1024xf32, #tpu.memory_space<vmem>>, vector<1x16xf32>,
        %get3A_362 = vector.shape_cast %get3A_361 : vector<1x16xf32> to vector<16xf32>
        %mul3A_363 = arith.constant 3.200000e+01 : f32
        %mul3A_364 = vector.broadcast %mul3A_363 : f32 to vector<16xf32>
        %mul3A_365 = arith.mulf %get3A_362, %mul3A_364 : vector<16xf32>
        %swap3A_366 = arith.index_cast %add3A_268 : i32 to index
        %swap3A_367 = arith.index_cast %mul3A_358 : i32 to index
        %swap3A_368 = tpu.vector_load %arg6[%swap3A_366, %swap3A_367] {strides = array<i32>} : memref<32x1024xf32, #tpu.memory_space<vmem>>, vector<1x16xf32>,
        %swap3A_369 = vector.shape_cast %swap3A_368 : vector<1x16xf32> to vector<16xf32>
        %swap3A_370 = vector.shape_cast %mul3A_365 : vector<16xf32> to vector<1x16xf32>
        tpu.vector_store %arg6[%swap3A_366, %swap3A_367], %swap3A_370 {strides = array<i32>} : memref<32x1024xf32, #tpu.memory_space<vmem>>, vector<1x16xf32>,
        %scan3A_371 = arith.constant 5 : i32
        %scan3A_372 = arith.addi %scan3A_274, %scan3A_371 : i32
        %mul3A_373 = arith.constant 1 : i32
        %mul3A_374 = arith.muli %scan3A_372, %mul3A_373 : i32
        %add3A_375 = arith.constant 0 : i32
        %add3A_376 = arith.addi %add3A_375, %mul3A_374 : i32
        %mul3A_377 = arith.constant 16 : i32
        %mul3A_378 = arith.muli %add3A_376, %mul3A_377 : i32
        %get3A_379 = arith.index_cast %add3A_268 : i32 to index
        %get3A_380 = arith.index_cast %mul3A_378 : i32 to index
        %get3A_381 = tpu.vector_load %arg6[%get3A_379, %get3A_380] {strides = array<i32>} : memref<32x1024xf32, #tpu.memory_space<vmem>>, vector<1x16xf32>,
        %get3A_382 = vector.shape_cast %get3A_381 : vector<1x16xf32> to vector<16xf32>
        %mul3A_383 = arith.constant 3.200000e+01 : f32
        %mul3A_384 = vector.broadcast %mul3A_383 : f32 to vector<16xf32>
        %mul3A_385 = arith.mulf %get3A_382, %mul3A_384 : vector<16xf32>
        %swap3A_386 = arith.index_cast %add3A_268 : i32 to index
        %swap3A_387 = arith.index_cast %mul3A_378 : i32 to index
        %swap3A_388 = tpu.vector_load %arg6[%swap3A_386, %swap3A_387] {strides = array<i32>} : memref<32x1024xf32, #tpu.memory_space<vmem>>, vector<1x16xf32>,
        %swap3A_389 = vector.shape_cast %swap3A_388 : vector<1x16xf32> to vector<16xf32>
        %swap3A_390 = vector.shape_cast %mul3A_385 : vector<16xf32> to vector<1x16xf32>
        tpu.vector_store %arg6[%swap3A_386, %swap3A_387], %swap3A_390 {strides = array<i32>} : memref<32x1024xf32, #tpu.memory_space<vmem>>, vector<1x16xf32>,
        %scan3A_391 = arith.constant 6 : i32
        %scan3A_392 = arith.addi %scan3A_274, %scan3A_391 : i32
        %mul3A_393 = arith.constant 1 : i32
        %mul3A_394 = arith.muli %scan3A_392, %mul3A_393 : i32
        %add3A_395 = arith.constant 0 : i32
        %add3A_396 = arith.addi %add3A_395, %mul3A_394 : i32
        %mul3A_397 = arith.constant 16 : i32
        %mul3A_398 = arith.muli %add3A_396, %mul3A_397 : i32
        %get3A_399 = arith.index_cast %add3A_268 : i32 to index
        %get3A_400 = arith.index_cast %mul3A_398 : i32 to index
        %get3A_401 = tpu.vector_load %arg6[%get3A_399, %get3A_400] {strides = array<i32>} : memref<32x1024xf32, #tpu.memory_space<vmem>>, vector<1x16xf32>,
        %get3A_402 = vector.shape_cast %get3A_401 : vector<1x16xf32> to vector<16xf32>
        %mul3A_403 = arith.constant 3.200000e+01 : f32
        %mul3A_404 = vector.broadcast %mul3A_403 : f32 to vector<16xf32>
        %mul3A_405 = arith.mulf %get3A_402, %mul3A_404 : vector<16xf32>
        %swap3A_406 = arith.index_cast %add3A_268 : i32 to index
        %swap3A_407 = arith.index_cast %mul3A_398 : i32 to index
        %swap3A_408 = tpu.vector_load %arg6[%swap3A_406, %swap3A_407] {strides = array<i32>} : memref<32x1024xf32, #tpu.memory_space<vmem>>, vector<1x16xf32>,
        %swap3A_409 = vector.shape_cast %swap3A_408 : vector<1x16xf32> to vector<16xf32>
        %swap3A_410 = vector.shape_cast %mul3A_405 : vector<16xf32> to vector<1x16xf32>
        tpu.vector_store %arg6[%swap3A_406, %swap3A_407], %swap3A_410 {strides = array<i32>} : memref<32x1024xf32, #tpu.memory_space<vmem>>, vector<1x16xf32>,
        %scan3A_411 = arith.constant 7 : i32
        %scan3A_412 = arith.addi %scan3A_274, %scan3A_411 : i32
        %mul3A_413 = arith.constant 1 : i32
        %mul3A_414 = arith.muli %scan3A_412, %mul3A_413 : i32
        %add3A_415 = arith.constant 0 : i32
        %add3A_416 = arith.addi %add3A_415, %mul3A_414 : i32
        %mul3A_417 = arith.constant 16 : i32
        %mul3A_418 = arith.muli %add3A_416, %mul3A_417 : i32
        %get3A_419 = arith.index_cast %add3A_268 : i32 to index
        %get3A_420 = arith.index_cast %mul3A_418 : i32 to index
        %get3A_421 = tpu.vector_load %arg6[%get3A_419, %get3A_420] {strides = array<i32>} : memref<32x1024xf32, #tpu.memory_space<vmem>>, vector<1x16xf32>,
        %get3A_422 = vector.shape_cast %get3A_421 : vector<1x16xf32> to vector<16xf32>
        %mul3A_423 = arith.constant 3.200000e+01 : f32
        %mul3A_424 = vector.broadcast %mul3A_423 : f32 to vector<16xf32>
        %mul3A_425 = arith.mulf %get3A_422, %mul3A_424 : vector<16xf32>
        %swap3A_426 = arith.index_cast %add3A_268 : i32 to index
        %swap3A_427 = arith.index_cast %mul3A_418 : i32 to index
        %swap3A_428 = tpu.vector_load %arg6[%swap3A_426, %swap3A_427] {strides = array<i32>} : memref<32x1024xf32, #tpu.memory_space<vmem>>, vector<1x16xf32>,
        %swap3A_429 = vector.shape_cast %swap3A_428 : vector<1x16xf32> to vector<16xf32>
        %swap3A_430 = vector.shape_cast %mul3A_425 : vector<16xf32> to vector<1x16xf32>
        tpu.vector_store %arg6[%swap3A_426, %swap3A_427], %swap3A_430 {strides = array<i32>} : memref<32x1024xf32, #tpu.memory_space<vmem>>, vector<1x16xf32>,
      }
      %scan3A_273 = arith.constant 64 : i32
    }
    %scan3A_51 = arith.constant 32 : i32
    %add3A_52 = arith.constant 0 : i32
    %add3A_53 = arith.addi %mul3A_32, %add3A_52 : i32
    %dma_start3A_54 = arith.constant 0 : i32
    %dma_start3A_55 = tpu.memref_slice %arg4[%select_n3A, %add3A_53, %dma_start3A_54] : memref<4x2048x1024xf32, #tpu.memory_space<hbm>> -> memref<1x32x1024xf32, #tpu.memory_space<hbm>>
    %dma_start3A_56 = tpu.memref_squeeze %dma_start3A_55 : memref<1x32x1024xf32, #tpu.memory_space<hbm>> -> memref<32x1024xf32, #tpu.memory_space<hbm>>
    %dma_start3A_57 = arith.constant 0 : i32
    %dma_start3A_58 = tpu.memref_slice %arg4[%select_n3A, %add3A_53, %dma_start3A_57] : memref<4x2048x1024xf32, #tpu.memory_space<hbm>> -> memref<1x32x1024xf32, #tpu.memory_space<hbm>>
    %dma_start3A_59 = tpu.memref_squeeze %dma_start3A_58 : memref<1x32x1024xf32, #tpu.memory_space<hbm>> -> memref<32x1024xf32, #tpu.memory_space<hbm>>
    tpu.enqueue_dma source(%arg6 : memref<32x1024xf32, #tpu.memory_space<vmem>>) target(%dma_start3A_59 : memref<32x1024xf32, #tpu.memory_space<hbm>>) target_semaphore(%arg10 : memref<!tpu.dma_semaphore, #tpu.memory_space<semaphore_mem>>)
    %dma_wait3A_60 = arith.constant 32 : i32
    %dma_wait3A_61 = tpu.memref_slice %arg5[%dma_wait3A_60] : memref<256xi32, #tpu.memory_space<vmem>> -> memref<32xi32, #tpu.memory_space<vmem>>
    %dma_wait3A_62 = arith.constant 0 : i32
    %dma_wait3A_63 = arith.constant 0 : i32
    %dma_wait3A_64 = tpu.memref_slice %arg3[%dma_wait3A_62, %dma_wait3A_63] : memref<100000x1024xf32, #tpu.memory_space<hbm>> -> memref<100000x1024xf32, #tpu.memory_space<hbm>>
    tpu.wait_indirect_dma semaphore(%arg9 : memref<!tpu.dma_semaphore, #tpu.memory_space<semaphore_mem>>) src(%dma_wait3A_64 : memref<100000x1024xf32, #tpu.memory_space<hbm>>) dst(%arg7 : memref<32x1024xf32, #tpu.memory_space<vmem>>)
    %dma_wait3A_65 = arith.constant 0 : i32
    %dma_wait3A_66 = tpu.memref_slice %arg4[%select_n3A, %add3A_53, %dma_wait3A_65] : memref<4x2048x1024xf32, #tpu.memory_space<hbm>> -> memref<1x32x1024xf32, #tpu.memory_space<hbm>>
    %dma_wait3A_67 = tpu.memref_squeeze %dma_wait3A_66 : memref<1x32x1024xf32, #tpu.memory_space<hbm>> -> memref<32x1024xf32, #tpu.memory_space<hbm>>
    %dma_wait3A_68 = arith.constant 0 : i32
    %dma_wait3A_69 = tpu.memref_slice %arg4[%select_n3A, %add3A_53, %dma_wait3A_68] : memref<4x2048x1024xf32, #tpu.memory_space<hbm>> -> memref<1x32x1024xf32, #tpu.memory_space<hbm>>
    %dma_wait3A_70 = tpu.memref_squeeze %dma_wait3A_69 : memref<1x32x1024xf32, #tpu.memory_space<hbm>> -> memref<32x1024xf32, #tpu.memory_space<hbm>>
    tpu.wait_dma2 semaphore(%arg10 : memref<!tpu.dma_semaphore, #tpu.memory_space<semaphore_mem>>) src(%arg6 : memref<32x1024xf32, #tpu.memory_space<vmem>>) dst(%dma_wait3A_70 : memref<32x1024xf32, #tpu.memory_space<hbm>>)
    %dma_start3A_71 = arith.constant 64 : i32
    %dma_start3A_72 = tpu.memref_slice %arg5[%dma_start3A_71] : memref<256xi32, #tpu.memory_space<vmem>> -> memref<32xi32, #tpu.memory_space<vmem>>
    %dma_start3A_73 = arith.constant 0 : i32
    %dma_start3A_74 = arith.constant 0 : i32
    %dma_start3A_75 = tpu.memref_slice %arg3[%dma_start3A_73, %dma_start3A_74] : memref<100000x1024xf32, #tpu.memory_space<hbm>> -> memref<100000x1024xf32, #tpu.memory_space<hbm>>
    tpu.enqueue_indirect_dma source(%dma_start3A_75 : memref<100000x1024xf32, #tpu.memory_space<hbm>>) target(%arg6 : memref<32x1024xf32, #tpu.memory_space<vmem>>) offsets(%dma_start3A_72 : memref<32xi32, #tpu.memory_space<vmem>>) semaphore(%arg8 : memref<!tpu.dma_semaphore, #tpu.memory_space<semaphore_mem>>)
    %scan3A_76 = arith.constant 0 : i32
    %scan3A_77 = arith.constant 32 : i32
    %scan3A_78 = arith.addi %scan3A_76, %scan3A_77 : i32
    %scan3A_79 = arith.constant 1 : i32
    scf.for %scan3A_264 = %scan3A_76 to %scan3A_78 step %scan3A_79  : i32 {
      %mul3A_265 = arith.constant 1 : i32
      %mul3A_266 = arith.muli %scan3A_264, %mul3A_265 : i32
      %add3A_267 = arith.constant 0 : i32
      %add3A_268 = arith.addi %add3A_267, %mul3A_266 : i32
      %scan3A_269 = arith.constant 0 : i32
      %scan3A_270 = arith.constant 64 : i32
      %scan3A_271 = arith.addi %scan3A_269, %scan3A_270 : i32
      %scan3A_272 = arith.constant 8 : i32
      scf.for %scan3A_274 = %scan3A_269 to %scan3A_271 step %scan3A_272  : i32 {
        %mul3A_275 = arith.constant 1 : i32
        %mul3A_276 = arith.muli %scan3A_274, %mul3A_275 : i32
        %add3A_277 = arith.constant 0 : i32
        %add3A_278 = arith.addi %add3A_277, %mul3A_276 : i32
        %mul3A_279 = arith.constant 16 : i32
        %mul3A_280 = arith.muli %add3A_278, %mul3A_279 : i32
        %get3A = arith.index_cast %add3A_268 : i32 to index
        %get3A_281 = arith.index_cast %mul3A_280 : i32 to index
        %get3A_282 = tpu.vector_load %arg7[%get3A, %get3A_281] {strides = array<i32>} : memref<32x1024xf32, #tpu.memory_space<vmem>>, vector<1x16xf32>,
        %get3A_283 = vector.shape_cast %get3A_282 : vector<1x16xf32> to vector<16xf32>
        %mul3A_284 = arith.constant 3.200000e+01 : f32
        %mul3A_285 = vector.broadcast %mul3A_284 : f32 to vector<16xf32>
        %mul3A_286 = arith.mulf %get3A_283, %mul3A_285 : vector<16xf32>
        %swap3A = arith.index_cast %add3A_268 : i32 to index
        %swap3A_287 = arith.index_cast %mul3A_280 : i32 to index
        %swap3A_288 = tpu.vector_load %arg7[%swap3A, %swap3A_287] {strides = array<i32>} : memref<32x1024xf32, #tpu.memory_space<vmem>>, vector<1x16xf32>,
        %swap3A_289 = vector.shape_cast %swap3A_288 : vector<1x16xf32> to vector<16xf32>
        %swap3A_290 = vector.shape_cast %mul3A_286 : vector<16xf32> to vector<1x16xf32>
        tpu.vector_store %arg7[%swap3A, %swap3A_287], %swap3A_290 {strides = array<i32>} : memref<32x1024xf32, #tpu.memory_space<vmem>>, vector<1x16xf32>,
        %scan3A_291 = arith.constant 1 : i32
        %scan3A_292 = arith.addi %scan3A_274, %scan3A_291 : i32
        %mul3A_293 = arith.constant 1 : i32
        %mul3A_294 = arith.muli %scan3A_292, %mul3A_293 : i32
        %add3A_295 = arith.constant 0 : i32
        %add3A_296 = arith.addi %add3A_295, %mul3A_294 : i32
        %mul3A_297 = arith.constant 16 : i32
        %mul3A_298 = arith.muli %add3A_296, %mul3A_297 : i32
        %get3A_299 = arith.index_cast %add3A_268 : i32 to index
        %get3A_300 = arith.index_cast %mul3A_298 : i32 to index
        %get3A_301 = tpu.vector_load %arg7[%get3A_299, %get3A_300] {strides = array<i32>} : memref<32x1024xf32, #tpu.memory_space<vmem>>, vector<1x16xf32>,
        %get3A_302 = vector.shape_cast %get3A_301 : vector<1x16xf32> to vector<16xf32>
        %mul3A_303 = arith.constant 3.200000e+01 : f32
        %mul3A_304 = vector.broadcast %mul3A_303 : f32 to vector<16xf32>
        %mul3A_305 = arith.mulf %get3A_302, %mul3A_304 : vector<16xf32>
        %swap3A_306 = arith.index_cast %add3A_268 : i32 to index
        %swap3A_307 = arith.index_cast %mul3A_298 : i32 to index
        %swap3A_308 = tpu.vector_load %arg7[%swap3A_306, %swap3A_307] {strides = array<i32>} : memref<32x1024xf32, #tpu.memory_space<vmem>>, vector<1x16xf32>,
        %swap3A_309 = vector.shape_cast %swap3A_308 : vector<1x16xf32> to vector<16xf32>
        %swap3A_310 = vector.shape_cast %mul3A_305 : vector<16xf32> to vector<1x16xf32>
        tpu.vector_store %arg7[%swap3A_306, %swap3A_307], %swap3A_310 {strides = array<i32>} : memref<32x1024xf32, #tpu.memory_space<vmem>>, vector<1x16xf32>,
        %scan3A_311 = arith.constant 2 : i32
        %scan3A_312 = arith.addi %scan3A_274, %scan3A_311 : i32
        %mul3A_313 = arith.constant 1 : i32
        %mul3A_314 = arith.muli %scan3A_312, %mul3A_313 : i32
        %add3A_315 = arith.constant 0 : i32
        %add3A_316 = arith.addi %add3A_315, %mul3A_314 : i32
        %mul3A_317 = arith.constant 16 : i32
        %mul3A_318 = arith.muli %add3A_316, %mul3A_317 : i32
        %get3A_319 = arith.index_cast %add3A_268 : i32 to index
        %get3A_320 = arith.index_cast %mul3A_318 : i32 to index
        %get3A_321 = tpu.vector_load %arg7[%get3A_319, %get3A_320] {strides = array<i32>} : memref<32x1024xf32, #tpu.memory_space<vmem>>, vector<1x16xf32>,
        %get3A_322 = vector.shape_cast %get3A_321 : vector<1x16xf32> to vector<16xf32>
        %mul3A_323 = arith.constant 3.200000e+01 : f32
        %mul3A_324 = vector.broadcast %mul3A_323 : f32 to vector<16xf32>
        %mul3A_325 = arith.mulf %get3A_322, %mul3A_324 : vector<16xf32>
        %swap3A_326 = arith.index_cast %add3A_268 : i32 to index
        %swap3A_327 = arith.index_cast %mul3A_318 : i32 to index
        %swap3A_328 = tpu.vector_load %arg7[%swap3A_326, %swap3A_327] {strides = array<i32>} : memref<32x1024xf32, #tpu.memory_space<vmem>>, vector<1x16xf32>,
        %swap3A_329 = vector.shape_cast %swap3A_328 : vector<1x16xf32> to vector<16xf32>
        %swap3A_330 = vector.shape_cast %mul3A_325 : vector<16xf32> to vector<1x16xf32>
        tpu.vector_store %arg7[%swap3A_326, %swap3A_327], %swap3A_330 {strides = array<i32>} : memref<32x1024xf32, #tpu.memory_space<vmem>>, vector<1x16xf32>,
        %scan3A_331 = arith.constant 3 : i32
        %scan3A_332 = arith.addi %scan3A_274, %scan3A_331 : i32
        %mul3A_333 = arith.constant 1 : i32
        %mul3A_334 = arith.muli %scan3A_332, %mul3A_333 : i32
        %add3A_335 = arith.constant 0 : i32
        %add3A_336 = arith.addi %add3A_335, %mul3A_334 : i32
        %mul3A_337 = arith.constant 16 : i32
        %mul3A_338 = arith.muli %add3A_336, %mul3A_337 : i32
        %get3A_339 = arith.index_cast %add3A_268 : i32 to index
        %get3A_340 = arith.index_cast %mul3A_338 : i32 to index
        %get3A_341 = tpu.vector_load %arg7[%get3A_339, %get3A_340] {strides = array<i32>} : memref<32x1024xf32, #tpu.memory_space<vmem>>, vector<1x16xf32>,
        %get3A_342 = vector.shape_cast %get3A_341 : vector<1x16xf32> to vector<16xf32>
        %mul3A_343 = arith.constant 3.200000e+01 : f32
        %mul3A_344 = vector.broadcast %mul3A_343 : f32 to vector<16xf32>
        %mul3A_345 = arith.mulf %get3A_342, %mul3A_344 : vector<16xf32>
        %swap3A_346 = arith.index_cast %add3A_268 : i32 to index
        %swap3A_347 = arith.index_cast %mul3A_338 : i32 to index
        %swap3A_348 = tpu.vector_load %arg7[%swap3A_346, %swap3A_347] {strides = array<i32>} : memref<32x1024xf32, #tpu.memory_space<vmem>>, vector<1x16xf32>,
        %swap3A_349 = vector.shape_cast %swap3A_348 : vector<1x16xf32> to vector<16xf32>
        %swap3A_350 = vector.shape_cast %mul3A_345 : vector<16xf32> to vector<1x16xf32>
        tpu.vector_store %arg7[%swap3A_346, %swap3A_347], %swap3A_350 {strides = array<i32>} : memref<32x1024xf32, #tpu.memory_space<vmem>>, vector<1x16xf32>,
        %scan3A_351 = arith.constant 4 : i32
        %scan3A_352 = arith.addi %scan3A_274, %scan3A_351 : i32
        %mul3A_353 = arith.constant 1 : i32
        %mul3A_354 = arith.muli %scan3A_352, %mul3A_353 : i32
        %add3A_355 = arith.constant 0 : i32
        %add3A_356 = arith.addi %add3A_355, %mul3A_354 : i32
        %mul3A_357 = arith.constant 16 : i32
        %mul3A_358 = arith.muli %add3A_356, %mul3A_357 : i32
        %get3A_359 = arith.index_cast %add3A_268 : i32 to index
        %get3A_360 = arith.index_cast %mul3A_358 : i32 to index
        %get3A_361 = tpu.vector_load %arg7[%get3A_359, %get3A_360] {strides = array<i32>} : memref<32x1024xf32, #tpu.memory_space<vmem>>, vector<1x16xf32>,
        %get3A_362 = vector.shape_cast %get3A_361 : vector<1x16xf32> to vector<16xf32>
        %mul3A_363 = arith.constant 3.200000e+01 : f32
        %mul3A_364 = vector.broadcast %mul3A_363 : f32 to vector<16xf32>
        %mul3A_365 = arith.mulf %get3A_362, %mul3A_364 : vector<16xf32>
        %swap3A_366 = arith.index_cast %add3A_268 : i32 to index
        %swap3A_367 = arith.index_cast %mul3A_358 : i32 to index
        %swap3A_368 = tpu.vector_load %arg7[%swap3A_366, %swap3A_367] {strides = array<i32>} : memref<32x1024xf32, #tpu.memory_space<vmem>>, vector<1x16xf32>,
        %swap3A_369 = vector.shape_cast %swap3A_368 : vector<1x16xf32> to vector<16xf32>
        %swap3A_370 = vector.shape_cast %mul3A_365 : vector<16xf32> to vector<1x16xf32>
        tpu.vector_store %arg7[%swap3A_366, %swap3A_367], %swap3A_370 {strides = array<i32>} : memref<32x1024xf32, #tpu.memory_space<vmem>>, vector<1x16xf32>,
        %scan3A_371 = arith.constant 5 : i32
        %scan3A_372 = arith.addi %scan3A_274, %scan3A_371 : i32
        %mul3A_373 = arith.constant 1 : i32
        %mul3A_374 = arith.muli %scan3A_372, %mul3A_373 : i32
        %add3A_375 = arith.constant 0 : i32
        %add3A_376 = arith.addi %add3A_375, %mul3A_374 : i32
        %mul3A_377 = arith.constant 16 : i32
        %mul3A_378 = arith.muli %add3A_376, %mul3A_377 : i32
        %get3A_379 = arith.index_cast %add3A_268 : i32 to index
        %get3A_380 = arith.index_cast %mul3A_378 : i32 to index
        %get3A_381 = tpu.vector_load %arg7[%get3A_379, %get3A_380] {strides = array<i32>} : memref<32x1024xf32, #tpu.memory_space<vmem>>, vector<1x16xf32>,
        %get3A_382 = vector.shape_cast %get3A_381 : vector<1x16xf32> to vector<16xf32>
        %mul3A_383 = arith.constant 3.200000e+01 : f32
        %mul3A_384 = vector.broadcast %mul3A_383 : f32 to vector<16xf32>
        %mul3A_385 = arith.mulf %get3A_382, %mul3A_384 : vector<16xf32>
        %swap3A_386 = arith.index_cast %add3A_268 : i32 to index
        %swap3A_387 = arith.index_cast %mul3A_378 : i32 to index
        %swap3A_388 = tpu.vector_load %arg7[%swap3A_386, %swap3A_387] {strides = array<i32>} : memref<32x1024xf32, #tpu.memory_space<vmem>>, vector<1x16xf32>,
        %swap3A_389 = vector.shape_cast %swap3A_388 : vector<1x16xf32> to vector<16xf32>
        %swap3A_390 = vector.shape_cast %mul3A_385 : vector<16xf32> to vector<1x16xf32>
        tpu.vector_store %arg7[%swap3A_386, %swap3A_387], %swap3A_390 {strides = array<i32>} : memref<32x1024xf32, #tpu.memory_space<vmem>>, vector<1x16xf32>,
        %scan3A_391 = arith.constant 6 : i32
        %scan3A_392 = arith.addi %scan3A_274, %scan3A_391 : i32
        %mul3A_393 = arith.constant 1 : i32
        %mul3A_394 = arith.muli %scan3A_392, %mul3A_393 : i32
        %add3A_395 = arith.constant 0 : i32
        %add3A_396 = arith.addi %add3A_395, %mul3A_394 : i32
        %mul3A_397 = arith.constant 16 : i32
        %mul3A_398 = arith.muli %add3A_396, %mul3A_397 : i32
        %get3A_399 = arith.index_cast %add3A_268 : i32 to index
        %get3A_400 = arith.index_cast %mul3A_398 : i32 to index
        %get3A_401 = tpu.vector_load %arg7[%get3A_399, %get3A_400] {strides = array<i32>} : memref<32x1024xf32, #tpu.memory_space<vmem>>, vector<1x16xf32>,
        %get3A_402 = vector.shape_cast %get3A_401 : vector<1x16xf32> to vector<16xf32>
        %mul3A_403 = arith.constant 3.200000e+01 : f32
        %mul3A_404 = vector.broadcast %mul3A_403 : f32 to vector<16xf32>
        %mul3A_405 = arith.mulf %get3A_402, %mul3A_404 : vector<16xf32>
        %swap3A_406 = arith.index_cast %add3A_268 : i32 to index
        %swap3A_407 = arith.index_cast %mul3A_398 : i32 to index
        %swap3A_408 = tpu.vector_load %arg7[%swap3A_406, %swap3A_407] {strides = array<i32>} : memref<32x1024xf32, #tpu.memory_space<vmem>>, vector<1x16xf32>,
        %swap3A_409 = vector.shape_cast %swap3A_408 : vector<1x16xf32> to vector<16xf32>
        %swap3A_410 = vector.shape_cast %mul3A_405 : vector<16xf32> to vector<1x16xf32>
        tpu.vector_store %arg7[%swap3A_406, %swap3A_407], %swap3A_410 {strides = array<i32>} : memref<32x1024xf32, #tpu.memory_space<vmem>>, vector<1x16xf32>,
        %scan3A_411 = arith.constant 7 : i32
        %scan3A_412 = arith.addi %scan3A_274, %scan3A_411 : i32
        %mul3A_413 = arith.constant 1 : i32
        %mul3A_414 = arith.muli %scan3A_412, %mul3A_413 : i32
        %add3A_415 = arith.constant 0 : i32
        %add3A_416 = arith.addi %add3A_415, %mul3A_414 : i32
        %mul3A_417 = arith.constant 16 : i32
        %mul3A_418 = arith.muli %add3A_416, %mul3A_417 : i32
        %get3A_419 = arith.index_cast %add3A_268 : i32 to index
        %get3A_420 = arith.index_cast %mul3A_418 : i32 to index
        %get3A_421 = tpu.vector_load %arg7[%get3A_419, %get3A_420] {strides = array<i32>} : memref<32x1024xf32, #tpu.memory_space<vmem>>, vector<1x16xf32>,
        %get3A_422 = vector.shape_cast %get3A_421 : vector<1x16xf32> to vector<16xf32>
        %mul3A_423 = arith.constant 3.200000e+01 : f32
        %mul3A_424 = vector.broadcast %mul3A_423 : f32 to vector<16xf32>
        %mul3A_425 = arith.mulf %get3A_422, %mul3A_424 : vector<16xf32>
        %swap3A_426 = arith.index_cast %add3A_268 : i32 to index
        %swap3A_427 = arith.index_cast %mul3A_418 : i32 to index
        %swap3A_428 = tpu.vector_load %arg7[%swap3A_426, %swap3A_427] {strides = array<i32>} : memref<32x1024xf32, #tpu.memory_space<vmem>>, vector<1x16xf32>,
        %swap3A_429 = vector.shape_cast %swap3A_428 : vector<1x16xf32> to vector<16xf32>
        %swap3A_430 = vector.shape_cast %mul3A_425 : vector<16xf32> to vector<1x16xf32>
        tpu.vector_store %arg7[%swap3A_426, %swap3A_427], %swap3A_430 {strides = array<i32>} : memref<32x1024xf32, #tpu.memory_space<vmem>>, vector<1x16xf32>,
      }
      %scan3A_273 = arith.constant 64 : i32
    }
    %scan3A_80 = arith.constant 32 : i32
    %add3A_81 = arith.constant 32 : i32
    %add3A_82 = arith.addi %mul3A_32, %add3A_81 : i32
    %dma_start3A_83 = arith.constant 0 : i32
    %dma_start3A_84 = tpu.memref_slice %arg4[%select_n3A, %add3A_82, %dma_start3A_83] : memref<4x2048x1024xf32, #tpu.memory_space<hbm>> -> memref<1x32x1024xf32, #tpu.memory_space<hbm>>
    %dma_start3A_85 = tpu.memref_squeeze %dma_start3A_84 : memref<1x32x1024xf32, #tpu.memory_space<hbm>> -> memref<32x1024xf32, #tpu.memory_space<hbm>>
    %dma_start3A_86 = arith.constant 0 : i32
    %dma_start3A_87 = tpu.memref_slice %arg4[%select_n3A, %add3A_82, %dma_start3A_86] : memref<4x2048x1024xf32, #tpu.memory_space<hbm>> -> memref<1x32x1024xf32, #tpu.memory_space<hbm>>
    %dma_start3A_88 = tpu.memref_squeeze %dma_start3A_87 : memref<1x32x1024xf32, #tpu.memory_space<hbm>> -> memref<32x1024xf32, #tpu.memory_space<hbm>>
    tpu.enqueue_dma source(%arg7 : memref<32x1024xf32, #tpu.memory_space<vmem>>) target(%dma_start3A_88 : memref<32x1024xf32, #tpu.memory_space<hbm>>) target_semaphore(%arg11 : memref<!tpu.dma_semaphore, #tpu.memory_space<semaphore_mem>>)
    %dma_wait3A_89 = arith.constant 64 : i32
    %dma_wait3A_90 = tpu.memref_slice %arg5[%dma_wait3A_89] : memref<256xi32, #tpu.memory_space<vmem>> -> memref<32xi32, #tpu.memory_space<vmem>>
    %dma_wait3A_91 = arith.constant 0 : i32
    %dma_wait3A_92 = arith.constant 0 : i32
    %dma_wait3A_93 = tpu.memref_slice %arg3[%dma_wait3A_91, %dma_wait3A_92] : memref<100000x1024xf32, #tpu.memory_space<hbm>> -> memref<100000x1024xf32, #tpu.memory_space<hbm>>
    tpu.wait_indirect_dma semaphore(%arg8 : memref<!tpu.dma_semaphore, #tpu.memory_space<semaphore_mem>>) src(%dma_wait3A_93 : memref<100000x1024xf32, #tpu.memory_space<hbm>>) dst(%arg6 : memref<32x1024xf32, #tpu.memory_space<vmem>>)
    %dma_wait3A_94 = arith.constant 0 : i32
    %dma_wait3A_95 = tpu.memref_slice %arg4[%select_n3A, %add3A_82, %dma_wait3A_94] : memref<4x2048x1024xf32, #tpu.memory_space<hbm>> -> memref<1x32x1024xf32, #tpu.memory_space<hbm>>
    %dma_wait3A_96 = tpu.memref_squeeze %dma_wait3A_95 : memref<1x32x1024xf32, #tpu.memory_space<hbm>> -> memref<32x1024xf32, #tpu.memory_space<hbm>>
    %dma_wait3A_97 = arith.constant 0 : i32
    %dma_wait3A_98 = tpu.memref_slice %arg4[%select_n3A, %add3A_82, %dma_wait3A_97] : memref<4x2048x1024xf32, #tpu.memory_space<hbm>> -> memref<1x32x1024xf32, #tpu.memory_space<hbm>>
    %dma_wait3A_99 = tpu.memref_squeeze %dma_wait3A_98 : memref<1x32x1024xf32, #tpu.memory_space<hbm>> -> memref<32x1024xf32, #tpu.memory_space<hbm>>
    tpu.wait_dma2 semaphore(%arg11 : memref<!tpu.dma_semaphore, #tpu.memory_space<semaphore_mem>>) src(%arg7 : memref<32x1024xf32, #tpu.memory_space<vmem>>) dst(%dma_wait3A_99 : memref<32x1024xf32, #tpu.memory_space<hbm>>)
    %dma_start3A_100 = arith.constant 96 : i32
    %dma_start3A_101 = tpu.memref_slice %arg5[%dma_start3A_100] : memref<256xi32, #tpu.memory_space<vmem>> -> memref<32xi32, #tpu.memory_space<vmem>>
    %dma_start3A_102 = arith.constant 0 : i32
    %dma_start3A_103 = arith.constant 0 : i32
    %dma_start3A_104 = tpu.memref_slice %arg3[%dma_start3A_102, %dma_start3A_103] : memref<100000x1024xf32, #tpu.memory_space<hbm>> -> memref<100000x1024xf32, #tpu.memory_space<hbm>>
    tpu.enqueue_indirect_dma source(%dma_start3A_104 : memref<100000x1024xf32, #tpu.memory_space<hbm>>) target(%arg7 : memref<32x1024xf32, #tpu.memory_space<vmem>>) offsets(%dma_start3A_101 : memref<32xi32, #tpu.memory_space<vmem>>) semaphore(%arg9 : memref<!tpu.dma_semaphore, #tpu.memory_space<semaphore_mem>>)
    %scan3A_105 = arith.constant 0 : i32
    %scan3A_106 = arith.constant 32 : i32
    %scan3A_107 = arith.addi %scan3A_105, %scan3A_106 : i32
    %scan3A_108 = arith.constant 1 : i32
    scf.for %scan3A_264 = %scan3A_105 to %scan3A_107 step %scan3A_108  : i32 {
      %mul3A_265 = arith.constant 1 : i32
      %mul3A_266 = arith.muli %scan3A_264, %mul3A_265 : i32
      %add3A_267 = arith.constant 0 : i32
      %add3A_268 = arith.addi %add3A_267, %mul3A_266 : i32
      %scan3A_269 = arith.constant 0 : i32
      %scan3A_270 = arith.constant 64 : i32
      %scan3A_271 = arith.addi %scan3A_269, %scan3A_270 : i32
      %scan3A_272 = arith.constant 8 : i32
      scf.for %scan3A_274 = %scan3A_269 to %scan3A_271 step %scan3A_272  : i32 {
        %mul3A_275 = arith.constant 1 : i32
        %mul3A_276 = arith.muli %scan3A_274, %mul3A_275 : i32
        %add3A_277 = arith.constant 0 : i32
        %add3A_278 = arith.addi %add3A_277, %mul3A_276 : i32
        %mul3A_279 = arith.constant 16 : i32
        %mul3A_280 = arith.muli %add3A_278, %mul3A_279 : i32
        %get3A = arith.index_cast %add3A_268 : i32 to index
        %get3A_281 = arith.index_cast %mul3A_280 : i32 to index
        %get3A_282 = tpu.vector_load %arg6[%get3A, %get3A_281] {strides = array<i32>} : memref<32x1024xf32, #tpu.memory_space<vmem>>, vector<1x16xf32>,
        %get3A_283 = vector.shape_cast %get3A_282 : vector<1x16xf32> to vector<16xf32>
        %mul3A_284 = arith.constant 3.200000e+01 : f32
        %mul3A_285 = vector.broadcast %mul3A_284 : f32 to vector<16xf32>
        %mul3A_286 = arith.mulf %get3A_283, %mul3A_285 : vector<16xf32>
        %swap3A = arith.index_cast %add3A_268 : i32 to index
        %swap3A_287 = arith.index_cast %mul3A_280 : i32 to index
        %swap3A_288 = tpu.vector_load %arg6[%swap3A, %swap3A_287] {strides = array<i32>} : memref<32x1024xf32, #tpu.memory_space<vmem>>, vector<1x16xf32>,
        %swap3A_289 = vector.shape_cast %swap3A_288 : vector<1x16xf32> to vector<16xf32>
        %swap3A_290 = vector.shape_cast %mul3A_286 : vector<16xf32> to vector<1x16xf32>
        tpu.vector_store %arg6[%swap3A, %swap3A_287], %swap3A_290 {strides = array<i32>} : memref<32x1024xf32, #tpu.memory_space<vmem>>, vector<1x16xf32>,
        %scan3A_291 = arith.constant 1 : i32
        %scan3A_292 = arith.addi %scan3A_274, %scan3A_291 : i32
        %mul3A_293 = arith.constant 1 : i32
        %mul3A_294 = arith.muli %scan3A_292, %mul3A_293 : i32
        %add3A_295 = arith.constant 0 : i32
        %add3A_296 = arith.addi %add3A_295, %mul3A_294 : i32
        %mul3A_297 = arith.constant 16 : i32
        %mul3A_298 = arith.muli %add3A_296, %mul3A_297 : i32
        %get3A_299 = arith.index_cast %add3A_268 : i32 to index
        %get3A_300 = arith.index_cast %mul3A_298 : i32 to index
        %get3A_301 = tpu.vector_load %arg6[%get3A_299, %get3A_300] {strides = array<i32>} : memref<32x1024xf32, #tpu.memory_space<vmem>>, vector<1x16xf32>,
        %get3A_302 = vector.shape_cast %get3A_301 : vector<1x16xf32> to vector<16xf32>
        %mul3A_303 = arith.constant 3.200000e+01 : f32
        %mul3A_304 = vector.broadcast %mul3A_303 : f32 to vector<16xf32>
        %mul3A_305 = arith.mulf %get3A_302, %mul3A_304 : vector<16xf32>
        %swap3A_306 = arith.index_cast %add3A_268 : i32 to index
        %swap3A_307 = arith.index_cast %mul3A_298 : i32 to index
        %swap3A_308 = tpu.vector_load %arg6[%swap3A_306, %swap3A_307] {strides = array<i32>} : memref<32x1024xf32, #tpu.memory_space<vmem>>, vector<1x16xf32>,
        %swap3A_309 = vector.shape_cast %swap3A_308 : vector<1x16xf32> to vector<16xf32>
        %swap3A_310 = vector.shape_cast %mul3A_305 : vector<16xf32> to vector<1x16xf32>
        tpu.vector_store %arg6[%swap3A_306, %swap3A_307], %swap3A_310 {strides = array<i32>} : memref<32x1024xf32, #tpu.memory_space<vmem>>, vector<1x16xf32>,
        %scan3A_311 = arith.constant 2 : i32
        %scan3A_312 = arith.addi %scan3A_274, %scan3A_311 : i32
        %mul3A_313 = arith.constant 1 : i32
        %mul3A_314 = arith.muli %scan3A_312, %mul3A_313 : i32
        %add3A_315 = arith.constant 0 : i32
        %add3A_316 = arith.addi %add3A_315, %mul3A_314 : i32
        %mul3A_317 = arith.constant 16 : i32
        %mul3A_318 = arith.muli %add3A_316, %mul3A_317 : i32
        %get3A_319 = arith.index_cast %add3A_268 : i32 to index
        %get3A_320 = arith.index_cast %mul3A_318 : i32 to index
        %get3A_321 = tpu.vector_load %arg6[%get3A_319, %get3A_320] {strides = array<i32>} : memref<32x1024xf32, #tpu.memory_space<vmem>>, vector<1x16xf32>,
        %get3A_322 = vector.shape_cast %get3A_321 : vector<1x16xf32> to vector<16xf32>
        %mul3A_323 = arith.constant 3.200000e+01 : f32
        %mul3A_324 = vector.broadcast %mul3A_323 : f32 to vector<16xf32>
        %mul3A_325 = arith.mulf %get3A_322, %mul3A_324 : vector<16xf32>
        %swap3A_326 = arith.index_cast %add3A_268 : i32 to index
        %swap3A_327 = arith.index_cast %mul3A_318 : i32 to index
        %swap3A_328 = tpu.vector_load %arg6[%swap3A_326, %swap3A_327] {strides = array<i32>} : memref<32x1024xf32, #tpu.memory_space<vmem>>, vector<1x16xf32>,
        %swap3A_329 = vector.shape_cast %swap3A_328 : vector<1x16xf32> to vector<16xf32>
        %swap3A_330 = vector.shape_cast %mul3A_325 : vector<16xf32> to vector<1x16xf32>
        tpu.vector_store %arg6[%swap3A_326, %swap3A_327], %swap3A_330 {strides = array<i32>} : memref<32x1024xf32, #tpu.memory_space<vmem>>, vector<1x16xf32>,
        %scan3A_331 = arith.constant 3 : i32
        %scan3A_332 = arith.addi %scan3A_274, %scan3A_331 : i32
        %mul3A_333 = arith.constant 1 : i32
        %mul3A_334 = arith.muli %scan3A_332, %mul3A_333 : i32
        %add3A_335 = arith.constant 0 : i32
        %add3A_336 = arith.addi %add3A_335, %mul3A_334 : i32
        %mul3A_337 = arith.constant 16 : i32
        %mul3A_338 = arith.muli %add3A_336, %mul3A_337 : i32
        %get3A_339 = arith.index_cast %add3A_268 : i32 to index
        %get3A_340 = arith.index_cast %mul3A_338 : i32 to index
        %get3A_341 = tpu.vector_load %arg6[%get3A_339, %get3A_340] {strides = array<i32>} : memref<32x1024xf32, #tpu.memory_space<vmem>>, vector<1x16xf32>,
        %get3A_342 = vector.shape_cast %get3A_341 : vector<1x16xf32> to vector<16xf32>
        %mul3A_343 = arith.constant 3.200000e+01 : f32
        %mul3A_344 = vector.broadcast %mul3A_343 : f32 to vector<16xf32>
        %mul3A_345 = arith.mulf %get3A_342, %mul3A_344 : vector<16xf32>
        %swap3A_346 = arith.index_cast %add3A_268 : i32 to index
        %swap3A_347 = arith.index_cast %mul3A_338 : i32 to index
        %swap3A_348 = tpu.vector_load %arg6[%swap3A_346, %swap3A_347] {strides = array<i32>} : memref<32x1024xf32, #tpu.memory_space<vmem>>, vector<1x16xf32>,
        %swap3A_349 = vector.shape_cast %swap3A_348 : vector<1x16xf32> to vector<16xf32>
        %swap3A_350 = vector.shape_cast %mul3A_345 : vector<16xf32> to vector<1x16xf32>
        tpu.vector_store %arg6[%swap3A_346, %swap3A_347], %swap3A_350 {strides = array<i32>} : memref<32x1024xf32, #tpu.memory_space<vmem>>, vector<1x16xf32>,
        %scan3A_351 = arith.constant 4 : i32
        %scan3A_352 = arith.addi %scan3A_274, %scan3A_351 : i32
        %mul3A_353 = arith.constant 1 : i32
        %mul3A_354 = arith.muli %scan3A_352, %mul3A_353 : i32
        %add3A_355 = arith.constant 0 : i32
        %add3A_356 = arith.addi %add3A_355, %mul3A_354 : i32
        %mul3A_357 = arith.constant 16 : i32
        %mul3A_358 = arith.muli %add3A_356, %mul3A_357 : i32
        %get3A_359 = arith.index_cast %add3A_268 : i32 to index
        %get3A_360 = arith.index_cast %mul3A_358 : i32 to index
        %get3A_361 = tpu.vector_load %arg6[%get3A_359, %get3A_360] {strides = array<i32>} : memref<32x1024xf32, #tpu.memory_space<vmem>>, vector<1x16xf32>,
        %get3A_362 = vector.shape_cast %get3A_361 : vector<1x16xf32> to vector<16xf32>
        %mul3A_363 = arith.constant 3.200000e+01 : f32
        %mul3A_364 = vector.broadcast %mul3A_363 : f32 to vector<16xf32>
        %mul3A_365 = arith.mulf %get3A_362, %mul3A_364 : vector<16xf32>
        %swap3A_366 = arith.index_cast %add3A_268 : i32 to index
        %swap3A_367 = arith.index_cast %mul3A_358 : i32 to index
        %swap3A_368 = tpu.vector_load %arg6[%swap3A_366, %swap3A_367] {strides = array<i32>} : memref<32x1024xf32, #tpu.memory_space<vmem>>, vector<1x16xf32>,
        %swap3A_369 = vector.shape_cast %swap3A_368 : vector<1x16xf32> to vector<16xf32>
        %swap3A_370 = vector.shape_cast %mul3A_365 : vector<16xf32> to vector<1x16xf32>
        tpu.vector_store %arg6[%swap3A_366, %swap3A_367], %swap3A_370 {strides = array<i32>} : memref<32x1024xf32, #tpu.memory_space<vmem>>, vector<1x16xf32>,
        %scan3A_371 = arith.constant 5 : i32
        %scan3A_372 = arith.addi %scan3A_274, %scan3A_371 : i32
        %mul3A_373 = arith.constant 1 : i32
        %mul3A_374 = arith.muli %scan3A_372, %mul3A_373 : i32
        %add3A_375 = arith.constant 0 : i32
        %add3A_376 = arith.addi %add3A_375, %mul3A_374 : i32
        %mul3A_377 = arith.constant 16 : i32
        %mul3A_378 = arith.muli %add3A_376, %mul3A_377 : i32
        %get3A_379 = arith.index_cast %add3A_268 : i32 to index
        %get3A_380 = arith.index_cast %mul3A_378 : i32 to index
        %get3A_381 = tpu.vector_load %arg6[%get3A_379, %get3A_380] {strides = array<i32>} : memref<32x1024xf32, #tpu.memory_space<vmem>>, vector<1x16xf32>,
        %get3A_382 = vector.shape_cast %get3A_381 : vector<1x16xf32> to vector<16xf32>
        %mul3A_383 = arith.constant 3.200000e+01 : f32
        %mul3A_384 = vector.broadcast %mul3A_383 : f32 to vector<16xf32>
        %mul3A_385 = arith.mulf %get3A_382, %mul3A_384 : vector<16xf32>
        %swap3A_386 = arith.index_cast %add3A_268 : i32 to index
        %swap3A_387 = arith.index_cast %mul3A_378 : i32 to index
        %swap3A_388 = tpu.vector_load %arg6[%swap3A_386, %swap3A_387] {strides = array<i32>} : memref<32x1024xf32, #tpu.memory_space<vmem>>, vector<1x16xf32>,
        %swap3A_389 = vector.shape_cast %swap3A_388 : vector<1x16xf32> to vector<16xf32>
        %swap3A_390 = vector.shape_cast %mul3A_385 : vector<16xf32> to vector<1x16xf32>
        tpu.vector_store %arg6[%swap3A_386, %swap3A_387], %swap3A_390 {strides = array<i32>} : memref<32x1024xf32, #tpu.memory_space<vmem>>, vector<1x16xf32>,
        %scan3A_391 = arith.constant 6 : i32
        %scan3A_392 = arith.addi %scan3A_274, %scan3A_391 : i32
        %mul3A_393 = arith.constant 1 : i32
        %mul3A_394 = arith.muli %scan3A_392, %mul3A_393 : i32
        %add3A_395 = arith.constant 0 : i32
        %add3A_396 = arith.addi %add3A_395, %mul3A_394 : i32
        %mul3A_397 = arith.constant 16 : i32
        %mul3A_398 = arith.muli %add3A_396, %mul3A_397 : i32
        %get3A_399 = arith.index_cast %add3A_268 : i32 to index
        %get3A_400 = arith.index_cast %mul3A_398 : i32 to index
        %get3A_401 = tpu.vector_load %arg6[%get3A_399, %get3A_400] {strides = array<i32>} : memref<32x1024xf32, #tpu.memory_space<vmem>>, vector<1x16xf32>,
        %get3A_402 = vector.shape_cast %get3A_401 : vector<1x16xf32> to vector<16xf32>
        %mul3A_403 = arith.constant 3.200000e+01 : f32
        %mul3A_404 = vector.broadcast %mul3A_403 : f32 to vector<16xf32>
        %mul3A_405 = arith.mulf %get3A_402, %mul3A_404 : vector<16xf32>
        %swap3A_406 = arith.index_cast %add3A_268 : i32 to index
        %swap3A_407 = arith.index_cast %mul3A_398 : i32 to index
        %swap3A_408 = tpu.vector_load %arg6[%swap3A_406, %swap3A_407] {strides = array<i32>} : memref<32x1024xf32, #tpu.memory_space<vmem>>, vector<1x16xf32>,
        %swap3A_409 = vector.shape_cast %swap3A_408 : vector<1x16xf32> to vector<16xf32>
        %swap3A_410 = vector.shape_cast %mul3A_405 : vector<16xf32> to vector<1x16xf32>
        tpu.vector_store %arg6[%swap3A_406, %swap3A_407], %swap3A_410 {strides = array<i32>} : memref<32x1024xf32, #tpu.memory_space<vmem>>, vector<1x16xf32>,
        %scan3A_411 = arith.constant 7 : i32
        %scan3A_412 = arith.addi %scan3A_274, %scan3A_411 : i32
        %mul3A_413 = arith.constant 1 : i32
        %mul3A_414 = arith.muli %scan3A_412, %mul3A_413 : i32
        %add3A_415 = arith.constant 0 : i32
        %add3A_416 = arith.addi %add3A_415, %mul3A_414 : i32
        %mul3A_417 = arith.constant 16 : i32
        %mul3A_418 = arith.muli %add3A_416, %mul3A_417 : i32
        %get3A_419 = arith.index_cast %add3A_268 : i32 to index
        %get3A_420 = arith.index_cast %mul3A_418 : i32 to index
        %get3A_421 = tpu.vector_load %arg6[%get3A_419, %get3A_420] {strides = array<i32>} : memref<32x1024xf32, #tpu.memory_space<vmem>>, vector<1x16xf32>,
        %get3A_422 = vector.shape_cast %get3A_421 : vector<1x16xf32> to vector<16xf32>
        %mul3A_423 = arith.constant 3.200000e+01 : f32
        %mul3A_424 = vector.broadcast %mul3A_423 : f32 to vector<16xf32>
        %mul3A_425 = arith.mulf %get3A_422, %mul3A_424 : vector<16xf32>
        %swap3A_426 = arith.index_cast %add3A_268 : i32 to index
        %swap3A_427 = arith.index_cast %mul3A_418 : i32 to index
        %swap3A_428 = tpu.vector_load %arg6[%swap3A_426, %swap3A_427] {strides = array<i32>} : memref<32x1024xf32, #tpu.memory_space<vmem>>, vector<1x16xf32>,
        %swap3A_429 = vector.shape_cast %swap3A_428 : vector<1x16xf32> to vector<16xf32>
        %swap3A_430 = vector.shape_cast %mul3A_425 : vector<16xf32> to vector<1x16xf32>
        tpu.vector_store %arg6[%swap3A_426, %swap3A_427], %swap3A_430 {strides = array<i32>} : memref<32x1024xf32, #tpu.memory_space<vmem>>, vector<1x16xf32>,
      }
      %scan3A_273 = arith.constant 64 : i32
    }
    %scan3A_109 = arith.constant 32 : i32
    %add3A_110 = arith.constant 64 : i32
    %add3A_111 = arith.addi %mul3A_32, %add3A_110 : i32
    %dma_start3A_112 = arith.constant 0 : i32
    %dma_start3A_113 = tpu.memref_slice %arg4[%select_n3A, %add3A_111, %dma_start3A_112] : memref<4x2048x1024xf32, #tpu.memory_space<hbm>> -> memref<1x32x1024xf32, #tpu.memory_space<hbm>>
    %dma_start3A_114 = tpu.memref_squeeze %dma_start3A_113 : memref<1x32x1024xf32, #tpu.memory_space<hbm>> -> memref<32x1024xf32, #tpu.memory_space<hbm>>
    %dma_start3A_115 = arith.constant 0 : i32
    %dma_start3A_116 = tpu.memref_slice %arg4[%select_n3A, %add3A_111, %dma_start3A_115] : memref<4x2048x1024xf32, #tpu.memory_space<hbm>> -> memref<1x32x1024xf32, #tpu.memory_space<hbm>>
    %dma_start3A_117 = tpu.memref_squeeze %dma_start3A_116 : memref<1x32x1024xf32, #tpu.memory_space<hbm>> -> memref<32x1024xf32, #tpu.memory_space<hbm>>
    tpu.enqueue_dma source(%arg6 : memref<32x1024xf32, #tpu.memory_space<vmem>>) target(%dma_start3A_117 : memref<32x1024xf32, #tpu.memory_space<hbm>>) target_semaphore(%arg10 : memref<!tpu.dma_semaphore, #tpu.memory_space<semaphore_mem>>)
    %dma_wait3A_118 = arith.constant 96 : i32
    %dma_wait3A_119 = tpu.memref_slice %arg5[%dma_wait3A_118] : memref<256xi32, #tpu.memory_space<vmem>> -> memref<32xi32, #tpu.memory_space<vmem>>
    %dma_wait3A_120 = arith.constant 0 : i32
    %dma_wait3A_121 = arith.constant 0 : i32
    %dma_wait3A_122 = tpu.memref_slice %arg3[%dma_wait3A_120, %dma_wait3A_121] : memref<100000x1024xf32, #tpu.memory_space<hbm>> -> memref<100000x1024xf32, #tpu.memory_space<hbm>>
    tpu.wait_indirect_dma semaphore(%arg9 : memref<!tpu.dma_semaphore, #tpu.memory_space<semaphore_mem>>) src(%dma_wait3A_122 : memref<100000x1024xf32, #tpu.memory_space<hbm>>) dst(%arg7 : memref<32x1024xf32, #tpu.memory_space<vmem>>)
    %dma_wait3A_123 = arith.constant 0 : i32
    %dma_wait3A_124 = tpu.memref_slice %arg4[%select_n3A, %add3A_111, %dma_wait3A_123] : memref<4x2048x1024xf32, #tpu.memory_space<hbm>> -> memref<1x32x1024xf32, #tpu.memory_space<hbm>>
    %dma_wait3A_125 = tpu.memref_squeeze %dma_wait3A_124 : memref<1x32x1024xf32, #tpu.memory_space<hbm>> -> memref<32x1024xf32, #tpu.memory_space<hbm>>
    %dma_wait3A_126 = arith.constant 0 : i32
    %dma_wait3A_127 = tpu.memref_slice %arg4[%select_n3A, %add3A_111, %dma_wait3A_126] : memref<4x2048x1024xf32, #tpu.memory_space<hbm>> -> memref<1x32x1024xf32, #tpu.memory_space<hbm>>
    %dma_wait3A_128 = tpu.memref_squeeze %dma_wait3A_127 : memref<1x32x1024xf32, #tpu.memory_space<hbm>> -> memref<32x1024xf32, #tpu.memory_space<hbm>>
    tpu.wait_dma2 semaphore(%arg10 : memref<!tpu.dma_semaphore, #tpu.memory_space<semaphore_mem>>) src(%arg6 : memref<32x1024xf32, #tpu.memory_space<vmem>>) dst(%dma_wait3A_128 : memref<32x1024xf32, #tpu.memory_space<hbm>>)
    %dma_start3A_129 = arith.constant 128 : i32
    %dma_start3A_130 = tpu.memref_slice %arg5[%dma_start3A_129] : memref<256xi32, #tpu.memory_space<vmem>> -> memref<32xi32, #tpu.memory_space<vmem>>
    %dma_start3A_131 = arith.constant 0 : i32
    %dma_start3A_132 = arith.constant 0 : i32
    %dma_start3A_133 = tpu.memref_slice %arg3[%dma_start3A_131, %dma_start3A_132] : memref<100000x1024xf32, #tpu.memory_space<hbm>> -> memref<100000x1024xf32, #tpu.memory_space<hbm>>
    tpu.enqueue_indirect_dma source(%dma_start3A_133 : memref<100000x1024xf32, #tpu.memory_space<hbm>>) target(%arg6 : memref<32x1024xf32, #tpu.memory_space<vmem>>) offsets(%dma_start3A_130 : memref<32xi32, #tpu.memory_space<vmem>>) semaphore(%arg8 : memref<!tpu.dma_semaphore, #tpu.memory_space<semaphore_mem>>)
    %scan3A_134 = arith.constant 0 : i32
    %scan3A_135 = arith.constant 32 : i32
    %scan3A_136 = arith.addi %scan3A_134, %scan3A_135 : i32
    %scan3A_137 = arith.constant 1 : i32
    scf.for %scan3A_264 = %scan3A_134 to %scan3A_136 step %scan3A_137  : i32 {
      %mul3A_265 = arith.constant 1 : i32
      %mul3A_266 = arith.muli %scan3A_264, %mul3A_265 : i32
      %add3A_267 = arith.constant 0 : i32
      %add3A_268 = arith.addi %add3A_267, %mul3A_266 : i32
      %scan3A_269 = arith.constant 0 : i32
      %scan3A_270 = arith.constant 64 : i32
      %scan3A_271 = arith.addi %scan3A_269, %scan3A_270 : i32
      %scan3A_272 = arith.constant 8 : i32
      scf.for %scan3A_274 = %scan3A_269 to %scan3A_271 step %scan3A_272  : i32 {
        %mul3A_275 = arith.constant 1 : i32
        %mul3A_276 = arith.muli %scan3A_274, %mul3A_275 : i32
        %add3A_277 = arith.constant 0 : i32
        %add3A_278 = arith.addi %add3A_277, %mul3A_276 : i32
        %mul3A_279 = arith.constant 16 : i32
        %mul3A_280 = arith.muli %add3A_278, %mul3A_279 : i32
        %get3A = arith.index_cast %add3A_268 : i32 to index
        %get3A_281 = arith.index_cast %mul3A_280 : i32 to index
        %get3A_282 = tpu.vector_load %arg7[%get3A, %get3A_281] {strides = array<i32>} : memref<32x1024xf32, #tpu.memory_space<vmem>>, vector<1x16xf32>,
        %get3A_283 = vector.shape_cast %get3A_282 : vector<1x16xf32> to vector<16xf32>
        %mul3A_284 = arith.constant 3.200000e+01 : f32
        %mul3A_285 = vector.broadcast %mul3A_284 : f32 to vector<16xf32>
        %mul3A_286 = arith.mulf %get3A_283, %mul3A_285 : vector<16xf32>
        %swap3A = arith.index_cast %add3A_268 : i32 to index
        %swap3A_287 = arith.index_cast %mul3A_280 : i32 to index
        %swap3A_288 = tpu.vector_load %arg7[%swap3A, %swap3A_287] {strides = array<i32>} : memref<32x1024xf32, #tpu.memory_space<vmem>>, vector<1x16xf32>,
        %swap3A_289 = vector.shape_cast %swap3A_288 : vector<1x16xf32> to vector<16xf32>
        %swap3A_290 = vector.shape_cast %mul3A_286 : vector<16xf32> to vector<1x16xf32>
        tpu.vector_store %arg7[%swap3A, %swap3A_287], %swap3A_290 {strides = array<i32>} : memref<32x1024xf32, #tpu.memory_space<vmem>>, vector<1x16xf32>,
        %scan3A_291 = arith.constant 1 : i32
        %scan3A_292 = arith.addi %scan3A_274, %scan3A_291 : i32
        %mul3A_293 = arith.constant 1 : i32
        %mul3A_294 = arith.muli %scan3A_292, %mul3A_293 : i32
        %add3A_295 = arith.constant 0 : i32
        %add3A_296 = arith.addi %add3A_295, %mul3A_294 : i32
        %mul3A_297 = arith.constant 16 : i32
        %mul3A_298 = arith.muli %add3A_296, %mul3A_297 : i32
        %get3A_299 = arith.index_cast %add3A_268 : i32 to index
        %get3A_300 = arith.index_cast %mul3A_298 : i32 to index
        %get3A_301 = tpu.vector_load %arg7[%get3A_299, %get3A_300] {strides = array<i32>} : memref<32x1024xf32, #tpu.memory_space<vmem>>, vector<1x16xf32>,
        %get3A_302 = vector.shape_cast %get3A_301 : vector<1x16xf32> to vector<16xf32>
        %mul3A_303 = arith.constant 3.200000e+01 : f32
        %mul3A_304 = vector.broadcast %mul3A_303 : f32 to vector<16xf32>
        %mul3A_305 = arith.mulf %get3A_302, %mul3A_304 : vector<16xf32>
        %swap3A_306 = arith.index_cast %add3A_268 : i32 to index
        %swap3A_307 = arith.index_cast %mul3A_298 : i32 to index
        %swap3A_308 = tpu.vector_load %arg7[%swap3A_306, %swap3A_307] {strides = array<i32>} : memref<32x1024xf32, #tpu.memory_space<vmem>>, vector<1x16xf32>,
        %swap3A_309 = vector.shape_cast %swap3A_308 : vector<1x16xf32> to vector<16xf32>
        %swap3A_310 = vector.shape_cast %mul3A_305 : vector<16xf32> to vector<1x16xf32>
        tpu.vector_store %arg7[%swap3A_306, %swap3A_307], %swap3A_310 {strides = array<i32>} : memref<32x1024xf32, #tpu.memory_space<vmem>>, vector<1x16xf32>,
        %scan3A_311 = arith.constant 2 : i32
        %scan3A_312 = arith.addi %scan3A_274, %scan3A_311 : i32
        %mul3A_313 = arith.constant 1 : i32
        %mul3A_314 = arith.muli %scan3A_312, %mul3A_313 : i32
        %add3A_315 = arith.constant 0 : i32
        %add3A_316 = arith.addi %add3A_315, %mul3A_314 : i32
        %mul3A_317 = arith.constant 16 : i32
        %mul3A_318 = arith.muli %add3A_316, %mul3A_317 : i32
        %get3A_319 = arith.index_cast %add3A_268 : i32 to index
        %get3A_320 = arith.index_cast %mul3A_318 : i32 to index
        %get3A_321 = tpu.vector_load %arg7[%get3A_319, %get3A_320] {strides = array<i32>} : memref<32x1024xf32, #tpu.memory_space<vmem>>, vector<1x16xf32>,
        %get3A_322 = vector.shape_cast %get3A_321 : vector<1x16xf32> to vector<16xf32>
        %mul3A_323 = arith.constant 3.200000e+01 : f32
        %mul3A_324 = vector.broadcast %mul3A_323 : f32 to vector<16xf32>
        %mul3A_325 = arith.mulf %get3A_322, %mul3A_324 : vector<16xf32>
        %swap3A_326 = arith.index_cast %add3A_268 : i32 to index
        %swap3A_327 = arith.index_cast %mul3A_318 : i32 to index
        %swap3A_328 = tpu.vector_load %arg7[%swap3A_326, %swap3A_327] {strides = array<i32>} : memref<32x1024xf32, #tpu.memory_space<vmem>>, vector<1x16xf32>,
        %swap3A_329 = vector.shape_cast %swap3A_328 : vector<1x16xf32> to vector<16xf32>
        %swap3A_330 = vector.shape_cast %mul3A_325 : vector<16xf32> to vector<1x16xf32>
        tpu.vector_store %arg7[%swap3A_326, %swap3A_327], %swap3A_330 {strides = array<i32>} : memref<32x1024xf32, #tpu.memory_space<vmem>>, vector<1x16xf32>,
        %scan3A_331 = arith.constant 3 : i32
        %scan3A_332 = arith.addi %scan3A_274, %scan3A_331 : i32
        %mul3A_333 = arith.constant 1 : i32
        %mul3A_334 = arith.muli %scan3A_332, %mul3A_333 : i32
        %add3A_335 = arith.constant 0 : i32
        %add3A_336 = arith.addi %add3A_335, %mul3A_334 : i32
        %mul3A_337 = arith.constant 16 : i32
        %mul3A_338 = arith.muli %add3A_336, %mul3A_337 : i32
        %get3A_339 = arith.index_cast %add3A_268 : i32 to index
        %get3A_340 = arith.index_cast %mul3A_338 : i32 to index
        %get3A_341 = tpu.vector_load %arg7[%get3A_339, %get3A_340] {strides = array<i32>} : memref<32x1024xf32, #tpu.memory_space<vmem>>, vector<1x16xf32>,
        %get3A_342 = vector.shape_cast %get3A_341 : vector<1x16xf32> to vector<16xf32>
        %mul3A_343 = arith.constant 3.200000e+01 : f32
        %mul3A_344 = vector.broadcast %mul3A_343 : f32 to vector<16xf32>
        %mul3A_345 = arith.mulf %get3A_342, %mul3A_344 : vector<16xf32>
        %swap3A_346 = arith.index_cast %add3A_268 : i32 to index
        %swap3A_347 = arith.index_cast %mul3A_338 : i32 to index
        %swap3A_348 = tpu.vector_load %arg7[%swap3A_346, %swap3A_347] {strides = array<i32>} : memref<32x1024xf32, #tpu.memory_space<vmem>>, vector<1x16xf32>,
        %swap3A_349 = vector.shape_cast %swap3A_348 : vector<1x16xf32> to vector<16xf32>
        %swap3A_350 = vector.shape_cast %mul3A_345 : vector<16xf32> to vector<1x16xf32>
        tpu.vector_store %arg7[%swap3A_346, %swap3A_347], %swap3A_350 {strides = array<i32>} : memref<32x1024xf32, #tpu.memory_space<vmem>>, vector<1x16xf32>,
        %scan3A_351 = arith.constant 4 : i32
        %scan3A_352 = arith.addi %scan3A_274, %scan3A_351 : i32
        %mul3A_353 = arith.constant 1 : i32
        %mul3A_354 = arith.muli %scan3A_352, %mul3A_353 : i32
        %add3A_355 = arith.constant 0 : i32
        %add3A_356 = arith.addi %add3A_355, %mul3A_354 : i32
        %mul3A_357 = arith.constant 16 : i32
        %mul3A_358 = arith.muli %add3A_356, %mul3A_357 : i32
        %get3A_359 = arith.index_cast %add3A_268 : i32 to index
        %get3A_360 = arith.index_cast %mul3A_358 : i32 to index
        %get3A_361 = tpu.vector_load %arg7[%get3A_359, %get3A_360] {strides = array<i32>} : memref<32x1024xf32, #tpu.memory_space<vmem>>, vector<1x16xf32>,
        %get3A_362 = vector.shape_cast %get3A_361 : vector<1x16xf32> to vector<16xf32>
        %mul3A_363 = arith.constant 3.200000e+01 : f32
        %mul3A_364 = vector.broadcast %mul3A_363 : f32 to vector<16xf32>
        %mul3A_365 = arith.mulf %get3A_362, %mul3A_364 : vector<16xf32>
        %swap3A_366 = arith.index_cast %add3A_268 : i32 to index
        %swap3A_367 = arith.index_cast %mul3A_358 : i32 to index
        %swap3A_368 = tpu.vector_load %arg7[%swap3A_366, %swap3A_367] {strides = array<i32>} : memref<32x1024xf32, #tpu.memory_space<vmem>>, vector<1x16xf32>,
        %swap3A_369 = vector.shape_cast %swap3A_368 : vector<1x16xf32> to vector<16xf32>
        %swap3A_370 = vector.shape_cast %mul3A_365 : vector<16xf32> to vector<1x16xf32>
        tpu.vector_store %arg7[%swap3A_366, %swap3A_367], %swap3A_370 {strides = array<i32>} : memref<32x1024xf32, #tpu.memory_space<vmem>>, vector<1x16xf32>,
        %scan3A_371 = arith.constant 5 : i32
        %scan3A_372 = arith.addi %scan3A_274, %scan3A_371 : i32
        %mul3A_373 = arith.constant 1 : i32
        %mul3A_374 = arith.muli %scan3A_372, %mul3A_373 : i32
        %add3A_375 = arith.constant 0 : i32
        %add3A_376 = arith.addi %add3A_375, %mul3A_374 : i32
        %mul3A_377 = arith.constant 16 : i32
        %mul3A_378 = arith.muli %add3A_376, %mul3A_377 : i32
        %get3A_379 = arith.index_cast %add3A_268 : i32 to index
        %get3A_380 = arith.index_cast %mul3A_378 : i32 to index
        %get3A_381 = tpu.vector_load %arg7[%get3A_379, %get3A_380] {strides = array<i32>} : memref<32x1024xf32, #tpu.memory_space<vmem>>, vector<1x16xf32>,
        %get3A_382 = vector.shape_cast %get3A_381 : vector<1x16xf32> to vector<16xf32>
        %mul3A_383 = arith.constant 3.200000e+01 : f32
        %mul3A_384 = vector.broadcast %mul3A_383 : f32 to vector<16xf32>
        %mul3A_385 = arith.mulf %get3A_382, %mul3A_384 : vector<16xf32>
        %swap3A_386 = arith.index_cast %add3A_268 : i32 to index
        %swap3A_387 = arith.index_cast %mul3A_378 : i32 to index
        %swap3A_388 = tpu.vector_load %arg7[%swap3A_386, %swap3A_387] {strides = array<i32>} : memref<32x1024xf32, #tpu.memory_space<vmem>>, vector<1x16xf32>,
        %swap3A_389 = vector.shape_cast %swap3A_388 : vector<1x16xf32> to vector<16xf32>
        %swap3A_390 = vector.shape_cast %mul3A_385 : vector<16xf32> to vector<1x16xf32>
        tpu.vector_store %arg7[%swap3A_386, %swap3A_387], %swap3A_390 {strides = array<i32>} : memref<32x1024xf32, #tpu.memory_space<vmem>>, vector<1x16xf32>,
        %scan3A_391 = arith.constant 6 : i32
        %scan3A_392 = arith.addi %scan3A_274, %scan3A_391 : i32
        %mul3A_393 = arith.constant 1 : i32
        %mul3A_394 = arith.muli %scan3A_392, %mul3A_393 : i32
        %add3A_395 = arith.constant 0 : i32
        %add3A_396 = arith.addi %add3A_395, %mul3A_394 : i32
        %mul3A_397 = arith.constant 16 : i32
        %mul3A_398 = arith.muli %add3A_396, %mul3A_397 : i32
        %get3A_399 = arith.index_cast %add3A_268 : i32 to index
        %get3A_400 = arith.index_cast %mul3A_398 : i32 to index
        %get3A_401 = tpu.vector_load %arg7[%get3A_399, %get3A_400] {strides = array<i32>} : memref<32x1024xf32, #tpu.memory_space<vmem>>, vector<1x16xf32>,
        %get3A_402 = vector.shape_cast %get3A_401 : vector<1x16xf32> to vector<16xf32>
        %mul3A_403 = arith.constant 3.200000e+01 : f32
        %mul3A_404 = vector.broadcast %mul3A_403 : f32 to vector<16xf32>
        %mul3A_405 = arith.mulf %get3A_402, %mul3A_404 : vector<16xf32>
        %swap3A_406 = arith.index_cast %add3A_268 : i32 to index
        %swap3A_407 = arith.index_cast %mul3A_398 : i32 to index
        %swap3A_408 = tpu.vector_load %arg7[%swap3A_406, %swap3A_407] {strides = array<i32>} : memref<32x1024xf32, #tpu.memory_space<vmem>>, vector<1x16xf32>,
        %swap3A_409 = vector.shape_cast %swap3A_408 : vector<1x16xf32> to vector<16xf32>
        %swap3A_410 = vector.shape_cast %mul3A_405 : vector<16xf32> to vector<1x16xf32>
        tpu.vector_store %arg7[%swap3A_406, %swap3A_407], %swap3A_410 {strides = array<i32>} : memref<32x1024xf32, #tpu.memory_space<vmem>>, vector<1x16xf32>,
        %scan3A_411 = arith.constant 7 : i32
        %scan3A_412 = arith.addi %scan3A_274, %scan3A_411 : i32
        %mul3A_413 = arith.constant 1 : i32
        %mul3A_414 = arith.muli %scan3A_412, %mul3A_413 : i32
        %add3A_415 = arith.constant 0 : i32
        %add3A_416 = arith.addi %add3A_415, %mul3A_414 : i32
        %mul3A_417 = arith.constant 16 : i32
        %mul3A_418 = arith.muli %add3A_416, %mul3A_417 : i32
        %get3A_419 = arith.index_cast %add3A_268 : i32 to index
        %get3A_420 = arith.index_cast %mul3A_418 : i32 to index
        %get3A_421 = tpu.vector_load %arg7[%get3A_419, %get3A_420] {strides = array<i32>} : memref<32x1024xf32, #tpu.memory_space<vmem>>, vector<1x16xf32>,
        %get3A_422 = vector.shape_cast %get3A_421 : vector<1x16xf32> to vector<16xf32>
        %mul3A_423 = arith.constant 3.200000e+01 : f32
        %mul3A_424 = vector.broadcast %mul3A_423 : f32 to vector<16xf32>
        %mul3A_425 = arith.mulf %get3A_422, %mul3A_424 : vector<16xf32>
        %swap3A_426 = arith.index_cast %add3A_268 : i32 to index
        %swap3A_427 = arith.index_cast %mul3A_418 : i32 to index
        %swap3A_428 = tpu.vector_load %arg7[%swap3A_426, %swap3A_427] {strides = array<i32>} : memref<32x1024xf32, #tpu.memory_space<vmem>>, vector<1x16xf32>,
        %swap3A_429 = vector.shape_cast %swap3A_428 : vector<1x16xf32> to vector<16xf32>
        %swap3A_430 = vector.shape_cast %mul3A_425 : vector<16xf32> to vector<1x16xf32>
        tpu.vector_store %arg7[%swap3A_426, %swap3A_427], %swap3A_430 {strides = array<i32>} : memref<32x1024xf32, #tpu.memory_space<vmem>>, vector<1x16xf32>,
      }
      %scan3A_273 = arith.constant 64 : i32
    }
    %scan3A_138 = arith.constant 32 : i32
    %add3A_139 = arith.constant 96 : i32
    %add3A_140 = arith.addi %mul3A_32, %add3A_139 : i32
    %dma_start3A_141 = arith.constant 0 : i32
    %dma_start3A_142 = tpu.memref_slice %arg4[%select_n3A, %add3A_140, %dma_start3A_141] : memref<4x2048x1024xf32, #tpu.memory_space<hbm>> -> memref<1x32x1024xf32, #tpu.memory_space<hbm>>
    %dma_start3A_143 = tpu.memref_squeeze %dma_start3A_142 : memref<1x32x1024xf32, #tpu.memory_space<hbm>> -> memref<32x1024xf32, #tpu.memory_space<hbm>>
    %dma_start3A_144 = arith.constant 0 : i32
    %dma_start3A_145 = tpu.memref_slice %arg4[%select_n3A, %add3A_140, %dma_start3A_144] : memref<4x2048x1024xf32, #tpu.memory_space<hbm>> -> memref<1x32x1024xf32, #tpu.memory_space<hbm>>
    %dma_start3A_146 = tpu.memref_squeeze %dma_start3A_145 : memref<1x32x1024xf32, #tpu.memory_space<hbm>> -> memref<32x1024xf32, #tpu.memory_space<hbm>>
    tpu.enqueue_dma source(%arg7 : memref<32x1024xf32, #tpu.memory_space<vmem>>) target(%dma_start3A_146 : memref<32x1024xf32, #tpu.memory_space<hbm>>) target_semaphore(%arg11 : memref<!tpu.dma_semaphore, #tpu.memory_space<semaphore_mem>>)
    %dma_wait3A_147 = arith.constant 128 : i32
    %dma_wait3A_148 = tpu.memref_slice %arg5[%dma_wait3A_147] : memref<256xi32, #tpu.memory_space<vmem>> -> memref<32xi32, #tpu.memory_space<vmem>>
    %dma_wait3A_149 = arith.constant 0 : i32
    %dma_wait3A_150 = arith.constant 0 : i32
    %dma_wait3A_151 = tpu.memref_slice %arg3[%dma_wait3A_149, %dma_wait3A_150] : memref<100000x1024xf32, #tpu.memory_space<hbm>> -> memref<100000x1024xf32, #tpu.memory_space<hbm>>
    tpu.wait_indirect_dma semaphore(%arg8 : memref<!tpu.dma_semaphore, #tpu.memory_space<semaphore_mem>>) src(%dma_wait3A_151 : memref<100000x1024xf32, #tpu.memory_space<hbm>>) dst(%arg6 : memref<32x1024xf32, #tpu.memory_space<vmem>>)
    %dma_wait3A_152 = arith.constant 0 : i32
    %dma_wait3A_153 = tpu.memref_slice %arg4[%select_n3A, %add3A_140, %dma_wait3A_152] : memref<4x2048x1024xf32, #tpu.memory_space<hbm>> -> memref<1x32x1024xf32, #tpu.memory_space<hbm>>
    %dma_wait3A_154 = tpu.memref_squeeze %dma_wait3A_153 : memref<1x32x1024xf32, #tpu.memory_space<hbm>> -> memref<32x1024xf32, #tpu.memory_space<hbm>>
    %dma_wait3A_155 = arith.constant 0 : i32
    %dma_wait3A_156 = tpu.memref_slice %arg4[%select_n3A, %add3A_140, %dma_wait3A_155] : memref<4x2048x1024xf32, #tpu.memory_space<hbm>> -> memref<1x32x1024xf32, #tpu.memory_space<hbm>>
    %dma_wait3A_157 = tpu.memref_squeeze %dma_wait3A_156 : memref<1x32x1024xf32, #tpu.memory_space<hbm>> -> memref<32x1024xf32, #tpu.memory_space<hbm>>
    tpu.wait_dma2 semaphore(%arg11 : memref<!tpu.dma_semaphore, #tpu.memory_space<semaphore_mem>>) src(%arg7 : memref<32x1024xf32, #tpu.memory_space<vmem>>) dst(%dma_wait3A_157 : memref<32x1024xf32, #tpu.memory_space<hbm>>)
    %dma_start3A_158 = arith.constant 160 : i32
    %dma_start3A_159 = tpu.memref_slice %arg5[%dma_start3A_158] : memref<256xi32, #tpu.memory_space<vmem>> -> memref<32xi32, #tpu.memory_space<vmem>>
    %dma_start3A_160 = arith.constant 0 : i32
    %dma_start3A_161 = arith.constant 0 : i32
    %dma_start3A_162 = tpu.memref_slice %arg3[%dma_start3A_160, %dma_start3A_161] : memref<100000x1024xf32, #tpu.memory_space<hbm>> -> memref<100000x1024xf32, #tpu.memory_space<hbm>>
    tpu.enqueue_indirect_dma source(%dma_start3A_162 : memref<100000x1024xf32, #tpu.memory_space<hbm>>) target(%arg7 : memref<32x1024xf32, #tpu.memory_space<vmem>>) offsets(%dma_start3A_159 : memref<32xi32, #tpu.memory_space<vmem>>) semaphore(%arg9 : memref<!tpu.dma_semaphore, #tpu.memory_space<semaphore_mem>>)
    %scan3A_163 = arith.constant 0 : i32
    %scan3A_164 = arith.constant 32 : i32
    %scan3A_165 = arith.addi %scan3A_163, %scan3A_164 : i32
    %scan3A_166 = arith.constant 1 : i32
    scf.for %scan3A_264 = %scan3A_163 to %scan3A_165 step %scan3A_166  : i32 {
      %mul3A_265 = arith.constant 1 : i32
      %mul3A_266 = arith.muli %scan3A_264, %mul3A_265 : i32
      %add3A_267 = arith.constant 0 : i32
      %add3A_268 = arith.addi %add3A_267, %mul3A_266 : i32
      %scan3A_269 = arith.constant 0 : i32
      %scan3A_270 = arith.constant 64 : i32
      %scan3A_271 = arith.addi %scan3A_269, %scan3A_270 : i32
      %scan3A_272 = arith.constant 8 : i32
      scf.for %scan3A_274 = %scan3A_269 to %scan3A_271 step %scan3A_272  : i32 {
        %mul3A_275 = arith.constant 1 : i32
        %mul3A_276 = arith.muli %scan3A_274, %mul3A_275 : i32
        %add3A_277 = arith.constant 0 : i32
        %add3A_278 = arith.addi %add3A_277, %mul3A_276 : i32
        %mul3A_279 = arith.constant 16 : i32
        %mul3A_280 = arith.muli %add3A_278, %mul3A_279 : i32
        %get3A = arith.index_cast %add3A_268 : i32 to index
        %get3A_281 = arith.index_cast %mul3A_280 : i32 to index
        %get3A_282 = tpu.vector_load %arg6[%get3A, %get3A_281] {strides = array<i32>} : memref<32x1024xf32, #tpu.memory_space<vmem>>, vector<1x16xf32>,
        %get3A_283 = vector.shape_cast %get3A_282 : vector<1x16xf32> to vector<16xf32>
        %mul3A_284 = arith.constant 3.200000e+01 : f32
        %mul3A_285 = vector.broadcast %mul3A_284 : f32 to vector<16xf32>
        %mul3A_286 = arith.mulf %get3A_283, %mul3A_285 : vector<16xf32>
        %swap3A = arith.index_cast %add3A_268 : i32 to index
        %swap3A_287 = arith.index_cast %mul3A_280 : i32 to index
        %swap3A_288 = tpu.vector_load %arg6[%swap3A, %swap3A_287] {strides = array<i32>} : memref<32x1024xf32, #tpu.memory_space<vmem>>, vector<1x16xf32>,
        %swap3A_289 = vector.shape_cast %swap3A_288 : vector<1x16xf32> to vector<16xf32>
        %swap3A_290 = vector.shape_cast %mul3A_286 : vector<16xf32> to vector<1x16xf32>
        tpu.vector_store %arg6[%swap3A, %swap3A_287], %swap3A_290 {strides = array<i32>} : memref<32x1024xf32, #tpu.memory_space<vmem>>, vector<1x16xf32>,
        %scan3A_291 = arith.constant 1 : i32
        %scan3A_292 = arith.addi %scan3A_274, %scan3A_291 : i32
        %mul3A_293 = arith.constant 1 : i32
        %mul3A_294 = arith.muli %scan3A_292, %mul3A_293 : i32
        %add3A_295 = arith.constant 0 : i32
        %add3A_296 = arith.addi %add3A_295, %mul3A_294 : i32
        %mul3A_297 = arith.constant 16 : i32
        %mul3A_298 = arith.muli %add3A_296, %mul3A_297 : i32
        %get3A_299 = arith.index_cast %add3A_268 : i32 to index
        %get3A_300 = arith.index_cast %mul3A_298 : i32 to index
        %get3A_301 = tpu.vector_load %arg6[%get3A_299, %get3A_300] {strides = array<i32>} : memref<32x1024xf32, #tpu.memory_space<vmem>>, vector<1x16xf32>,
        %get3A_302 = vector.shape_cast %get3A_301 : vector<1x16xf32> to vector<16xf32>
        %mul3A_303 = arith.constant 3.200000e+01 : f32
        %mul3A_304 = vector.broadcast %mul3A_303 : f32 to vector<16xf32>
        %mul3A_305 = arith.mulf %get3A_302, %mul3A_304 : vector<16xf32>
        %swap3A_306 = arith.index_cast %add3A_268 : i32 to index
        %swap3A_307 = arith.index_cast %mul3A_298 : i32 to index
        %swap3A_308 = tpu.vector_load %arg6[%swap3A_306, %swap3A_307] {strides = array<i32>} : memref<32x1024xf32, #tpu.memory_space<vmem>>, vector<1x16xf32>,
        %swap3A_309 = vector.shape_cast %swap3A_308 : vector<1x16xf32> to vector<16xf32>
        %swap3A_310 = vector.shape_cast %mul3A_305 : vector<16xf32> to vector<1x16xf32>
        tpu.vector_store %arg6[%swap3A_306, %swap3A_307], %swap3A_310 {strides = array<i32>} : memref<32x1024xf32, #tpu.memory_space<vmem>>, vector<1x16xf32>,
        %scan3A_311 = arith.constant 2 : i32
        %scan3A_312 = arith.addi %scan3A_274, %scan3A_311 : i32
        %mul3A_313 = arith.constant 1 : i32
        %mul3A_314 = arith.muli %scan3A_312, %mul3A_313 : i32
        %add3A_315 = arith.constant 0 : i32
        %add3A_316 = arith.addi %add3A_315, %mul3A_314 : i32
        %mul3A_317 = arith.constant 16 : i32
        %mul3A_318 = arith.muli %add3A_316, %mul3A_317 : i32
        %get3A_319 = arith.index_cast %add3A_268 : i32 to index
        %get3A_320 = arith.index_cast %mul3A_318 : i32 to index
        %get3A_321 = tpu.vector_load %arg6[%get3A_319, %get3A_320] {strides = array<i32>} : memref<32x1024xf32, #tpu.memory_space<vmem>>, vector<1x16xf32>,
        %get3A_322 = vector.shape_cast %get3A_321 : vector<1x16xf32> to vector<16xf32>
        %mul3A_323 = arith.constant 3.200000e+01 : f32
        %mul3A_324 = vector.broadcast %mul3A_323 : f32 to vector<16xf32>
        %mul3A_325 = arith.mulf %get3A_322, %mul3A_324 : vector<16xf32>
        %swap3A_326 = arith.index_cast %add3A_268 : i32 to index
        %swap3A_327 = arith.index_cast %mul3A_318 : i32 to index
        %swap3A_328 = tpu.vector_load %arg6[%swap3A_326, %swap3A_327] {strides = array<i32>} : memref<32x1024xf32, #tpu.memory_space<vmem>>, vector<1x16xf32>,
        %swap3A_329 = vector.shape_cast %swap3A_328 : vector<1x16xf32> to vector<16xf32>
        %swap3A_330 = vector.shape_cast %mul3A_325 : vector<16xf32> to vector<1x16xf32>
        tpu.vector_store %arg6[%swap3A_326, %swap3A_327], %swap3A_330 {strides = array<i32>} : memref<32x1024xf32, #tpu.memory_space<vmem>>, vector<1x16xf32>,
        %scan3A_331 = arith.constant 3 : i32
        %scan3A_332 = arith.addi %scan3A_274, %scan3A_331 : i32
        %mul3A_333 = arith.constant 1 : i32
        %mul3A_334 = arith.muli %scan3A_332, %mul3A_333 : i32
        %add3A_335 = arith.constant 0 : i32
        %add3A_336 = arith.addi %add3A_335, %mul3A_334 : i32
        %mul3A_337 = arith.constant 16 : i32
        %mul3A_338 = arith.muli %add3A_336, %mul3A_337 : i32
        %get3A_339 = arith.index_cast %add3A_268 : i32 to index
        %get3A_340 = arith.index_cast %mul3A_338 : i32 to index
        %get3A_341 = tpu.vector_load %arg6[%get3A_339, %get3A_340] {strides = array<i32>} : memref<32x1024xf32, #tpu.memory_space<vmem>>, vector<1x16xf32>,
        %get3A_342 = vector.shape_cast %get3A_341 : vector<1x16xf32> to vector<16xf32>
        %mul3A_343 = arith.constant 3.200000e+01 : f32
        %mul3A_344 = vector.broadcast %mul3A_343 : f32 to vector<16xf32>
        %mul3A_345 = arith.mulf %get3A_342, %mul3A_344 : vector<16xf32>
        %swap3A_346 = arith.index_cast %add3A_268 : i32 to index
        %swap3A_347 = arith.index_cast %mul3A_338 : i32 to index
        %swap3A_348 = tpu.vector_load %arg6[%swap3A_346, %swap3A_347] {strides = array<i32>} : memref<32x1024xf32, #tpu.memory_space<vmem>>, vector<1x16xf32>,
        %swap3A_349 = vector.shape_cast %swap3A_348 : vector<1x16xf32> to vector<16xf32>
        %swap3A_350 = vector.shape_cast %mul3A_345 : vector<16xf32> to vector<1x16xf32>
        tpu.vector_store %arg6[%swap3A_346, %swap3A_347], %swap3A_350 {strides = array<i32>} : memref<32x1024xf32, #tpu.memory_space<vmem>>, vector<1x16xf32>,
        %scan3A_351 = arith.constant 4 : i32
        %scan3A_352 = arith.addi %scan3A_274, %scan3A_351 : i32
        %mul3A_353 = arith.constant 1 : i32
        %mul3A_354 = arith.muli %scan3A_352, %mul3A_353 : i32
        %add3A_355 = arith.constant 0 : i32
        %add3A_356 = arith.addi %add3A_355, %mul3A_354 : i32
        %mul3A_357 = arith.constant 16 : i32
        %mul3A_358 = arith.muli %add3A_356, %mul3A_357 : i32
        %get3A_359 = arith.index_cast %add3A_268 : i32 to index
        %get3A_360 = arith.index_cast %mul3A_358 : i32 to index
        %get3A_361 = tpu.vector_load %arg6[%get3A_359, %get3A_360] {strides = array<i32>} : memref<32x1024xf32, #tpu.memory_space<vmem>>, vector<1x16xf32>,
        %get3A_362 = vector.shape_cast %get3A_361 : vector<1x16xf32> to vector<16xf32>
        %mul3A_363 = arith.constant 3.200000e+01 : f32
        %mul3A_364 = vector.broadcast %mul3A_363 : f32 to vector<16xf32>
        %mul3A_365 = arith.mulf %get3A_362, %mul3A_364 : vector<16xf32>
        %swap3A_366 = arith.index_cast %add3A_268 : i32 to index
        %swap3A_367 = arith.index_cast %mul3A_358 : i32 to index
        %swap3A_368 = tpu.vector_load %arg6[%swap3A_366, %swap3A_367] {strides = array<i32>} : memref<32x1024xf32, #tpu.memory_space<vmem>>, vector<1x16xf32>,
        %swap3A_369 = vector.shape_cast %swap3A_368 : vector<1x16xf32> to vector<16xf32>
        %swap3A_370 = vector.shape_cast %mul3A_365 : vector<16xf32> to vector<1x16xf32>
        tpu.vector_store %arg6[%swap3A_366, %swap3A_367], %swap3A_370 {strides = array<i32>} : memref<32x1024xf32, #tpu.memory_space<vmem>>, vector<1x16xf32>,
        %scan3A_371 = arith.constant 5 : i32
        %scan3A_372 = arith.addi %scan3A_274, %scan3A_371 : i32
        %mul3A_373 = arith.constant 1 : i32
        %mul3A_374 = arith.muli %scan3A_372, %mul3A_373 : i32
        %add3A_375 = arith.constant 0 : i32
        %add3A_376 = arith.addi %add3A_375, %mul3A_374 : i32
        %mul3A_377 = arith.constant 16 : i32
        %mul3A_378 = arith.muli %add3A_376, %mul3A_377 : i32
        %get3A_379 = arith.index_cast %add3A_268 : i32 to index
        %get3A_380 = arith.index_cast %mul3A_378 : i32 to index
        %get3A_381 = tpu.vector_load %arg6[%get3A_379, %get3A_380] {strides = array<i32>} : memref<32x1024xf32, #tpu.memory_space<vmem>>, vector<1x16xf32>,
        %get3A_382 = vector.shape_cast %get3A_381 : vector<1x16xf32> to vector<16xf32>
        %mul3A_383 = arith.constant 3.200000e+01 : f32
        %mul3A_384 = vector.broadcast %mul3A_383 : f32 to vector<16xf32>
        %mul3A_385 = arith.mulf %get3A_382, %mul3A_384 : vector<16xf32>
        %swap3A_386 = arith.index_cast %add3A_268 : i32 to index
        %swap3A_387 = arith.index_cast %mul3A_378 : i32 to index
        %swap3A_388 = tpu.vector_load %arg6[%swap3A_386, %swap3A_387] {strides = array<i32>} : memref<32x1024xf32, #tpu.memory_space<vmem>>, vector<1x16xf32>,
        %swap3A_389 = vector.shape_cast %swap3A_388 : vector<1x16xf32> to vector<16xf32>
        %swap3A_390 = vector.shape_cast %mul3A_385 : vector<16xf32> to vector<1x16xf32>
        tpu.vector_store %arg6[%swap3A_386, %swap3A_387], %swap3A_390 {strides = array<i32>} : memref<32x1024xf32, #tpu.memory_space<vmem>>, vector<1x16xf32>,
        %scan3A_391 = arith.constant 6 : i32
        %scan3A_392 = arith.addi %scan3A_274, %scan3A_391 : i32
        %mul3A_393 = arith.constant 1 : i32
        %mul3A_394 = arith.muli %scan3A_392, %mul3A_393 : i32
        %add3A_395 = arith.constant 0 : i32
        %add3A_396 = arith.addi %add3A_395, %mul3A_394 : i32
        %mul3A_397 = arith.constant 16 : i32
        %mul3A_398 = arith.muli %add3A_396, %mul3A_397 : i32
        %get3A_399 = arith.index_cast %add3A_268 : i32 to index
        %get3A_400 = arith.index_cast %mul3A_398 : i32 to index
        %get3A_401 = tpu.vector_load %arg6[%get3A_399, %get3A_400] {strides = array<i32>} : memref<32x1024xf32, #tpu.memory_space<vmem>>, vector<1x16xf32>,
        %get3A_402 = vector.shape_cast %get3A_401 : vector<1x16xf32> to vector<16xf32>
        %mul3A_403 = arith.constant 3.200000e+01 : f32
        %mul3A_404 = vector.broadcast %mul3A_403 : f32 to vector<16xf32>
        %mul3A_405 = arith.mulf %get3A_402, %mul3A_404 : vector<16xf32>
        %swap3A_406 = arith.index_cast %add3A_268 : i32 to index
        %swap3A_407 = arith.index_cast %mul3A_398 : i32 to index
        %swap3A_408 = tpu.vector_load %arg6[%swap3A_406, %swap3A_407] {strides = array<i32>} : memref<32x1024xf32, #tpu.memory_space<vmem>>, vector<1x16xf32>,
        %swap3A_409 = vector.shape_cast %swap3A_408 : vector<1x16xf32> to vector<16xf32>
        %swap3A_410 = vector.shape_cast %mul3A_405 : vector<16xf32> to vector<1x16xf32>
        tpu.vector_store %arg6[%swap3A_406, %swap3A_407], %swap3A_410 {strides = array<i32>} : memref<32x1024xf32, #tpu.memory_space<vmem>>, vector<1x16xf32>,
        %scan3A_411 = arith.constant 7 : i32
        %scan3A_412 = arith.addi %scan3A_274, %scan3A_411 : i32
        %mul3A_413 = arith.constant 1 : i32
        %mul3A_414 = arith.muli %scan3A_412, %mul3A_413 : i32
        %add3A_415 = arith.constant 0 : i32
        %add3A_416 = arith.addi %add3A_415, %mul3A_414 : i32
        %mul3A_417 = arith.constant 16 : i32
        %mul3A_418 = arith.muli %add3A_416, %mul3A_417 : i32
        %get3A_419 = arith.index_cast %add3A_268 : i32 to index
        %get3A_420 = arith.index_cast %mul3A_418 : i32 to index
        %get3A_421 = tpu.vector_load %arg6[%get3A_419, %get3A_420] {strides = array<i32>} : memref<32x1024xf32, #tpu.memory_space<vmem>>, vector<1x16xf32>,
        %get3A_422 = vector.shape_cast %get3A_421 : vector<1x16xf32> to vector<16xf32>
        %mul3A_423 = arith.constant 3.200000e+01 : f32
        %mul3A_424 = vector.broadcast %mul3A_423 : f32 to vector<16xf32>
        %mul3A_425 = arith.mulf %get3A_422, %mul3A_424 : vector<16xf32>
        %swap3A_426 = arith.index_cast %add3A_268 : i32 to index
        %swap3A_427 = arith.index_cast %mul3A_418 : i32 to index
        %swap3A_428 = tpu.vector_load %arg6[%swap3A_426, %swap3A_427] {strides = array<i32>} : memref<32x1024xf32, #tpu.memory_space<vmem>>, vector<1x16xf32>,
        %swap3A_429 = vector.shape_cast %swap3A_428 : vector<1x16xf32> to vector<16xf32>
        %swap3A_430 = vector.shape_cast %mul3A_425 : vector<16xf32> to vector<1x16xf32>
        tpu.vector_store %arg6[%swap3A_426, %swap3A_427], %swap3A_430 {strides = array<i32>} : memref<32x1024xf32, #tpu.memory_space<vmem>>, vector<1x16xf32>,
      }
      %scan3A_273 = arith.constant 64 : i32
    }
    %scan3A_167 = arith.constant 32 : i32
    %add3A_168 = arith.constant 128 : i32
    %add3A_169 = arith.addi %mul3A_32, %add3A_168 : i32
    %dma_start3A_170 = arith.constant 0 : i32
    %dma_start3A_171 = tpu.memref_slice %arg4[%select_n3A, %add3A_169, %dma_start3A_170] : memref<4x2048x1024xf32, #tpu.memory_space<hbm>> -> memref<1x32x1024xf32, #tpu.memory_space<hbm>>
    %dma_start3A_172 = tpu.memref_squeeze %dma_start3A_171 : memref<1x32x1024xf32, #tpu.memory_space<hbm>> -> memref<32x1024xf32, #tpu.memory_space<hbm>>
    %dma_start3A_173 = arith.constant 0 : i32
    %dma_start3A_174 = tpu.memref_slice %arg4[%select_n3A, %add3A_169, %dma_start3A_173] : memref<4x2048x1024xf32, #tpu.memory_space<hbm>> -> memref<1x32x1024xf32, #tpu.memory_space<hbm>>
    %dma_start3A_175 = tpu.memref_squeeze %dma_start3A_174 : memref<1x32x1024xf32, #tpu.memory_space<hbm>> -> memref<32x1024xf32, #tpu.memory_space<hbm>>
    tpu.enqueue_dma source(%arg6 : memref<32x1024xf32, #tpu.memory_space<vmem>>) target(%dma_start3A_175 : memref<32x1024xf32, #tpu.memory_space<hbm>>) target_semaphore(%arg10 : memref<!tpu.dma_semaphore, #tpu.memory_space<semaphore_mem>>)
    %dma_wait3A_176 = arith.constant 160 : i32
    %dma_wait3A_177 = tpu.memref_slice %arg5[%dma_wait3A_176] : memref<256xi32, #tpu.memory_space<vmem>> -> memref<32xi32, #tpu.memory_space<vmem>>
    %dma_wait3A_178 = arith.constant 0 : i32
    %dma_wait3A_179 = arith.constant 0 : i32
    %dma_wait3A_180 = tpu.memref_slice %arg3[%dma_wait3A_178, %dma_wait3A_179] : memref<100000x1024xf32, #tpu.memory_space<hbm>> -> memref<100000x1024xf32, #tpu.memory_space<hbm>>
    tpu.wait_indirect_dma semaphore(%arg9 : memref<!tpu.dma_semaphore, #tpu.memory_space<semaphore_mem>>) src(%dma_wait3A_180 : memref<100000x1024xf32, #tpu.memory_space<hbm>>) dst(%arg7 : memref<32x1024xf32, #tpu.memory_space<vmem>>)
    %dma_wait3A_181 = arith.constant 0 : i32
    %dma_wait3A_182 = tpu.memref_slice %arg4[%select_n3A, %add3A_169, %dma_wait3A_181] : memref<4x2048x1024xf32, #tpu.memory_space<hbm>> -> memref<1x32x1024xf32, #tpu.memory_space<hbm>>
    %dma_wait3A_183 = tpu.memref_squeeze %dma_wait3A_182 : memref<1x32x1024xf32, #tpu.memory_space<hbm>> -> memref<32x1024xf32, #tpu.memory_space<hbm>>
    %dma_wait3A_184 = arith.constant 0 : i32
    %dma_wait3A_185 = tpu.memref_slice %arg4[%select_n3A, %add3A_169, %dma_wait3A_184] : memref<4x2048x1024xf32, #tpu.memory_space<hbm>> -> memref<1x32x1024xf32, #tpu.memory_space<hbm>>
    %dma_wait3A_186 = tpu.memref_squeeze %dma_wait3A_185 : memref<1x32x1024xf32, #tpu.memory_space<hbm>> -> memref<32x1024xf32, #tpu.memory_space<hbm>>
    tpu.wait_dma2 semaphore(%arg10 : memref<!tpu.dma_semaphore, #tpu.memory_space<semaphore_mem>>) src(%arg6 : memref<32x1024xf32, #tpu.memory_space<vmem>>) dst(%dma_wait3A_186 : memref<32x1024xf32, #tpu.memory_space<hbm>>)
    %dma_start3A_187 = arith.constant 192 : i32
    %dma_start3A_188 = tpu.memref_slice %arg5[%dma_start3A_187] : memref<256xi32, #tpu.memory_space<vmem>> -> memref<32xi32, #tpu.memory_space<vmem>>
    %dma_start3A_189 = arith.constant 0 : i32
    %dma_start3A_190 = arith.constant 0 : i32
    %dma_start3A_191 = tpu.memref_slice %arg3[%dma_start3A_189, %dma_start3A_190] : memref<100000x1024xf32, #tpu.memory_space<hbm>> -> memref<100000x1024xf32, #tpu.memory_space<hbm>>
    tpu.enqueue_indirect_dma source(%dma_start3A_191 : memref<100000x1024xf32, #tpu.memory_space<hbm>>) target(%arg6 : memref<32x1024xf32, #tpu.memory_space<vmem>>) offsets(%dma_start3A_188 : memref<32xi32, #tpu.memory_space<vmem>>) semaphore(%arg8 : memref<!tpu.dma_semaphore, #tpu.memory_space<semaphore_mem>>)
    %scan3A_192 = arith.constant 0 : i32
    %scan3A_193 = arith.constant 32 : i32
    %scan3A_194 = arith.addi %scan3A_192, %scan3A_193 : i32
    %scan3A_195 = arith.constant 1 : i32
    scf.for %scan3A_264 = %scan3A_192 to %scan3A_194 step %scan3A_195  : i32 {
      %mul3A_265 = arith.constant 1 : i32
      %mul3A_266 = arith.muli %scan3A_264, %mul3A_265 : i32
      %add3A_267 = arith.constant 0 : i32
      %add3A_268 = arith.addi %add3A_267, %mul3A_266 : i32
      %scan3A_269 = arith.constant 0 : i32
      %scan3A_270 = arith.constant 64 : i32
      %scan3A_271 = arith.addi %scan3A_269, %scan3A_270 : i32
      %scan3A_272 = arith.constant 8 : i32
      scf.for %scan3A_274 = %scan3A_269 to %scan3A_271 step %scan3A_272  : i32 {
        %mul3A_275 = arith.constant 1 : i32
        %mul3A_276 = arith.muli %scan3A_274, %mul3A_275 : i32
        %add3A_277 = arith.constant 0 : i32
        %add3A_278 = arith.addi %add3A_277, %mul3A_276 : i32
        %mul3A_279 = arith.constant 16 : i32
        %mul3A_280 = arith.muli %add3A_278, %mul3A_279 : i32
        %get3A = arith.index_cast %add3A_268 : i32 to index
        %get3A_281 = arith.index_cast %mul3A_280 : i32 to index
        %get3A_282 = tpu.vector_load %arg7[%get3A, %get3A_281] {strides = array<i32>} : memref<32x1024xf32, #tpu.memory_space<vmem>>, vector<1x16xf32>,
        %get3A_283 = vector.shape_cast %get3A_282 : vector<1x16xf32> to vector<16xf32>
        %mul3A_284 = arith.constant 3.200000e+01 : f32
        %mul3A_285 = vector.broadcast %mul3A_284 : f32 to vector<16xf32>
        %mul3A_286 = arith.mulf %get3A_283, %mul3A_285 : vector<16xf32>
        %swap3A = arith.index_cast %add3A_268 : i32 to index
        %swap3A_287 = arith.index_cast %mul3A_280 : i32 to index
        %swap3A_288 = tpu.vector_load %arg7[%swap3A, %swap3A_287] {strides = array<i32>} : memref<32x1024xf32, #tpu.memory_space<vmem>>, vector<1x16xf32>,
        %swap3A_289 = vector.shape_cast %swap3A_288 : vector<1x16xf32> to vector<16xf32>
        %swap3A_290 = vector.shape_cast %mul3A_286 : vector<16xf32> to vector<1x16xf32>
        tpu.vector_store %arg7[%swap3A, %swap3A_287], %swap3A_290 {strides = array<i32>} : memref<32x1024xf32, #tpu.memory_space<vmem>>, vector<1x16xf32>,
        %scan3A_291 = arith.constant 1 : i32
        %scan3A_292 = arith.addi %scan3A_274, %scan3A_291 : i32
        %mul3A_293 = arith.constant 1 : i32
        %mul3A_294 = arith.muli %scan3A_292, %mul3A_293 : i32
        %add3A_295 = arith.constant 0 : i32
        %add3A_296 = arith.addi %add3A_295, %mul3A_294 : i32
        %mul3A_297 = arith.constant 16 : i32
        %mul3A_298 = arith.muli %add3A_296, %mul3A_297 : i32
        %get3A_299 = arith.index_cast %add3A_268 : i32 to index
        %get3A_300 = arith.index_cast %mul3A_298 : i32 to index
        %get3A_301 = tpu.vector_load %arg7[%get3A_299, %get3A_300] {strides = array<i32>} : memref<32x1024xf32, #tpu.memory_space<vmem>>, vector<1x16xf32>,
        %get3A_302 = vector.shape_cast %get3A_301 : vector<1x16xf32> to vector<16xf32>
        %mul3A_303 = arith.constant 3.200000e+01 : f32
        %mul3A_304 = vector.broadcast %mul3A_303 : f32 to vector<16xf32>
        %mul3A_305 = arith.mulf %get3A_302, %mul3A_304 : vector<16xf32>
        %swap3A_306 = arith.index_cast %add3A_268 : i32 to index
        %swap3A_307 = arith.index_cast %mul3A_298 : i32 to index
        %swap3A_308 = tpu.vector_load %arg7[%swap3A_306, %swap3A_307] {strides = array<i32>} : memref<32x1024xf32, #tpu.memory_space<vmem>>, vector<1x16xf32>,
        %swap3A_309 = vector.shape_cast %swap3A_308 : vector<1x16xf32> to vector<16xf32>
        %swap3A_310 = vector.shape_cast %mul3A_305 : vector<16xf32> to vector<1x16xf32>
        tpu.vector_store %arg7[%swap3A_306, %swap3A_307], %swap3A_310 {strides = array<i32>} : memref<32x1024xf32, #tpu.memory_space<vmem>>, vector<1x16xf32>,
        %scan3A_311 = arith.constant 2 : i32
        %scan3A_312 = arith.addi %scan3A_274, %scan3A_311 : i32
        %mul3A_313 = arith.constant 1 : i32
        %mul3A_314 = arith.muli %scan3A_312, %mul3A_313 : i32
        %add3A_315 = arith.constant 0 : i32
        %add3A_316 = arith.addi %add3A_315, %mul3A_314 : i32
        %mul3A_317 = arith.constant 16 : i32
        %mul3A_318 = arith.muli %add3A_316, %mul3A_317 : i32
        %get3A_319 = arith.index_cast %add3A_268 : i32 to index
        %get3A_320 = arith.index_cast %mul3A_318 : i32 to index
        %get3A_321 = tpu.vector_load %arg7[%get3A_319, %get3A_320] {strides = array<i32>} : memref<32x1024xf32, #tpu.memory_space<vmem>>, vector<1x16xf32>,
        %get3A_322 = vector.shape_cast %get3A_321 : vector<1x16xf32> to vector<16xf32>
        %mul3A_323 = arith.constant 3.200000e+01 : f32
        %mul3A_324 = vector.broadcast %mul3A_323 : f32 to vector<16xf32>
        %mul3A_325 = arith.mulf %get3A_322, %mul3A_324 : vector<16xf32>
        %swap3A_326 = arith.index_cast %add3A_268 : i32 to index
        %swap3A_327 = arith.index_cast %mul3A_318 : i32 to index
        %swap3A_328 = tpu.vector_load %arg7[%swap3A_326, %swap3A_327] {strides = array<i32>} : memref<32x1024xf32, #tpu.memory_space<vmem>>, vector<1x16xf32>,
        %swap3A_329 = vector.shape_cast %swap3A_328 : vector<1x16xf32> to vector<16xf32>
        %swap3A_330 = vector.shape_cast %mul3A_325 : vector<16xf32> to vector<1x16xf32>
        tpu.vector_store %arg7[%swap3A_326, %swap3A_327], %swap3A_330 {strides = array<i32>} : memref<32x1024xf32, #tpu.memory_space<vmem>>, vector<1x16xf32>,
        %scan3A_331 = arith.constant 3 : i32
        %scan3A_332 = arith.addi %scan3A_274, %scan3A_331 : i32
        %mul3A_333 = arith.constant 1 : i32
        %mul3A_334 = arith.muli %scan3A_332, %mul3A_333 : i32
        %add3A_335 = arith.constant 0 : i32
        %add3A_336 = arith.addi %add3A_335, %mul3A_334 : i32
        %mul3A_337 = arith.constant 16 : i32
        %mul3A_338 = arith.muli %add3A_336, %mul3A_337 : i32
        %get3A_339 = arith.index_cast %add3A_268 : i32 to index
        %get3A_340 = arith.index_cast %mul3A_338 : i32 to index
        %get3A_341 = tpu.vector_load %arg7[%get3A_339, %get3A_340] {strides = array<i32>} : memref<32x1024xf32, #tpu.memory_space<vmem>>, vector<1x16xf32>,
        %get3A_342 = vector.shape_cast %get3A_341 : vector<1x16xf32> to vector<16xf32>
        %mul3A_343 = arith.constant 3.200000e+01 : f32
        %mul3A_344 = vector.broadcast %mul3A_343 : f32 to vector<16xf32>
        %mul3A_345 = arith.mulf %get3A_342, %mul3A_344 : vector<16xf32>
        %swap3A_346 = arith.index_cast %add3A_268 : i32 to index
        %swap3A_347 = arith.index_cast %mul3A_338 : i32 to index
        %swap3A_348 = tpu.vector_load %arg7[%swap3A_346, %swap3A_347] {strides = array<i32>} : memref<32x1024xf32, #tpu.memory_space<vmem>>, vector<1x16xf32>,
        %swap3A_349 = vector.shape_cast %swap3A_348 : vector<1x16xf32> to vector<16xf32>
        %swap3A_350 = vector.shape_cast %mul3A_345 : vector<16xf32> to vector<1x16xf32>
        tpu.vector_store %arg7[%swap3A_346, %swap3A_347], %swap3A_350 {strides = array<i32>} : memref<32x1024xf32, #tpu.memory_space<vmem>>, vector<1x16xf32>,
        %scan3A_351 = arith.constant 4 : i32
        %scan3A_352 = arith.addi %scan3A_274, %scan3A_351 : i32
        %mul3A_353 = arith.constant 1 : i32
        %mul3A_354 = arith.muli %scan3A_352, %mul3A_353 : i32
        %add3A_355 = arith.constant 0 : i32
        %add3A_356 = arith.addi %add3A_355, %mul3A_354 : i32
        %mul3A_357 = arith.constant 16 : i32
        %mul3A_358 = arith.muli %add3A_356, %mul3A_357 : i32
        %get3A_359 = arith.index_cast %add3A_268 : i32 to index
        %get3A_360 = arith.index_cast %mul3A_358 : i32 to index
        %get3A_361 = tpu.vector_load %arg7[%get3A_359, %get3A_360] {strides = array<i32>} : memref<32x1024xf32, #tpu.memory_space<vmem>>, vector<1x16xf32>,
        %get3A_362 = vector.shape_cast %get3A_361 : vector<1x16xf32> to vector<16xf32>
        %mul3A_363 = arith.constant 3.200000e+01 : f32
        %mul3A_364 = vector.broadcast %mul3A_363 : f32 to vector<16xf32>
        %mul3A_365 = arith.mulf %get3A_362, %mul3A_364 : vector<16xf32>
        %swap3A_366 = arith.index_cast %add3A_268 : i32 to index
        %swap3A_367 = arith.index_cast %mul3A_358 : i32 to index
        %swap3A_368 = tpu.vector_load %arg7[%swap3A_366, %swap3A_367] {strides = array<i32>} : memref<32x1024xf32, #tpu.memory_space<vmem>>, vector<1x16xf32>,
        %swap3A_369 = vector.shape_cast %swap3A_368 : vector<1x16xf32> to vector<16xf32>
        %swap3A_370 = vector.shape_cast %mul3A_365 : vector<16xf32> to vector<1x16xf32>
        tpu.vector_store %arg7[%swap3A_366, %swap3A_367], %swap3A_370 {strides = array<i32>} : memref<32x1024xf32, #tpu.memory_space<vmem>>, vector<1x16xf32>,
        %scan3A_371 = arith.constant 5 : i32
        %scan3A_372 = arith.addi %scan3A_274, %scan3A_371 : i32
        %mul3A_373 = arith.constant 1 : i32
        %mul3A_374 = arith.muli %scan3A_372, %mul3A_373 : i32
        %add3A_375 = arith.constant 0 : i32
        %add3A_376 = arith.addi %add3A_375, %mul3A_374 : i32
        %mul3A_377 = arith.constant 16 : i32
        %mul3A_378 = arith.muli %add3A_376, %mul3A_377 : i32
        %get3A_379 = arith.index_cast %add3A_268 : i32 to index
        %get3A_380 = arith.index_cast %mul3A_378 : i32 to index
        %get3A_381 = tpu.vector_load %arg7[%get3A_379, %get3A_380] {strides = array<i32>} : memref<32x1024xf32, #tpu.memory_space<vmem>>, vector<1x16xf32>,
        %get3A_382 = vector.shape_cast %get3A_381 : vector<1x16xf32> to vector<16xf32>
        %mul3A_383 = arith.constant 3.200000e+01 : f32
        %mul3A_384 = vector.broadcast %mul3A_383 : f32 to vector<16xf32>
        %mul3A_385 = arith.mulf %get3A_382, %mul3A_384 : vector<16xf32>
        %swap3A_386 = arith.index_cast %add3A_268 : i32 to index
        %swap3A_387 = arith.index_cast %mul3A_378 : i32 to index
        %swap3A_388 = tpu.vector_load %arg7[%swap3A_386, %swap3A_387] {strides = array<i32>} : memref<32x1024xf32, #tpu.memory_space<vmem>>, vector<1x16xf32>,
        %swap3A_389 = vector.shape_cast %swap3A_388 : vector<1x16xf32> to vector<16xf32>
        %swap3A_390 = vector.shape_cast %mul3A_385 : vector<16xf32> to vector<1x16xf32>
        tpu.vector_store %arg7[%swap3A_386, %swap3A_387], %swap3A_390 {strides = array<i32>} : memref<32x1024xf32, #tpu.memory_space<vmem>>, vector<1x16xf32>,
        %scan3A_391 = arith.constant 6 : i32
        %scan3A_392 = arith.addi %scan3A_274, %scan3A_391 : i32
        %mul3A_393 = arith.constant 1 : i32
        %mul3A_394 = arith.muli %scan3A_392, %mul3A_393 : i32
        %add3A_395 = arith.constant 0 : i32
        %add3A_396 = arith.addi %add3A_395, %mul3A_394 : i32
        %mul3A_397 = arith.constant 16 : i32
        %mul3A_398 = arith.muli %add3A_396, %mul3A_397 : i32
        %get3A_399 = arith.index_cast %add3A_268 : i32 to index
        %get3A_400 = arith.index_cast %mul3A_398 : i32 to index
        %get3A_401 = tpu.vector_load %arg7[%get3A_399, %get3A_400] {strides = array<i32>} : memref<32x1024xf32, #tpu.memory_space<vmem>>, vector<1x16xf32>,
        %get3A_402 = vector.shape_cast %get3A_401 : vector<1x16xf32> to vector<16xf32>
        %mul3A_403 = arith.constant 3.200000e+01 : f32
        %mul3A_404 = vector.broadcast %mul3A_403 : f32 to vector<16xf32>
        %mul3A_405 = arith.mulf %get3A_402, %mul3A_404 : vector<16xf32>
        %swap3A_406 = arith.index_cast %add3A_268 : i32 to index
        %swap3A_407 = arith.index_cast %mul3A_398 : i32 to index
        %swap3A_408 = tpu.vector_load %arg7[%swap3A_406, %swap3A_407] {strides = array<i32>} : memref<32x1024xf32, #tpu.memory_space<vmem>>, vector<1x16xf32>,
        %swap3A_409 = vector.shape_cast %swap3A_408 : vector<1x16xf32> to vector<16xf32>
        %swap3A_410 = vector.shape_cast %mul3A_405 : vector<16xf32> to vector<1x16xf32>
        tpu.vector_store %arg7[%swap3A_406, %swap3A_407], %swap3A_410 {strides = array<i32>} : memref<32x1024xf32, #tpu.memory_space<vmem>>, vector<1x16xf32>,
        %scan3A_411 = arith.constant 7 : i32
        %scan3A_412 = arith.addi %scan3A_274, %scan3A_411 : i32
        %mul3A_413 = arith.constant 1 : i32
        %mul3A_414 = arith.muli %scan3A_412, %mul3A_413 : i32
        %add3A_415 = arith.constant 0 : i32
        %add3A_416 = arith.addi %add3A_415, %mul3A_414 : i32
        %mul3A_417 = arith.constant 16 : i32
        %mul3A_418 = arith.muli %add3A_416, %mul3A_417 : i32
        %get3A_419 = arith.index_cast %add3A_268 : i32 to index
        %get3A_420 = arith.index_cast %mul3A_418 : i32 to index
        %get3A_421 = tpu.vector_load %arg7[%get3A_419, %get3A_420] {strides = array<i32>} : memref<32x1024xf32, #tpu.memory_space<vmem>>, vector<1x16xf32>,
        %get3A_422 = vector.shape_cast %get3A_421 : vector<1x16xf32> to vector<16xf32>
        %mul3A_423 = arith.constant 3.200000e+01 : f32
        %mul3A_424 = vector.broadcast %mul3A_423 : f32 to vector<16xf32>
        %mul3A_425 = arith.mulf %get3A_422, %mul3A_424 : vector<16xf32>
        %swap3A_426 = arith.index_cast %add3A_268 : i32 to index
        %swap3A_427 = arith.index_cast %mul3A_418 : i32 to index
        %swap3A_428 = tpu.vector_load %arg7[%swap3A_426, %swap3A_427] {strides = array<i32>} : memref<32x1024xf32, #tpu.memory_space<vmem>>, vector<1x16xf32>,
        %swap3A_429 = vector.shape_cast %swap3A_428 : vector<1x16xf32> to vector<16xf32>
        %swap3A_430 = vector.shape_cast %mul3A_425 : vector<16xf32> to vector<1x16xf32>
        tpu.vector_store %arg7[%swap3A_426, %swap3A_427], %swap3A_430 {strides = array<i32>} : memref<32x1024xf32, #tpu.memory_space<vmem>>, vector<1x16xf32>,
      }
      %scan3A_273 = arith.constant 64 : i32
    }
    %scan3A_196 = arith.constant 32 : i32
    %add3A_197 = arith.constant 160 : i32
    %add3A_198 = arith.addi %mul3A_32, %add3A_197 : i32
    %dma_start3A_199 = arith.constant 0 : i32
    %dma_start3A_200 = tpu.memref_slice %arg4[%select_n3A, %add3A_198, %dma_start3A_199] : memref<4x2048x1024xf32, #tpu.memory_space<hbm>> -> memref<1x32x1024xf32, #tpu.memory_space<hbm>>
    %dma_start3A_201 = tpu.memref_squeeze %dma_start3A_200 : memref<1x32x1024xf32, #tpu.memory_space<hbm>> -> memref<32x1024xf32, #tpu.memory_space<hbm>>
    %dma_start3A_202 = arith.constant 0 : i32
    %dma_start3A_203 = tpu.memref_slice %arg4[%select_n3A, %add3A_198, %dma_start3A_202] : memref<4x2048x1024xf32, #tpu.memory_space<hbm>> -> memref<1x32x1024xf32, #tpu.memory_space<hbm>>
    %dma_start3A_204 = tpu.memref_squeeze %dma_start3A_203 : memref<1x32x1024xf32, #tpu.memory_space<hbm>> -> memref<32x1024xf32, #tpu.memory_space<hbm>>
    tpu.enqueue_dma source(%arg7 : memref<32x1024xf32, #tpu.memory_space<vmem>>) target(%dma_start3A_204 : memref<32x1024xf32, #tpu.memory_space<hbm>>) target_semaphore(%arg11 : memref<!tpu.dma_semaphore, #tpu.memory_space<semaphore_mem>>)
    %dma_wait3A_205 = arith.constant 192 : i32
    %dma_wait3A_206 = tpu.memref_slice %arg5[%dma_wait3A_205] : memref<256xi32, #tpu.memory_space<vmem>> -> memref<32xi32, #tpu.memory_space<vmem>>
    %dma_wait3A_207 = arith.constant 0 : i32
    %dma_wait3A_208 = arith.constant 0 : i32
    %dma_wait3A_209 = tpu.memref_slice %arg3[%dma_wait3A_207, %dma_wait3A_208] : memref<100000x1024xf32, #tpu.memory_space<hbm>> -> memref<100000x1024xf32, #tpu.memory_space<hbm>>
    tpu.wait_indirect_dma semaphore(%arg8 : memref<!tpu.dma_semaphore, #tpu.memory_space<semaphore_mem>>) src(%dma_wait3A_209 : memref<100000x1024xf32, #tpu.memory_space<hbm>>) dst(%arg6 : memref<32x1024xf32, #tpu.memory_space<vmem>>)
    %dma_wait3A_210 = arith.constant 0 : i32
    %dma_wait3A_211 = tpu.memref_slice %arg4[%select_n3A, %add3A_198, %dma_wait3A_210] : memref<4x2048x1024xf32, #tpu.memory_space<hbm>> -> memref<1x32x1024xf32, #tpu.memory_space<hbm>>
    %dma_wait3A_212 = tpu.memref_squeeze %dma_wait3A_211 : memref<1x32x1024xf32, #tpu.memory_space<hbm>> -> memref<32x1024xf32, #tpu.memory_space<hbm>>
    %dma_wait3A_213 = arith.constant 0 : i32
    %dma_wait3A_214 = tpu.memref_slice %arg4[%select_n3A, %add3A_198, %dma_wait3A_213] : memref<4x2048x1024xf32, #tpu.memory_space<hbm>> -> memref<1x32x1024xf32, #tpu.memory_space<hbm>>
    %dma_wait3A_215 = tpu.memref_squeeze %dma_wait3A_214 : memref<1x32x1024xf32, #tpu.memory_space<hbm>> -> memref<32x1024xf32, #tpu.memory_space<hbm>>
    tpu.wait_dma2 semaphore(%arg11 : memref<!tpu.dma_semaphore, #tpu.memory_space<semaphore_mem>>) src(%arg7 : memref<32x1024xf32, #tpu.memory_space<vmem>>) dst(%dma_wait3A_215 : memref<32x1024xf32, #tpu.memory_space<hbm>>)
    %dma_start3A_216 = arith.constant 224 : i32
    %dma_start3A_217 = tpu.memref_slice %arg5[%dma_start3A_216] : memref<256xi32, #tpu.memory_space<vmem>> -> memref<32xi32, #tpu.memory_space<vmem>>
    %dma_start3A_218 = arith.constant 0 : i32
    %dma_start3A_219 = arith.constant 0 : i32
    %dma_start3A_220 = tpu.memref_slice %arg3[%dma_start3A_218, %dma_start3A_219] : memref<100000x1024xf32, #tpu.memory_space<hbm>> -> memref<100000x1024xf32, #tpu.memory_space<hbm>>
    tpu.enqueue_indirect_dma source(%dma_start3A_220 : memref<100000x1024xf32, #tpu.memory_space<hbm>>) target(%arg7 : memref<32x1024xf32, #tpu.memory_space<vmem>>) offsets(%dma_start3A_217 : memref<32xi32, #tpu.memory_space<vmem>>) semaphore(%arg9 : memref<!tpu.dma_semaphore, #tpu.memory_space<semaphore_mem>>)
    %scan3A_221 = arith.constant 0 : i32
    %scan3A_222 = arith.constant 32 : i32
    %scan3A_223 = arith.addi %scan3A_221, %scan3A_222 : i32
    %scan3A_224 = arith.constant 1 : i32
    scf.for %scan3A_264 = %scan3A_221 to %scan3A_223 step %scan3A_224  : i32 {
      %mul3A_265 = arith.constant 1 : i32
      %mul3A_266 = arith.muli %scan3A_264, %mul3A_265 : i32
      %add3A_267 = arith.constant 0 : i32
      %add3A_268 = arith.addi %add3A_267, %mul3A_266 : i32
      %scan3A_269 = arith.constant 0 : i32
      %scan3A_270 = arith.constant 64 : i32
      %scan3A_271 = arith.addi %scan3A_269, %scan3A_270 : i32
      %scan3A_272 = arith.constant 8 : i32
      scf.for %scan3A_274 = %scan3A_269 to %scan3A_271 step %scan3A_272  : i32 {
        %mul3A_275 = arith.constant 1 : i32
        %mul3A_276 = arith.muli %scan3A_274, %mul3A_275 : i32
        %add3A_277 = arith.constant 0 : i32
        %add3A_278 = arith.addi %add3A_277, %mul3A_276 : i32
        %mul3A_279 = arith.constant 16 : i32
        %mul3A_280 = arith.muli %add3A_278, %mul3A_279 : i32
        %get3A = arith.index_cast %add3A_268 : i32 to index
        %get3A_281 = arith.index_cast %mul3A_280 : i32 to index
        %get3A_282 = tpu.vector_load %arg6[%get3A, %get3A_281] {strides = array<i32>} : memref<32x1024xf32, #tpu.memory_space<vmem>>, vector<1x16xf32>,
        %get3A_283 = vector.shape_cast %get3A_282 : vector<1x16xf32> to vector<16xf32>
        %mul3A_284 = arith.constant 3.200000e+01 : f32
        %mul3A_285 = vector.broadcast %mul3A_284 : f32 to vector<16xf32>
        %mul3A_286 = arith.mulf %get3A_283, %mul3A_285 : vector<16xf32>
        %swap3A = arith.index_cast %add3A_268 : i32 to index
        %swap3A_287 = arith.index_cast %mul3A_280 : i32 to index
        %swap3A_288 = tpu.vector_load %arg6[%swap3A, %swap3A_287] {strides = array<i32>} : memref<32x1024xf32, #tpu.memory_space<vmem>>, vector<1x16xf32>,
        %swap3A_289 = vector.shape_cast %swap3A_288 : vector<1x16xf32> to vector<16xf32>
        %swap3A_290 = vector.shape_cast %mul3A_286 : vector<16xf32> to vector<1x16xf32>
        tpu.vector_store %arg6[%swap3A, %swap3A_287], %swap3A_290 {strides = array<i32>} : memref<32x1024xf32, #tpu.memory_space<vmem>>, vector<1x16xf32>,
        %scan3A_291 = arith.constant 1 : i32
        %scan3A_292 = arith.addi %scan3A_274, %scan3A_291 : i32
        %mul3A_293 = arith.constant 1 : i32
        %mul3A_294 = arith.muli %scan3A_292, %mul3A_293 : i32
        %add3A_295 = arith.constant 0 : i32
        %add3A_296 = arith.addi %add3A_295, %mul3A_294 : i32
        %mul3A_297 = arith.constant 16 : i32
        %mul3A_298 = arith.muli %add3A_296, %mul3A_297 : i32
        %get3A_299 = arith.index_cast %add3A_268 : i32 to index
        %get3A_300 = arith.index_cast %mul3A_298 : i32 to index
        %get3A_301 = tpu.vector_load %arg6[%get3A_299, %get3A_300] {strides = array<i32>} : memref<32x1024xf32, #tpu.memory_space<vmem>>, vector<1x16xf32>,
        %get3A_302 = vector.shape_cast %get3A_301 : vector<1x16xf32> to vector<16xf32>
        %mul3A_303 = arith.constant 3.200000e+01 : f32
        %mul3A_304 = vector.broadcast %mul3A_303 : f32 to vector<16xf32>
        %mul3A_305 = arith.mulf %get3A_302, %mul3A_304 : vector<16xf32>
        %swap3A_306 = arith.index_cast %add3A_268 : i32 to index
        %swap3A_307 = arith.index_cast %mul3A_298 : i32 to index
        %swap3A_308 = tpu.vector_load %arg6[%swap3A_306, %swap3A_307] {strides = array<i32>} : memref<32x1024xf32, #tpu.memory_space<vmem>>, vector<1x16xf32>,
        %swap3A_309 = vector.shape_cast %swap3A_308 : vector<1x16xf32> to vector<16xf32>
        %swap3A_310 = vector.shape_cast %mul3A_305 : vector<16xf32> to vector<1x16xf32>
        tpu.vector_store %arg6[%swap3A_306, %swap3A_307], %swap3A_310 {strides = array<i32>} : memref<32x1024xf32, #tpu.memory_space<vmem>>, vector<1x16xf32>,
        %scan3A_311 = arith.constant 2 : i32
        %scan3A_312 = arith.addi %scan3A_274, %scan3A_311 : i32
        %mul3A_313 = arith.constant 1 : i32
        %mul3A_314 = arith.muli %scan3A_312, %mul3A_313 : i32
        %add3A_315 = arith.constant 0 : i32
        %add3A_316 = arith.addi %add3A_315, %mul3A_314 : i32
        %mul3A_317 = arith.constant 16 : i32
        %mul3A_318 = arith.muli %add3A_316, %mul3A_317 : i32
        %get3A_319 = arith.index_cast %add3A_268 : i32 to index
        %get3A_320 = arith.index_cast %mul3A_318 : i32 to index
        %get3A_321 = tpu.vector_load %arg6[%get3A_319, %get3A_320] {strides = array<i32>} : memref<32x1024xf32, #tpu.memory_space<vmem>>, vector<1x16xf32>,
        %get3A_322 = vector.shape_cast %get3A_321 : vector<1x16xf32> to vector<16xf32>
        %mul3A_323 = arith.constant 3.200000e+01 : f32
        %mul3A_324 = vector.broadcast %mul3A_323 : f32 to vector<16xf32>
        %mul3A_325 = arith.mulf %get3A_322, %mul3A_324 : vector<16xf32>
        %swap3A_326 = arith.index_cast %add3A_268 : i32 to index
        %swap3A_327 = arith.index_cast %mul3A_318 : i32 to index
        %swap3A_328 = tpu.vector_load %arg6[%swap3A_326, %swap3A_327] {strides = array<i32>} : memref<32x1024xf32, #tpu.memory_space<vmem>>, vector<1x16xf32>,
        %swap3A_329 = vector.shape_cast %swap3A_328 : vector<1x16xf32> to vector<16xf32>
        %swap3A_330 = vector.shape_cast %mul3A_325 : vector<16xf32> to vector<1x16xf32>
        tpu.vector_store %arg6[%swap3A_326, %swap3A_327], %swap3A_330 {strides = array<i32>} : memref<32x1024xf32, #tpu.memory_space<vmem>>, vector<1x16xf32>,
        %scan3A_331 = arith.constant 3 : i32
        %scan3A_332 = arith.addi %scan3A_274, %scan3A_331 : i32
        %mul3A_333 = arith.constant 1 : i32
        %mul3A_334 = arith.muli %scan3A_332, %mul3A_333 : i32
        %add3A_335 = arith.constant 0 : i32
        %add3A_336 = arith.addi %add3A_335, %mul3A_334 : i32
        %mul3A_337 = arith.constant 16 : i32
        %mul3A_338 = arith.muli %add3A_336, %mul3A_337 : i32
        %get3A_339 = arith.index_cast %add3A_268 : i32 to index
        %get3A_340 = arith.index_cast %mul3A_338 : i32 to index
        %get3A_341 = tpu.vector_load %arg6[%get3A_339, %get3A_340] {strides = array<i32>} : memref<32x1024xf32, #tpu.memory_space<vmem>>, vector<1x16xf32>,
        %get3A_342 = vector.shape_cast %get3A_341 : vector<1x16xf32> to vector<16xf32>
        %mul3A_343 = arith.constant 3.200000e+01 : f32
        %mul3A_344 = vector.broadcast %mul3A_343 : f32 to vector<16xf32>
        %mul3A_345 = arith.mulf %get3A_342, %mul3A_344 : vector<16xf32>
        %swap3A_346 = arith.index_cast %add3A_268 : i32 to index
        %swap3A_347 = arith.index_cast %mul3A_338 : i32 to index
        %swap3A_348 = tpu.vector_load %arg6[%swap3A_346, %swap3A_347] {strides = array<i32>} : memref<32x1024xf32, #tpu.memory_space<vmem>>, vector<1x16xf32>,
        %swap3A_349 = vector.shape_cast %swap3A_348 : vector<1x16xf32> to vector<16xf32>
        %swap3A_350 = vector.shape_cast %mul3A_345 : vector<16xf32> to vector<1x16xf32>
        tpu.vector_store %arg6[%swap3A_346, %swap3A_347], %swap3A_350 {strides = array<i32>} : memref<32x1024xf32, #tpu.memory_space<vmem>>, vector<1x16xf32>,
        %scan3A_351 = arith.constant 4 : i32
        %scan3A_352 = arith.addi %scan3A_274, %scan3A_351 : i32
        %mul3A_353 = arith.constant 1 : i32
        %mul3A_354 = arith.muli %scan3A_352, %mul3A_353 : i32
        %add3A_355 = arith.constant 0 : i32
        %add3A_356 = arith.addi %add3A_355, %mul3A_354 : i32
        %mul3A_357 = arith.constant 16 : i32
        %mul3A_358 = arith.muli %add3A_356, %mul3A_357 : i32
        %get3A_359 = arith.index_cast %add3A_268 : i32 to index
        %get3A_360 = arith.index_cast %mul3A_358 : i32 to index
        %get3A_361 = tpu.vector_load %arg6[%get3A_359, %get3A_360] {strides = array<i32>} : memref<32x1024xf32, #tpu.memory_space<vmem>>, vector<1x16xf32>,
        %get3A_362 = vector.shape_cast %get3A_361 : vector<1x16xf32> to vector<16xf32>
        %mul3A_363 = arith.constant 3.200000e+01 : f32
        %mul3A_364 = vector.broadcast %mul3A_363 : f32 to vector<16xf32>
        %mul3A_365 = arith.mulf %get3A_362, %mul3A_364 : vector<16xf32>
        %swap3A_366 = arith.index_cast %add3A_268 : i32 to index
        %swap3A_367 = arith.index_cast %mul3A_358 : i32 to index
        %swap3A_368 = tpu.vector_load %arg6[%swap3A_366, %swap3A_367] {strides = array<i32>} : memref<32x1024xf32, #tpu.memory_space<vmem>>, vector<1x16xf32>,
        %swap3A_369 = vector.shape_cast %swap3A_368 : vector<1x16xf32> to vector<16xf32>
        %swap3A_370 = vector.shape_cast %mul3A_365 : vector<16xf32> to vector<1x16xf32>
        tpu.vector_store %arg6[%swap3A_366, %swap3A_367], %swap3A_370 {strides = array<i32>} : memref<32x1024xf32, #tpu.memory_space<vmem>>, vector<1x16xf32>,
        %scan3A_371 = arith.constant 5 : i32
        %scan3A_372 = arith.addi %scan3A_274, %scan3A_371 : i32
        %mul3A_373 = arith.constant 1 : i32
        %mul3A_374 = arith.muli %scan3A_372, %mul3A_373 : i32
        %add3A_375 = arith.constant 0 : i32
        %add3A_376 = arith.addi %add3A_375, %mul3A_374 : i32
        %mul3A_377 = arith.constant 16 : i32
        %mul3A_378 = arith.muli %add3A_376, %mul3A_377 : i32
        %get3A_379 = arith.index_cast %add3A_268 : i32 to index
        %get3A_380 = arith.index_cast %mul3A_378 : i32 to index
        %get3A_381 = tpu.vector_load %arg6[%get3A_379, %get3A_380] {strides = array<i32>} : memref<32x1024xf32, #tpu.memory_space<vmem>>, vector<1x16xf32>,
        %get3A_382 = vector.shape_cast %get3A_381 : vector<1x16xf32> to vector<16xf32>
        %mul3A_383 = arith.constant 3.200000e+01 : f32
        %mul3A_384 = vector.broadcast %mul3A_383 : f32 to vector<16xf32>
        %mul3A_385 = arith.mulf %get3A_382, %mul3A_384 : vector<16xf32>
        %swap3A_386 = arith.index_cast %add3A_268 : i32 to index
        %swap3A_387 = arith.index_cast %mul3A_378 : i32 to index
        %swap3A_388 = tpu.vector_load %arg6[%swap3A_386, %swap3A_387] {strides = array<i32>} : memref<32x1024xf32, #tpu.memory_space<vmem>>, vector<1x16xf32>,
        %swap3A_389 = vector.shape_cast %swap3A_388 : vector<1x16xf32> to vector<16xf32>
        %swap3A_390 = vector.shape_cast %mul3A_385 : vector<16xf32> to vector<1x16xf32>
        tpu.vector_store %arg6[%swap3A_386, %swap3A_387], %swap3A_390 {strides = array<i32>} : memref<32x1024xf32, #tpu.memory_space<vmem>>, vector<1x16xf32>,
        %scan3A_391 = arith.constant 6 : i32
        %scan3A_392 = arith.addi %scan3A_274, %scan3A_391 : i32
        %mul3A_393 = arith.constant 1 : i32
        %mul3A_394 = arith.muli %scan3A_392, %mul3A_393 : i32
        %add3A_395 = arith.constant 0 : i32
        %add3A_396 = arith.addi %add3A_395, %mul3A_394 : i32
        %mul3A_397 = arith.constant 16 : i32
        %mul3A_398 = arith.muli %add3A_396, %mul3A_397 : i32
        %get3A_399 = arith.index_cast %add3A_268 : i32 to index
        %get3A_400 = arith.index_cast %mul3A_398 : i32 to index
        %get3A_401 = tpu.vector_load %arg6[%get3A_399, %get3A_400] {strides = array<i32>} : memref<32x1024xf32, #tpu.memory_space<vmem>>, vector<1x16xf32>,
        %get3A_402 = vector.shape_cast %get3A_401 : vector<1x16xf32> to vector<16xf32>
        %mul3A_403 = arith.constant 3.200000e+01 : f32
        %mul3A_404 = vector.broadcast %mul3A_403 : f32 to vector<16xf32>
        %mul3A_405 = arith.mulf %get3A_402, %mul3A_404 : vector<16xf32>
        %swap3A_406 = arith.index_cast %add3A_268 : i32 to index
        %swap3A_407 = arith.index_cast %mul3A_398 : i32 to index
        %swap3A_408 = tpu.vector_load %arg6[%swap3A_406, %swap3A_407] {strides = array<i32>} : memref<32x1024xf32, #tpu.memory_space<vmem>>, vector<1x16xf32>,
        %swap3A_409 = vector.shape_cast %swap3A_408 : vector<1x16xf32> to vector<16xf32>
        %swap3A_410 = vector.shape_cast %mul3A_405 : vector<16xf32> to vector<1x16xf32>
        tpu.vector_store %arg6[%swap3A_406, %swap3A_407], %swap3A_410 {strides = array<i32>} : memref<32x1024xf32, #tpu.memory_space<vmem>>, vector<1x16xf32>,
        %scan3A_411 = arith.constant 7 : i32
        %scan3A_412 = arith.addi %scan3A_274, %scan3A_411 : i32
        %mul3A_413 = arith.constant 1 : i32
        %mul3A_414 = arith.muli %scan3A_412, %mul3A_413 : i32
        %add3A_415 = arith.constant 0 : i32
        %add3A_416 = arith.addi %add3A_415, %mul3A_414 : i32
        %mul3A_417 = arith.constant 16 : i32
        %mul3A_418 = arith.muli %add3A_416, %mul3A_417 : i32
        %get3A_419 = arith.index_cast %add3A_268 : i32 to index
        %get3A_420 = arith.index_cast %mul3A_418 : i32 to index
        %get3A_421 = tpu.vector_load %arg6[%get3A_419, %get3A_420] {strides = array<i32>} : memref<32x1024xf32, #tpu.memory_space<vmem>>, vector<1x16xf32>,
        %get3A_422 = vector.shape_cast %get3A_421 : vector<1x16xf32> to vector<16xf32>
        %mul3A_423 = arith.constant 3.200000e+01 : f32
        %mul3A_424 = vector.broadcast %mul3A_423 : f32 to vector<16xf32>
        %mul3A_425 = arith.mulf %get3A_422, %mul3A_424 : vector<16xf32>
        %swap3A_426 = arith.index_cast %add3A_268 : i32 to index
        %swap3A_427 = arith.index_cast %mul3A_418 : i32 to index
        %swap3A_428 = tpu.vector_load %arg6[%swap3A_426, %swap3A_427] {strides = array<i32>} : memref<32x1024xf32, #tpu.memory_space<vmem>>, vector<1x16xf32>,
        %swap3A_429 = vector.shape_cast %swap3A_428 : vector<1x16xf32> to vector<16xf32>
        %swap3A_430 = vector.shape_cast %mul3A_425 : vector<16xf32> to vector<1x16xf32>
        tpu.vector_store %arg6[%swap3A_426, %swap3A_427], %swap3A_430 {strides = array<i32>} : memref<32x1024xf32, #tpu.memory_space<vmem>>, vector<1x16xf32>,
      }
      %scan3A_273 = arith.constant 64 : i32
    }
    %scan3A_225 = arith.constant 32 : i32
    %add3A_226 = arith.constant 192 : i32
    %add3A_227 = arith.addi %mul3A_32, %add3A_226 : i32
    %dma_start3A_228 = arith.constant 0 : i32
    %dma_start3A_229 = tpu.memref_slice %arg4[%select_n3A, %add3A_227, %dma_start3A_228] : memref<4x2048x1024xf32, #tpu.memory_space<hbm>> -> memref<1x32x1024xf32, #tpu.memory_space<hbm>>
    %dma_start3A_230 = tpu.memref_squeeze %dma_start3A_229 : memref<1x32x1024xf32, #tpu.memory_space<hbm>> -> memref<32x1024xf32, #tpu.memory_space<hbm>>
    %dma_start3A_231 = arith.constant 0 : i32
    %dma_start3A_232 = tpu.memref_slice %arg4[%select_n3A, %add3A_227, %dma_start3A_231] : memref<4x2048x1024xf32, #tpu.memory_space<hbm>> -> memref<1x32x1024xf32, #tpu.memory_space<hbm>>
    %dma_start3A_233 = tpu.memref_squeeze %dma_start3A_232 : memref<1x32x1024xf32, #tpu.memory_space<hbm>> -> memref<32x1024xf32, #tpu.memory_space<hbm>>
    tpu.enqueue_dma source(%arg6 : memref<32x1024xf32, #tpu.memory_space<vmem>>) target(%dma_start3A_233 : memref<32x1024xf32, #tpu.memory_space<hbm>>) target_semaphore(%arg10 : memref<!tpu.dma_semaphore, #tpu.memory_space<semaphore_mem>>)
    %dma_wait3A_234 = arith.constant 224 : i32
    %dma_wait3A_235 = tpu.memref_slice %arg5[%dma_wait3A_234] : memref<256xi32, #tpu.memory_space<vmem>> -> memref<32xi32, #tpu.memory_space<vmem>>
    %dma_wait3A_236 = arith.constant 0 : i32
    %dma_wait3A_237 = arith.constant 0 : i32
    %dma_wait3A_238 = tpu.memref_slice %arg3[%dma_wait3A_236, %dma_wait3A_237] : memref<100000x1024xf32, #tpu.memory_space<hbm>> -> memref<100000x1024xf32, #tpu.memory_space<hbm>>
    tpu.wait_indirect_dma semaphore(%arg9 : memref<!tpu.dma_semaphore, #tpu.memory_space<semaphore_mem>>) src(%dma_wait3A_238 : memref<100000x1024xf32, #tpu.memory_space<hbm>>) dst(%arg7 : memref<32x1024xf32, #tpu.memory_space<vmem>>)
    %scan3A_239 = arith.constant 0 : i32
    %scan3A_240 = arith.constant 32 : i32
    %scan3A_241 = arith.addi %scan3A_239, %scan3A_240 : i32
    %scan3A_242 = arith.constant 1 : i32
    scf.for %scan3A_264 = %scan3A_239 to %scan3A_241 step %scan3A_242  : i32 {
      %mul3A_265 = arith.constant 1 : i32
      %mul3A_266 = arith.muli %scan3A_264, %mul3A_265 : i32
      %add3A_267 = arith.constant 0 : i32
      %add3A_268 = arith.addi %add3A_267, %mul3A_266 : i32
      %scan3A_269 = arith.constant 0 : i32
      %scan3A_270 = arith.constant 64 : i32
      %scan3A_271 = arith.addi %scan3A_269, %scan3A_270 : i32
      %scan3A_272 = arith.constant 8 : i32
      scf.for %scan3A_274 = %scan3A_269 to %scan3A_271 step %scan3A_272  : i32 {
        %mul3A_275 = arith.constant 1 : i32
        %mul3A_276 = arith.muli %scan3A_274, %mul3A_275 : i32
        %add3A_277 = arith.constant 0 : i32
        %add3A_278 = arith.addi %add3A_277, %mul3A_276 : i32
        %mul3A_279 = arith.constant 16 : i32
        %mul3A_280 = arith.muli %add3A_278, %mul3A_279 : i32
        %get3A = arith.index_cast %add3A_268 : i32 to index
        %get3A_281 = arith.index_cast %mul3A_280 : i32 to index
        %get3A_282 = tpu.vector_load %arg7[%get3A, %get3A_281] {strides = array<i32>} : memref<32x1024xf32, #tpu.memory_space<vmem>>, vector<1x16xf32>,
        %get3A_283 = vector.shape_cast %get3A_282 : vector<1x16xf32> to vector<16xf32>
        %mul3A_284 = arith.constant 3.200000e+01 : f32
        %mul3A_285 = vector.broadcast %mul3A_284 : f32 to vector<16xf32>
        %mul3A_286 = arith.mulf %get3A_283, %mul3A_285 : vector<16xf32>
        %swap3A = arith.index_cast %add3A_268 : i32 to index
        %swap3A_287 = arith.index_cast %mul3A_280 : i32 to index
        %swap3A_288 = tpu.vector_load %arg7[%swap3A, %swap3A_287] {strides = array<i32>} : memref<32x1024xf32, #tpu.memory_space<vmem>>, vector<1x16xf32>,
        %swap3A_289 = vector.shape_cast %swap3A_288 : vector<1x16xf32> to vector<16xf32>
        %swap3A_290 = vector.shape_cast %mul3A_286 : vector<16xf32> to vector<1x16xf32>
        tpu.vector_store %arg7[%swap3A, %swap3A_287], %swap3A_290 {strides = array<i32>} : memref<32x1024xf32, #tpu.memory_space<vmem>>, vector<1x16xf32>,
        %scan3A_291 = arith.constant 1 : i32
        %scan3A_292 = arith.addi %scan3A_274, %scan3A_291 : i32
        %mul3A_293 = arith.constant 1 : i32
        %mul3A_294 = arith.muli %scan3A_292, %mul3A_293 : i32
        %add3A_295 = arith.constant 0 : i32
        %add3A_296 = arith.addi %add3A_295, %mul3A_294 : i32
        %mul3A_297 = arith.constant 16 : i32
        %mul3A_298 = arith.muli %add3A_296, %mul3A_297 : i32
        %get3A_299 = arith.index_cast %add3A_268 : i32 to index
        %get3A_300 = arith.index_cast %mul3A_298 : i32 to index
        %get3A_301 = tpu.vector_load %arg7[%get3A_299, %get3A_300] {strides = array<i32>} : memref<32x1024xf32, #tpu.memory_space<vmem>>, vector<1x16xf32>,
        %get3A_302 = vector.shape_cast %get3A_301 : vector<1x16xf32> to vector<16xf32>
        %mul3A_303 = arith.constant 3.200000e+01 : f32
        %mul3A_304 = vector.broadcast %mul3A_303 : f32 to vector<16xf32>
        %mul3A_305 = arith.mulf %get3A_302, %mul3A_304 : vector<16xf32>
        %swap3A_306 = arith.index_cast %add3A_268 : i32 to index
        %swap3A_307 = arith.index_cast %mul3A_298 : i32 to index
        %swap3A_308 = tpu.vector_load %arg7[%swap3A_306, %swap3A_307] {strides = array<i32>} : memref<32x1024xf32, #tpu.memory_space<vmem>>, vector<1x16xf32>,
        %swap3A_309 = vector.shape_cast %swap3A_308 : vector<1x16xf32> to vector<16xf32>
        %swap3A_310 = vector.shape_cast %mul3A_305 : vector<16xf32> to vector<1x16xf32>
        tpu.vector_store %arg7[%swap3A_306, %swap3A_307], %swap3A_310 {strides = array<i32>} : memref<32x1024xf32, #tpu.memory_space<vmem>>, vector<1x16xf32>,
        %scan3A_311 = arith.constant 2 : i32
        %scan3A_312 = arith.addi %scan3A_274, %scan3A_311 : i32
        %mul3A_313 = arith.constant 1 : i32
        %mul3A_314 = arith.muli %scan3A_312, %mul3A_313 : i32
        %add3A_315 = arith.constant 0 : i32
        %add3A_316 = arith.addi %add3A_315, %mul3A_314 : i32
        %mul3A_317 = arith.constant 16 : i32
        %mul3A_318 = arith.muli %add3A_316, %mul3A_317 : i32
        %get3A_319 = arith.index_cast %add3A_268 : i32 to index
        %get3A_320 = arith.index_cast %mul3A_318 : i32 to index
        %get3A_321 = tpu.vector_load %arg7[%get3A_319, %get3A_320] {strides = array<i32>} : memref<32x1024xf32, #tpu.memory_space<vmem>>, vector<1x16xf32>,
        %get3A_322 = vector.shape_cast %get3A_321 : vector<1x16xf32> to vector<16xf32>
        %mul3A_323 = arith.constant 3.200000e+01 : f32
        %mul3A_324 = vector.broadcast %mul3A_323 : f32 to vector<16xf32>
        %mul3A_325 = arith.mulf %get3A_322, %mul3A_324 : vector<16xf32>
        %swap3A_326 = arith.index_cast %add3A_268 : i32 to index
        %swap3A_327 = arith.index_cast %mul3A_318 : i32 to index
        %swap3A_328 = tpu.vector_load %arg7[%swap3A_326, %swap3A_327] {strides = array<i32>} : memref<32x1024xf32, #tpu.memory_space<vmem>>, vector<1x16xf32>,
        %swap3A_329 = vector.shape_cast %swap3A_328 : vector<1x16xf32> to vector<16xf32>
        %swap3A_330 = vector.shape_cast %mul3A_325 : vector<16xf32> to vector<1x16xf32>
        tpu.vector_store %arg7[%swap3A_326, %swap3A_327], %swap3A_330 {strides = array<i32>} : memref<32x1024xf32, #tpu.memory_space<vmem>>, vector<1x16xf32>,
        %scan3A_331 = arith.constant 3 : i32
        %scan3A_332 = arith.addi %scan3A_274, %scan3A_331 : i32
        %mul3A_333 = arith.constant 1 : i32
        %mul3A_334 = arith.muli %scan3A_332, %mul3A_333 : i32
        %add3A_335 = arith.constant 0 : i32
        %add3A_336 = arith.addi %add3A_335, %mul3A_334 : i32
        %mul3A_337 = arith.constant 16 : i32
        %mul3A_338 = arith.muli %add3A_336, %mul3A_337 : i32
        %get3A_339 = arith.index_cast %add3A_268 : i32 to index
        %get3A_340 = arith.index_cast %mul3A_338 : i32 to index
        %get3A_341 = tpu.vector_load %arg7[%get3A_339, %get3A_340] {strides = array<i32>} : memref<32x1024xf32, #tpu.memory_space<vmem>>, vector<1x16xf32>,
        %get3A_342 = vector.shape_cast %get3A_341 : vector<1x16xf32> to vector<16xf32>
        %mul3A_343 = arith.constant 3.200000e+01 : f32
        %mul3A_344 = vector.broadcast %mul3A_343 : f32 to vector<16xf32>
        %mul3A_345 = arith.mulf %get3A_342, %mul3A_344 : vector<16xf32>
        %swap3A_346 = arith.index_cast %add3A_268 : i32 to index
        %swap3A_347 = arith.index_cast %mul3A_338 : i32 to index
        %swap3A_348 = tpu.vector_load %arg7[%swap3A_346, %swap3A_347] {strides = array<i32>} : memref<32x1024xf32, #tpu.memory_space<vmem>>, vector<1x16xf32>,
        %swap3A_349 = vector.shape_cast %swap3A_348 : vector<1x16xf32> to vector<16xf32>
        %swap3A_350 = vector.shape_cast %mul3A_345 : vector<16xf32> to vector<1x16xf32>
        tpu.vector_store %arg7[%swap3A_346, %swap3A_347], %swap3A_350 {strides = array<i32>} : memref<32x1024xf32, #tpu.memory_space<vmem>>, vector<1x16xf32>,
        %scan3A_351 = arith.constant 4 : i32
        %scan3A_352 = arith.addi %scan3A_274, %scan3A_351 : i32
        %mul3A_353 = arith.constant 1 : i32
        %mul3A_354 = arith.muli %scan3A_352, %mul3A_353 : i32
        %add3A_355 = arith.constant 0 : i32
        %add3A_356 = arith.addi %add3A_355, %mul3A_354 : i32
        %mul3A_357 = arith.constant 16 : i32
        %mul3A_358 = arith.muli %add3A_356, %mul3A_357 : i32
        %get3A_359 = arith.index_cast %add3A_268 : i32 to index
        %get3A_360 = arith.index_cast %mul3A_358 : i32 to index
        %get3A_361 = tpu.vector_load %arg7[%get3A_359, %get3A_360] {strides = array<i32>} : memref<32x1024xf32, #tpu.memory_space<vmem>>, vector<1x16xf32>,
        %get3A_362 = vector.shape_cast %get3A_361 : vector<1x16xf32> to vector<16xf32>
        %mul3A_363 = arith.constant 3.200000e+01 : f32
        %mul3A_364 = vector.broadcast %mul3A_363 : f32 to vector<16xf32>
        %mul3A_365 = arith.mulf %get3A_362, %mul3A_364 : vector<16xf32>
        %swap3A_366 = arith.index_cast %add3A_268 : i32 to index
        %swap3A_367 = arith.index_cast %mul3A_358 : i32 to index
        %swap3A_368 = tpu.vector_load %arg7[%swap3A_366, %swap3A_367] {strides = array<i32>} : memref<32x1024xf32, #tpu.memory_space<vmem>>, vector<1x16xf32>,
        %swap3A_369 = vector.shape_cast %swap3A_368 : vector<1x16xf32> to vector<16xf32>
        %swap3A_370 = vector.shape_cast %mul3A_365 : vector<16xf32> to vector<1x16xf32>
        tpu.vector_store %arg7[%swap3A_366, %swap3A_367], %swap3A_370 {strides = array<i32>} : memref<32x1024xf32, #tpu.memory_space<vmem>>, vector<1x16xf32>,
        %scan3A_371 = arith.constant 5 : i32
        %scan3A_372 = arith.addi %scan3A_274, %scan3A_371 : i32
        %mul3A_373 = arith.constant 1 : i32
        %mul3A_374 = arith.muli %scan3A_372, %mul3A_373 : i32
        %add3A_375 = arith.constant 0 : i32
        %add3A_376 = arith.addi %add3A_375, %mul3A_374 : i32
        %mul3A_377 = arith.constant 16 : i32
        %mul3A_378 = arith.muli %add3A_376, %mul3A_377 : i32
        %get3A_379 = arith.index_cast %add3A_268 : i32 to index
        %get3A_380 = arith.index_cast %mul3A_378 : i32 to index
        %get3A_381 = tpu.vector_load %arg7[%get3A_379, %get3A_380] {strides = array<i32>} : memref<32x1024xf32, #tpu.memory_space<vmem>>, vector<1x16xf32>,
        %get3A_382 = vector.shape_cast %get3A_381 : vector<1x16xf32> to vector<16xf32>
        %mul3A_383 = arith.constant 3.200000e+01 : f32
        %mul3A_384 = vector.broadcast %mul3A_383 : f32 to vector<16xf32>
        %mul3A_385 = arith.mulf %get3A_382, %mul3A_384 : vector<16xf32>
        %swap3A_386 = arith.index_cast %add3A_268 : i32 to index
        %swap3A_387 = arith.index_cast %mul3A_378 : i32 to index
        %swap3A_388 = tpu.vector_load %arg7[%swap3A_386, %swap3A_387] {strides = array<i32>} : memref<32x1024xf32, #tpu.memory_space<vmem>>, vector<1x16xf32>,
        %swap3A_389 = vector.shape_cast %swap3A_388 : vector<1x16xf32> to vector<16xf32>
        %swap3A_390 = vector.shape_cast %mul3A_385 : vector<16xf32> to vector<1x16xf32>
        tpu.vector_store %arg7[%swap3A_386, %swap3A_387], %swap3A_390 {strides = array<i32>} : memref<32x1024xf32, #tpu.memory_space<vmem>>, vector<1x16xf32>,
        %scan3A_391 = arith.constant 6 : i32
        %scan3A_392 = arith.addi %scan3A_274, %scan3A_391 : i32
        %mul3A_393 = arith.constant 1 : i32
        %mul3A_394 = arith.muli %scan3A_392, %mul3A_393 : i32
        %add3A_395 = arith.constant 0 : i32
        %add3A_396 = arith.addi %add3A_395, %mul3A_394 : i32
        %mul3A_397 = arith.constant 16 : i32
        %mul3A_398 = arith.muli %add3A_396, %mul3A_397 : i32
        %get3A_399 = arith.index_cast %add3A_268 : i32 to index
        %get3A_400 = arith.index_cast %mul3A_398 : i32 to index
        %get3A_401 = tpu.vector_load %arg7[%get3A_399, %get3A_400] {strides = array<i32>} : memref<32x1024xf32, #tpu.memory_space<vmem>>, vector<1x16xf32>,
        %get3A_402 = vector.shape_cast %get3A_401 : vector<1x16xf32> to vector<16xf32>
        %mul3A_403 = arith.constant 3.200000e+01 : f32
        %mul3A_404 = vector.broadcast %mul3A_403 : f32 to vector<16xf32>
        %mul3A_405 = arith.mulf %get3A_402, %mul3A_404 : vector<16xf32>
        %swap3A_406 = arith.index_cast %add3A_268 : i32 to index
        %swap3A_407 = arith.index_cast %mul3A_398 : i32 to index
        %swap3A_408 = tpu.vector_load %arg7[%swap3A_406, %swap3A_407] {strides = array<i32>} : memref<32x1024xf32, #tpu.memory_space<vmem>>, vector<1x16xf32>,
        %swap3A_409 = vector.shape_cast %swap3A_408 : vector<1x16xf32> to vector<16xf32>
        %swap3A_410 = vector.shape_cast %mul3A_405 : vector<16xf32> to vector<1x16xf32>
        tpu.vector_store %arg7[%swap3A_406, %swap3A_407], %swap3A_410 {strides = array<i32>} : memref<32x1024xf32, #tpu.memory_space<vmem>>, vector<1x16xf32>,
        %scan3A_411 = arith.constant 7 : i32
        %scan3A_412 = arith.addi %scan3A_274, %scan3A_411 : i32
        %mul3A_413 = arith.constant 1 : i32
        %mul3A_414 = arith.muli %scan3A_412, %mul3A_413 : i32
        %add3A_415 = arith.constant 0 : i32
        %add3A_416 = arith.addi %add3A_415, %mul3A_414 : i32
        %mul3A_417 = arith.constant 16 : i32
        %mul3A_418 = arith.muli %add3A_416, %mul3A_417 : i32
        %get3A_419 = arith.index_cast %add3A_268 : i32 to index
        %get3A_420 = arith.index_cast %mul3A_418 : i32 to index
        %get3A_421 = tpu.vector_load %arg7[%get3A_419, %get3A_420] {strides = array<i32>} : memref<32x1024xf32, #tpu.memory_space<vmem>>, vector<1x16xf32>,
        %get3A_422 = vector.shape_cast %get3A_421 : vector<1x16xf32> to vector<16xf32>
        %mul3A_423 = arith.constant 3.200000e+01 : f32
        %mul3A_424 = vector.broadcast %mul3A_423 : f32 to vector<16xf32>
        %mul3A_425 = arith.mulf %get3A_422, %mul3A_424 : vector<16xf32>
        %swap3A_426 = arith.index_cast %add3A_268 : i32 to index
        %swap3A_427 = arith.index_cast %mul3A_418 : i32 to index
        %swap3A_428 = tpu.vector_load %arg7[%swap3A_426, %swap3A_427] {strides = array<i32>} : memref<32x1024xf32, #tpu.memory_space<vmem>>, vector<1x16xf32>,
        %swap3A_429 = vector.shape_cast %swap3A_428 : vector<1x16xf32> to vector<16xf32>
        %swap3A_430 = vector.shape_cast %mul3A_425 : vector<16xf32> to vector<1x16xf32>
        tpu.vector_store %arg7[%swap3A_426, %swap3A_427], %swap3A_430 {strides = array<i32>} : memref<32x1024xf32, #tpu.memory_space<vmem>>, vector<1x16xf32>,
      }
      %scan3A_273 = arith.constant 64 : i32
    }
    %scan3A_243 = arith.constant 32 : i32
    %add3A_244 = arith.constant 224 : i32
    %add3A_245 = arith.addi %mul3A_32, %add3A_244 : i32
    %dma_start3A_246 = arith.constant 0 : i32
    %dma_start3A_247 = tpu.memref_slice %arg4[%select_n3A, %add3A_245, %dma_start3A_246] : memref<4x2048x1024xf32, #tpu.memory_space<hbm>> -> memref<1x32x1024xf32, #tpu.memory_space<hbm>>
    %dma_start3A_248 = tpu.memref_squeeze %dma_start3A_247 : memref<1x32x1024xf32, #tpu.memory_space<hbm>> -> memref<32x1024xf32, #tpu.memory_space<hbm>>
    %dma_start3A_249 = arith.constant 0 : i32
    %dma_start3A_250 = tpu.memref_slice %arg4[%select_n3A, %add3A_245, %dma_start3A_249] : memref<4x2048x1024xf32, #tpu.memory_space<hbm>> -> memref<1x32x1024xf32, #tpu.memory_space<hbm>>
    %dma_start3A_251 = tpu.memref_squeeze %dma_start3A_250 : memref<1x32x1024xf32, #tpu.memory_space<hbm>> -> memref<32x1024xf32, #tpu.memory_space<hbm>>
    tpu.enqueue_dma source(%arg7 : memref<32x1024xf32, #tpu.memory_space<vmem>>) target(%dma_start3A_251 : memref<32x1024xf32, #tpu.memory_space<hbm>>) target_semaphore(%arg11 : memref<!tpu.dma_semaphore, #tpu.memory_space<semaphore_mem>>)
    %dma_wait3A_252 = arith.constant 0 : i32
    %dma_wait3A_253 = tpu.memref_slice %arg4[%select_n3A, %add3A_227, %dma_wait3A_252] : memref<4x2048x1024xf32, #tpu.memory_space<hbm>> -> memref<1x32x1024xf32, #tpu.memory_space<hbm>>
    %dma_wait3A_254 = tpu.memref_squeeze %dma_wait3A_253 : memref<1x32x1024xf32, #tpu.memory_space<hbm>> -> memref<32x1024xf32, #tpu.memory_space<hbm>>
    %dma_wait3A_255 = arith.constant 0 : i32
    %dma_wait3A_256 = tpu.memref_slice %arg4[%select_n3A, %add3A_227, %dma_wait3A_255] : memref<4x2048x1024xf32, #tpu.memory_space<hbm>> -> memref<1x32x1024xf32, #tpu.memory_space<hbm>>
    %dma_wait3A_257 = tpu.memref_squeeze %dma_wait3A_256 : memref<1x32x1024xf32, #tpu.memory_space<hbm>> -> memref<32x1024xf32, #tpu.memory_space<hbm>>
    tpu.wait_dma2 semaphore(%arg10 : memref<!tpu.dma_semaphore, #tpu.memory_space<semaphore_mem>>) src(%arg6 : memref<32x1024xf32, #tpu.memory_space<vmem>>) dst(%dma_wait3A_257 : memref<32x1024xf32, #tpu.memory_space<hbm>>)
    %dma_wait3A_258 = arith.constant 0 : i32
    %dma_wait3A_259 = tpu.memref_slice %arg4[%select_n3A, %add3A_245, %dma_wait3A_258] : memref<4x2048x1024xf32, #tpu.memory_space<hbm>> -> memref<1x32x1024xf32, #tpu.memory_space<hbm>>
    %dma_wait3A_260 = tpu.memref_squeeze %dma_wait3A_259 : memref<1x32x1024xf32, #tpu.memory_space<hbm>> -> memref<32x1024xf32, #tpu.memory_space<hbm>>
    %dma_wait3A_261 = arith.constant 0 : i32
    %dma_wait3A_262 = tpu.memref_slice %arg4[%select_n3A, %add3A_245, %dma_wait3A_261] : memref<4x2048x1024xf32, #tpu.memory_space<hbm>> -> memref<1x32x1024xf32, #tpu.memory_space<hbm>>
    %dma_wait3A_263 = tpu.memref_squeeze %dma_wait3A_262 : memref<1x32x1024xf32, #tpu.memory_space<hbm>> -> memref<32x1024xf32, #tpu.memory_space<hbm>>
    tpu.wait_dma2 semaphore(%arg11 : memref<!tpu.dma_semaphore, #tpu.memory_space<semaphore_mem>>) src(%arg7 : memref<32x1024xf32, #tpu.memory_space<vmem>>) dst(%dma_wait3A_263 : memref<32x1024xf32, #tpu.memory_space<hbm>>)
    return
  }
}

</mosaic_0001>

<sc_bundles>
// kernel: kernel.3.cloned.1.call-start
scs
__scs_entry_jumppad:
0x0: {  	(pc) =	sbr.rel $0x88, $3  }
0x1: {  	(tag) =	ssettag $0x0;
	lr =	simm.s32 $0x1  }
0x2: {  	[smem:$0x3F9F] =	sst lr;
	_ =	strace $0xD0000000  }
0x3: {  	_ = 	snop  }
0x4: {  	_ = 	snop  }
0x5: {  	_ = 	snop  }
0x6: {  	_ = 	snop  }
0x7: {  	_ = 	snop  }
__scs_overlays_trampoline_lowered:
0x8: {  	[smem:$0x3FAE] =	sst s0  }
0x9: {  	[smem:$0x3FAF] =	sst s1  }
0xa: {  	[smem:$0x3FB0] =	sst s2  }
0xb: {  	[smem:$0x3FB1] =	sst s3  }
0xc: {  	[smem:$0x3FB2] =	sst s4  }
0xd: {  	[smem:$0x3FB3] =	sst s5  }
0xe: {  	[smem:$0x3FB4] =	sst s6  }
0xf: {  	[smem:$0x3FB5] =	sst s7  }
0x10: {  	[smem:$0x3FB6] =	sst s8  }
0x11: {  	[smem:$0x3FB7] =	sst s9;
	s0 =	simm.s32 @!p0 $0x0  }
0x12: {  	s1 =	sld [smem:$0x3F9D];
	s0 =	simm.s32 @p0 $0x1  }
0x13: {  	[smem:$0x3FB8] =	sst s0;
	s0 =	simm.s32 @!p1 $0x0  }
0x14: {  	s2 =	sld [smem:$0x3F9C];
	s0 =	simm.s32 @p1 $0x1  }
0x15: {  	[smem:$0x3FB9] =	sst s0;
	s0 =	simm.s32 @!p2 $0x0  }
0x16: {  	s3 =	sld [smem:$0x3FDB];
	s0 =	simm.s32 @p2 $0x1  }
0x17: {  	s4 =	simm.s32 $0x1BF5;
	[smem:$0x3FBB] =	sst s0  }
0x18: {  	s0 =	sld [smem:$0x3F9E];
	_ =	swait.ge [sflag:s4], $0x0  }
0x19: {  	s7 =	sld [smem:$0x3F9F]  }
0x1a: {  	s8 =	sadd.s32 $0xFFFFE003, lr  }
0x1b: {  	s9 =	sadd.s32 $0xFFFFFEF7, lr;
	s5 =	simm.s32 $0xFFFFFFFF;
	p2 =	slt.u32 s8, $0xFFFFF086  }
0x1c: {  	p1 =	slt.u32 s9, $0xF7A;
	s5 =	simm.s32 @!p2 $0x0  }
0x1d: {  	s5 =	simm.s32 @p1 $0x1;
	p0 =	seq.s32 s7, s2  }
0x1e: {  	s7 =	smul.u32 @!p0 $0xF7A, s2;
	p2 =	seq.s32 @!p0 s5, $0x0  }
0x1f: {  	s9 =	smul.u32 $0xF7A, s1;
	s8 =	simm.s32 @!p0 $0x1BF5;
	p2 =	por !p2, p0  }
0x20: {  	[sflag:s8] =	ssyncset.s32 @!p0 $0xFFFFF086;
	s6 =	sadd.s32 @!p0 s3, s7;
	s7 =	simm.s32 @!p0 $0x108  }
0x21: {  	s3 =	sadd.s32 s3, s9;
	s6 =	sadd.s32 @!p0 $0x88, s6;
	s7 =	simm.s32 @p2 $0x1082  }
0x22: {  	[simem:s7], [sflag:s8] =	dma.local @!p0 [hbm:s6], $0xF7A  }
0x23: {  	s9 =	sor.u32 $0xD0000000, s2;
	s6 =	simm.s32 $0x108;
	_ =	swait.ge @!p0 [sflag:s8], $0x0  }
0x24: {  	s3 =	sadd.s32 $0x88, s3;
	s6 =	simm.s32 @!p1 $0x1082;
	[sflag:s4] =	ssyncset.s32 $0xFFFFF086  }
0x25: {  	[simem:s6], [sflag:s4] =	dma.local [hbm:s3], $0xF7A  }
0x26: {  	[smem:$0x3F9F] =	sst s1;
	(tag) =	ssettag s2;
	_ =	strace s9  }
0x27: {  	s1 =	sld [smem:$0x3FAF]  }
0x28: {  	s2 =	sld [smem:$0x3FB0]  }
0x29: {  	s4 =	sld [smem:$0x3FB2]  }
0x2a: {  	p0 =	seq.s32 s5, $0x0;
	s5 =	sld [smem:$0x3FB3]  }
0x2b: {  	s6 =	sld [smem:$0x3FB4]  }
0x2c: {  	s7 =	sld [smem:$0x3FB5]  }
0x2d: {  	s3 =	simm.s32 $0x108;
	s8 =	sld [smem:$0x3FB6]  }
0x2e: {  	s3 =	simm.s32 @!p0 $0x1082;
	s9 =	sld [smem:$0x3FB7]  }
0x2f: {  	lr =	sadd.s32 s0, s3;
	s0 =	sld [smem:$0x3FAE]  }
0x30: {  	s3 =	sld [smem:$0x3FB1]  }
0x31: {  	[smem:$0x3FBA] =	sst s10  }
0x32: {  	s10 =	sld [smem:$0x3FB8];
	_ =	sdelay $0x3  }
0x33: {  	p0 =	seq.s32 s10, $0x1;
	s10 =	sld [smem:$0x3FBA];
	_ =	sdelay $0x3  }
0x34: {  	[smem:$0x3FBA] =	sst s10  }
0x35: {  	s10 =	sld [smem:$0x3FB9];
	_ =	sdelay $0x3  }
0x36: {  	p1 =	seq.s32 s10, $0x1;
	s10 =	sld [smem:$0x3FBA];
	_ =	sdelay $0x3  }
0x37: {  	[smem:$0x3FBA] =	sst s10  }
0x38: {  	s10 =	sld [smem:$0x3FBB]  }
0x39: {  	_ = 	snop;
	(pc) =	sbr.ind lr, $3  }
0x3a: {  	_ = 	snop  }
0x3b: {  	_ = 	snop  }
0x3c: {  	p2 =	seq.s32 s10, $0x1;
	s10 =	sld [smem:$0x3FBA]  }
0x3d: {  	_ =	shalt  }
0x3e: {  	_ =	shalt  }
0x3f: {  	_ =	shalt  }
0x40: {  	_ =	shalt  }
0x41: {  	_ =	shalt  }
0x42: {  	_ =	shalt  }
0x43: {  	_ =	shalt  }
0x44: {  	_ =	shalt  }
0x45: {  	_ =	shalt  }
0x46: {  	_ =	shalt  }
0x47: {  	_ =	shalt  }
0x48: {  	_ =	shalt  }
0x49: {  	_ =	shalt  }
0x4a: {  	_ =	shalt  }
0x4b: {  	_ =	shalt  }
0x4c: {  	_ =	shalt  }
0x4d: {  	_ =	shalt  }
0x4e: {  	_ =	shalt  }
0x4f: {  	_ =	shalt  }
0x50: {  	_ =	shalt  }
0x51: {  	_ =	shalt  }
0x52: {  	_ =	shalt  }
0x53: {  	_ =	shalt  }
0x54: {  	_ =	shalt  }
0x55: {  	_ =	shalt  }
0x56: {  	_ =	shalt  }
0x57: {  	_ =	shalt  }
0x58: {  	_ =	shalt  }
0x59: {  	_ =	shalt  }
0x5a: {  	_ =	shalt  }
0x5b: {  	_ =	shalt  }
0x5c: {  	_ =	shalt  }
0x5d: {  	_ =	shalt  }
0x5e: {  	_ =	shalt  }
0x5f: {  	_ =	shalt  }
0x60: {  	_ =	shalt  }
0x61: {  	_ =	shalt  }
0x62: {  	_ =	shalt  }
0x63: {  	_ =	shalt  }
0x64: {  	_ =	shalt  }
0x65: {  	_ =	shalt  }
0x66: {  	_ =	shalt  }
0x67: {  	_ =	shalt  }
0x68: {  	_ =	shalt  }
0x69: {  	_ =	shalt  }
0x6a: {  	_ =	shalt  }
0x6b: {  	_ =	shalt  }
0x6c: {  	_ =	shalt  }
0x6d: {  	_ =	shalt  }
0x6e: {  	_ =	shalt  }
0x6f: {  	_ =	shalt  }
0x70: {  	_ =	shalt  }
0x71: {  	_ =	shalt  }
0x72: {  	_ =	shalt  }
0x73: {  	_ =	shalt  }
0x74: {  	_ =	shalt  }
0x75: {  	_ =	shalt  }
0x76: {  	_ =	shalt  }
0x77: {  	_ =	shalt  }
0x78: {  	_ =	shalt  }
0x79: {  	_ =	shalt  }
0x7a: {  	_ =	shalt  }
0x7b: {  	_ =	shalt  }
0x7c: {  	_ =	shalt  }
0x7d: {  	_ =	shalt  }
0x7e: {  	_ =	shalt  }
0x7f: {  	_ =	shalt  }
0x80: {  	_ =	shalt  }
0x81: {  	_ =	shalt  }
0x82: {  	_ =	shalt  }
0x83: {  	_ =	shalt  }
0x84: {  	_ =	shalt  }
0x85: {  	_ =	shalt  }
0x86: {  	_ =	shalt  }
0x87: {  	_ =	shalt  }
.Lfunc_end0:
.L_simem_size_0:
called_computation_lowered:
.L_overlay_start_0:
0x88: {  	s2 =	sld [smem:$0x3FD9]  }
0x89: {  	s3 =	sld [smem:$0x3FFE];
	_ =	sdelay $0x1  }
0x8a: {  	s1 =	srdreg.scid  }
0x8b: {  	s0 =	sand.u32 $0x1, s1  }
0x8c: {  	s18 =	sshll.u32 s0, $0xA;
	s2 =	sadd.s32 s3, s2  }
0x8d: {  	s2 =	sadd.s32 s2, s18  }
0x8e: {  	[smem:$0x3FC6] =	sst s2  }
0x8f: {  	_ = 	snop  }
0x90: {  	s2 =	sld [smem:$0x3FC9]  }
0x91: {  	s19 =	sld [smem:$0x3FC8]  }
0x92: {  	s4 =	sld [smem:$0x3FD0];
	(tm) =	ssettm $0x1  }
0x93: {  	s5 =	sld [smem:$0x3FFB];
	_ =	sdelay $0x3  }
0x94: {  	_ =	strace s5  }
0x95: {  	s5 =	sld [smem:$0x3FFC];
	_ =	sdelay $0x3  }
0x96: {  	_ =	strace s5  }
0x97: {  	s5 =	sld [smem:$0x3FFD];
	_ =	sdelay $0x3  }
0x98: {  	_ =	strace s5  }
0x99: {  	_ =	strace $0x8FFFFFFF  }
0x9a: {  	s20 =	sld [smem:$0x3FDB];
	_ =	sdelay $0x1  }
0x9b: {  	s6 =	simm.s32 $_scs_section_size  }
0x9c: {  	s7 =	simm.s32 $_size__tile_overlayer_lowered;
	s8 =	simm.s32 $_tile_overlayer_lowered  }
0x9d: {  	s23 =	simm.s32 $0x1BFF;
	s22 =	sshll.u32 s8, $0x1;
	s5 =	sadd.s32 s6, s20  }
0x9e: {  	s9 =	simm.s32 $0x0;
	s21 =	sshll.u32 s7, $0x1;
	s7 =	sadd.s32 s22, s5  }
0x9f: {  	[timem:s9], [sflag:s23] =	dma.local [hbm:s7], s21  }
0xa0: {  	_ =	swait.ge [sflag:s23], s21  }
0xa1: {  	s6 =	ssub.s32 $0x0, s21;
	[sflag:s23] =	ssyncset.done $0x0  }
0xa2: {  	[sflag:s23] =	ssyncadd.s32 s6;
	_ =	sdelay $0x1  }
0xa3: {  	s24 =	simm.s32 $0x1B8B  }
0xa4: {  	_ =	swait.ge [sflag:s24], $0x1  }
0xa5: {  	[sflag:s24] =	ssyncset.done $0x0  }
0xa6: {  	s25 =	simm.s32 $0x1B8E;
	[sflag:s24] =	ssyncadd.s32 $0xFFFFFFFF  }
0xa7: {  	s26 =	simm.s32 $execute0_lowered;
	[smem:$0x3FD2] =	sst s25  }
0xa8: {  	s6 =	sshll.u32 s26, $0x1;
	_ =	strace $0x80000046;
	[dreg:$0x1] =	wrdreg $0xFFFFFFFF  }
0xa9: {  	s28 =	simm.s32 $_size_execute0_lowered;
	s5 =	sadd.s32 s5, s6;
	[dreg:$0x0] =	wrdreg $0x0  }
0xaa: {  	s6 =	sshll.u32 s28, $0x1;
	[dreg:$0x2] =	wrdreg s5  }
0xab: {  	[dreg:$0x3] =	wrdreg s6  }
0xac: {  	[dreg:$0x4] =	wrdreg $0xC0  }
0xad: {  	_ =	task [dreg:s9], $0x5FFFF  }
0xae: {  	[dreg:$0x1] =	wrdreg $0xFFFFFFFF  }
0xaf: {  	[dreg:$0x0] =	wrdreg $0x60  }
0xb0: {  	[dreg:$0x2] =	wrdreg s2  }
0xb1: {  	[dreg:$0x3] =	wrdreg s19  }
0xb2: {  	[dreg:$0x4] =	wrdreg s4  }
0xb3: {  	[dreg:$0x5] =	wrdreg $0x9  }
0xb4: {  	_ =	task.clear_ibuf [dreg:s9], $0x6FFFF;
	_ =	strace $0x90000046  }
0xb5: {  	s29 =	simm.s32 $0x9;
	_ =	strace $0x80000048  }
0xb6: {  	_ =	swait.ge [sflag:s29], $0x1  }
0xb7: {  	[sflag:s29] =	ssyncadd.s32 $0xFFFFFFFF  }
0xb8: {  	_ =	strace $0x90000048  }
0xb9: {  	_ =	sfence  }
0xba: {  	s30 =	sld [smem:$0x0];
	_ =	sdelay $0x2  }
0xbb: {  	s31 =	sshll.u32 s1, $0xD;
	s1 =	sshrl.u32 s1, $0x2  }
0xbc: {  	s3 =	sand.u32 $0x4000, s31;
	s1 =	sadd.s32 s1, s30  }
0xbd: {  	s0 =	sor.u32 s3, s0;
	s1 =	sshll.u32 s1, $0x11  }
0xbe: {  	s0 =	sor.u32 s1, s0  }
0xbf: {  	s0 =	sadd.s32 $0x8F2B, s0  }
0xc0: {  	[sflag:s0] =	ssyncadd.remote.s32 $0x1  }
0xc1: {  	_ =	sfence.sel $0xFFFF  }
0xc2: {  	[dreg:$0x0] =	wrdreg $0xFFFFFFFF;
	(pc) =	sbr.abs _section_cstart, $3  }
0xc3: {  	[dreg:$0x1] =	wrdreg $0xFFFFFFFF  }
0xc4: {  	_ =	task.clear_ibuf [dreg:s9], $0x2FFFF;
	_ =	strace $0x9FFFFFFF  }
0xc5: {  	(tm) =	ssettm $0x7FFFFFFF  }
tec
execute0_lowered:
.L_overlay_start_1:
0x0: {  	(tag) =	ssettag $0x1  }
0x1: {  	s0 =	rddreg [dreg:$0x0]  }
0x2: {  	s5 =	stileid.u32;
	s2 =	rddreg [dreg:$0x1]  }
0x3: {  	s1 =	srdreg.scid;
	s4 =	rddreg [dreg:$0x2]  }
0x4: {  	s15 =	simm.s32 $0xA100;
	s16 =	simm.s32 $0xA900;
	s17 =	simm.s32 $0xB100  }
0x5: {  	s28 =	simm.s32 $0xF900;
	s29 =	simm.s32 $0x2;
	s30 =	simm.s32 $0x3  }
0x6: {  	s31 =	simm.s32 $0x4;
	s3 =	sshll.u32 s5, $0x1;
	s7 =	sshrl.u32 s5, $0x2  }
0x7: {  	s1 =	sand.u32 $0x1, s1;
	s3 =	sand.u32 $0x6, s3;
	s9 =	sshll.u32 s7, $0x7  }
0x8: {  	s12 =	sshll.u32 s7, $0x15;
	s7 =	sadd.s32 $0x300, s2;
	s8 =	sor.u32 s1, s3  }
0x9: {  	s3 =	simm.s32 $0x0;
	s1 =	ssub.s32 $0x2, s1;
	s18 =	sshll.u32 s8, $0xA  }
0xa: {  	[smem:$0x7FF] =	sst s3;
	s6 =	sshrl.u32 s1, $0x1;
	s10 =	sshll.u32 s8, $0x8  }
0xb: {  	s8 =	sshll.u32 s8, $0x12;
	s5 =	sor.u32 s9, s18;
	_ =	strace $0x80000047  }
0xc: {  	s1 =	ssub.s32 s1, s6;
	s6 =	sadd.s32 $0x200, s2;
	s10 =	sor.u32 $0x80, s10  }
0xd: {  	s8 =	sor.u32 s12, s8;
	s18 =	simm.s32 $0x5;
	s5 =	sshrl.u32 s5, $0x3  }
0xe: {  	s11 =	sshll.u32 s10, $0x2;
	s8 =	sshrl.u32 s8, $0x3;
	s26 =	smax.u32 s1, $0x1  }
0xf: {  	s10 =	sshll.u32 s10, $0xA;
	s5 =	sadd.s32 s0, s5;
	[dreg:$0xe] =	wrdreg s26  }
0x10: {  	s1 =	simm.s32 $0x0;
	s8 =	sadd.s32 s4, s8;
	[dreg:$0x4] =	wrdreg s5  }
0x11: {  	s9 =	sor.u32 s9, s11;
	s20 =	sadd.s32 $0x1000, s8;
	[dreg:$0x6] =	wrdreg s8  }
0x12: {  	s19 =	sor.u32 s12, s10;
	s21 =	sadd.s32 $0x2000, s8;
	[dreg:$0x7] =	wrdreg s20  }
0x13: {  	s10 =	simm.s32 $0x1;
	s22 =	sadd.s32 $0x3000, s8;
	[dreg:$0x8] =	wrdreg s21  }
0x14: {  	s11 =	simm.s32 $0x8100;
	s23 =	sadd.s32 $0x5000, s8;
	[dreg:$0x9] =	wrdreg s22  }
0x15: {  	s26 =	simm.s32 $0xF100;
	s24 =	sadd.s32 $0x6000, s8;
	[dreg:$0xb] =	wrdreg s23  }
0x16: {  	s9 =	sshrl.u32 s9, $0x3;
	s25 =	sadd.s32 $0x7000, s8;
	[dreg:$0xc] =	wrdreg s24  }
0x17: {  	s5 =	sadd.s32 $0x100, s2;
	s0 =	sadd.s32 s0, s9;
	[dreg:$0xd] =	wrdreg s25  }
0x18: {  	s9 =	simm.s32 $0xB900;
	s20 =	simm.s32 $0xC100;
	s21 =	simm.s32 $0xC900  }
0x19: {  	v2 =	vlaneseq.u32;
	s22 =	simm.s32 $0xD100;
	[dreg:$0x5] =	wrdreg s0;
	s0 =	sshrl.u32 s19, $0x3  }
0x1a: {  	vm0 =	vmmov $0xffff;
	v1 =	vshrl.u32 v2, $0x3;
	s23 =	simm.s32 $0xD900;
	s24 =	simm.s32 $0xE100;
	s0 =	sadd.s32 s4, s0  }
0x1b: {  	v0 =	vand.u32 $0x7, v2;
	v2 =	vor.u32 $0x8, v2;
	v1 =	vmul.u32 $0x8, v1;
	s25 =	simm.s32 $0xE900;
	s19 =	simm.s32 $0x100;
	[dreg:$0xa] =	wrdreg s0  }
.LBB2_1:
0x1c: {  	s0 =	rddreg [dreg:$0x4]  }
0x1d: {  	[tilespmem:s3], [sflag:$0x5] =	stream.linear.gather [hbm4b:s0+s3], $0x80, $0x38;
	[tilespmem:$0x10100] =	vst v63  }
0x1e: {  	_ =	swait.ge [sflag:s18], $0x80  }
0x1f: {  	[sflag:s18] =	ssyncset.done $0x0  }
0x20: {  	[sflag:s18] =	ssyncadd.s32 $0xFFFFFF80  }
0x21: {  	v3 =	vld [tilespmem:$0x0];
	_ =	sdelay $0x4  }
0x22: {  	v4 =	vshll.u32 v3, $0x3  }
0x23: {  	v3 =	vand.u32 $0x7, v3;
	v4 =	vand.u32 $0xFFFFFFC0, v4  }
0x24: {  	v3 =	vor.u32 v3, v4  }
0x25: {  	v4 =	vperm.xlane v3, v0;
	_ =	sdelay $0x1  }
0x26: {  	v4 =	vadd.s32 v1, v4;
	_ =	sdelay $0x4  }
0x27: {  	[tilespmem:s19], [sflag:$0x1] =	stream.indirect_vreg.gather [hbm4b:s2+s3], $0x80, v4, vm0, $0xb8;
	[tilespmem:$0x10100] =	vst v63  }
0x28: {  	s8 =	simm.s32 $0x900;
	v3 =	vperm.xlane v3, v2  }
0x29: {  	[tilespmem:s8], [sflag:$0x1] =	stream.indirect_vreg.gather [hbm4b:s5+s3], $0x80, v4, vm0, $0xb8;
	[tilespmem:$0x10100] =	vst v63  }
0x2a: {  	s12 =	simm.s32 $0x1100;
	v3 =	vadd.s32 v1, v3  }
0x2b: {  	[tilespmem:s12], [sflag:$0x1] =	stream.indirect_vreg.gather [hbm4b:s6+s3], $0x80, v4, vm0, $0xb8;
	[tilespmem:$0x10100] =	vst v63  }
0x2c: {  	s13 =	simm.s32 $0x1900  }
0x2d: {  	[tilespmem:s13], [sflag:$0x1] =	stream.indirect_vreg.gather [hbm4b:s7+s3], $0x80, v4, vm0, $0xb8;
	[tilespmem:$0x10100] =	vst v63  }
0x2e: {  	s14 =	simm.s32 $0x2100  }
0x2f: {  	[tilespmem:s14], [sflag:$0x1] =	stream.indirect_vreg.gather [hbm4b:s2+s3], $0x80, v3, vm0, $0xb8;
	[tilespmem:$0x10100] =	vst v63  }
0x30: {  	s4 =	simm.s32 $0x2900  }
0x31: {  	[tilespmem:s4], [sflag:$0x1] =	stream.indirect_vreg.gather [hbm4b:s5+s3], $0x80, v3, vm0, $0xb8;
	[tilespmem:$0x10100] =	vst v63  }
0x32: {  	s8 =	simm.s32 $0x3100  }
0x33: {  	[tilespmem:s8], [sflag:$0x1] =	stream.indirect_vreg.gather [hbm4b:s6+s3], $0x80, v3, vm0, $0xb8;
	[tilespmem:$0x10100] =	vst v63  }
0x34: {  	s12 =	simm.s32 $0x3900  }
0x35: {  	[tilespmem:s12], [sflag:$0x1] =	stream.indirect_vreg.gather [hbm4b:s7+s3], $0x80, v3, vm0, $0xb8;
	[tilespmem:$0x10100] =	vst v63  }
0x36: {  	v3 =	vld [tilespmem:$0x10];
	_ =	sdelay $0x4  }
0x37: {  	v61 =	vshll.u32 v3, $0x3  }
0x38: {  	v3 =	vand.u32 $0x7, v3;
	v4 =	vand.u32 $0xFFFFFFC0, v61  }
0x39: {  	v3 =	vor.u32 v3, v4  }
0x3a: {  	v4 =	vperm.xlane v3, v0;
	_ =	sdelay $0x1  }
0x3b: {  	v4 =	vadd.s32 v1, v4;
	_ =	sdelay $0x3  }
0x3c: {  	s13 =	simm.s32 $0x4100  }
0x3d: {  	[tilespmem:s13], [sflag:$0x1] =	stream.indirect_vreg.gather [hbm4b:s2+s3], $0x80, v4, vm0, $0xb8;
	[tilespmem:$0x10100] =	vst v63  }
0x3e: {  	s14 =	simm.s32 $0x4900;
	v3 =	vperm.xlane v3, v2  }
0x3f: {  	[tilespmem:s14], [sflag:$0x1] =	stream.indirect_vreg.gather [hbm4b:s5+s3], $0x80, v4, vm0, $0xb8;
	[tilespmem:$0x10100] =	vst v63  }
0x40: {  	s4 =	simm.s32 $0x5100;
	v3 =	vadd.s32 v1, v3  }
0x41: {  	[tilespmem:s4], [sflag:$0x1] =	stream.indirect_vreg.gather [hbm4b:s6+s3], $0x80, v4, vm0, $0xb8;
	[tilespmem:$0x10100] =	vst v63  }
0x42: {  	s8 =	simm.s32 $0x5900  }
0x43: {  	[tilespmem:s8], [sflag:$0x1] =	stream.indirect_vreg.gather [hbm4b:s7+s3], $0x80, v4, vm0, $0xb8;
	[tilespmem:$0x10100] =	vst v63  }
0x44: {  	s12 =	simm.s32 $0x6100  }
0x45: {  	[tilespmem:s12], [sflag:$0x1] =	stream.indirect_vreg.gather [hbm4b:s2+s3], $0x80, v3, vm0, $0xb8;
	[tilespmem:$0x10100] =	vst v63  }
0x46: {  	s13 =	simm.s32 $0x6900  }
0x47: {  	[tilespmem:s13], [sflag:$0x1] =	stream.indirect_vreg.gather [hbm4b:s5+s3], $0x80, v3, vm0, $0xb8;
	[tilespmem:$0x10100] =	vst v63  }
0x48: {  	s14 =	simm.s32 $0x7100  }
0x49: {  	[tilespmem:s14], [sflag:$0x1] =	stream.indirect_vreg.gather [hbm4b:s6+s3], $0x80, v3, vm0, $0xb8;
	[tilespmem:$0x10100] =	vst v63  }
0x4a: {  	s4 =	simm.s32 $0x7900  }
0x4b: {  	[tilespmem:s4], [sflag:$0x1] =	stream.indirect_vreg.gather [hbm4b:s7+s3], $0x80, v3, vm0, $0xb8;
	[tilespmem:$0x10100] =	vst v63  }
0x4c: {  	s8 =	rddreg [dreg:$0x5];
	s4 =	simm.s32 $0x80  }
0x4d: {  	[tilespmem:s4], [sflag:$0x5] =	stream.linear.gather [hbm4b:s8+s3], $0x80, $0x38;
	[tilespmem:$0x10100] =	vst v63  }
0x4e: {  	_ =	swait.ge [sflag:s18], $0x80  }
0x4f: {  	[sflag:s18] =	ssyncset.done $0x0  }
0x50: {  	[sflag:s18] =	ssyncadd.s32 $0xFFFFFF80  }
0x51: {  	_ =	swait.ge [sflag:s10], $0x8000  }
0x52: {  	[sflag:s10] =	ssyncset.done $0x0  }
0x53: {  	[sflag:s10] =	ssyncadd.s32 $0xFFFF8000  }
0x54: {  	v3 =	vld [tilespmem:$0x20];
	_ =	sdelay $0x4  }
0x55: {  	v62 =	vshll.u32 v3, $0x3  }
0x56: {  	v3 =	vand.u32 $0x7, v3;
	v4 =	vand.u32 $0xFFFFFFC0, v62  }
0x57: {  	v3 =	vor.u32 v3, v4  }
0x58: {  	v4 =	vperm.xlane v3, v0;
	_ =	sdelay $0x1  }
0x59: {  	v4 =	vadd.s32 v1, v4;
	_ =	sdelay $0x4  }
0x5a: {  	[tilespmem:s11], [sflag:$0x2] =	stream.indirect_vreg.gather [hbm4b:s2+s3], $0x80, v4, vm0, $0xb8;
	[tilespmem:$0x10100] =	vst v63  }
0x5b: {  	s12 =	simm.s32 $0x8900;
	v3 =	vperm.xlane v3, v2  }
0x5c: {  	[tilespmem:s12], [sflag:$0x2] =	stream.indirect_vreg.gather [hbm4b:s5+s3], $0x80, v4, vm0, $0xb8;
	[tilespmem:$0x10100] =	vst v63  }
0x5d: {  	s13 =	simm.s32 $0x9100;
	v3 =	vadd.s32 v1, v3  }
0x5e: {  	[tilespmem:s13], [sflag:$0x2] =	stream.indirect_vreg.gather [hbm4b:s6+s3], $0x80, v4, vm0, $0xb8;
	[tilespmem:$0x10100] =	vst v63  }
0x5f: {  	s14 =	simm.s32 $0x9900  }
0x60: {  	[tilespmem:s14], [sflag:$0x2] =	stream.indirect_vreg.gather [hbm4b:s7+s3], $0x80, v4, vm0, $0xb8;
	[tilespmem:$0x10100] =	vst v63  }
0x61: {  	_ = 	snop  }
0x62: {  	[tilespmem:s15], [sflag:$0x2] =	stream.indirect_vreg.gather [hbm4b:s2+s3], $0x80, v3, vm0, $0xb8;
	[tilespmem:$0x10100] =	vst v63  }
0x63: {  	_ = 	snop  }
0x64: {  	[tilespmem:s16], [sflag:$0x2] =	stream.indirect_vreg.gather [hbm4b:s5+s3], $0x80, v3, vm0, $0xb8;
	[tilespmem:$0x10100] =	vst v63  }
0x65: {  	_ = 	snop  }
0x66: {  	[tilespmem:s17], [sflag:$0x2] =	stream.indirect_vreg.gather [hbm4b:s6+s3], $0x80, v3, vm0, $0xb8;
	[tilespmem:$0x10100] =	vst v63  }
0x67: {  	_ = 	snop  }
0x68: {  	[tilespmem:s9], [sflag:$0x2] =	stream.indirect_vreg.gather [hbm4b:s7+s3], $0x80, v3, vm0, $0xb8;
	[tilespmem:$0x10100] =	vst v63  }
0x69: {  	v3 =	vld [tilespmem:$0x30];
	_ =	sdelay $0x4  }
0x6a: {  	v63 =	vshll.u32 v3, $0x3  }
0x6b: {  	v3 =	vand.u32 $0x7, v3;
	v4 =	vand.u32 $0xFFFFFFC0, v63  }
0x6c: {  	v3 =	vor.u32 v3, v4  }
0x6d: {  	v4 =	vperm.xlane v3, v0;
	_ =	sdelay $0x1  }
0x6e: {  	v4 =	vadd.s32 v1, v4;
	_ =	sdelay $0x4  }
0x6f: {  	[tilespmem:s20], [sflag:$0x2] =	stream.indirect_vreg.gather [hbm4b:s2+s3], $0x80, v4, vm0, $0xb8;
	[tilespmem:$0x10100] =	vst v63  }
0x70: {  	v3 =	vperm.xlane v3, v2  }
0x71: {  	[tilespmem:s21], [sflag:$0x2] =	stream.indirect_vreg.gather [hbm4b:s5+s3], $0x80, v4, vm0, $0xb8;
	[tilespmem:$0x10100] =	vst v63  }
0x72: {  	v3 =	vadd.s32 v1, v3  }
0x73: {  	[tilespmem:s22], [sflag:$0x2] =	stream.indirect_vreg.gather [hbm4b:s6+s3], $0x80, v4, vm0, $0xb8;
	[tilespmem:$0x10100] =	vst v63  }
0x74: {  	_ = 	snop  }
0x75: {  	[tilespmem:s23], [sflag:$0x2] =	stream.indirect_vreg.gather [hbm4b:s7+s3], $0x80, v4, vm0, $0xb8;
	[tilespmem:$0x10100] =	vst v63  }
0x76: {  	_ = 	snop  }
0x77: {  	[tilespmem:s24], [sflag:$0x2] =	stream.indirect_vreg.gather [hbm4b:s2+s3], $0x80, v3, vm0, $0xb8;
	[tilespmem:$0x10100] =	vst v63  }
0x78: {  	_ = 	snop  }
0x79: {  	[tilespmem:s25], [sflag:$0x2] =	stream.indirect_vreg.gather [hbm4b:s5+s3], $0x80, v3, vm0, $0xb8;
	[tilespmem:$0x10100] =	vst v63  }
0x7a: {  	_ = 	snop  }
0x7b: {  	[tilespmem:s26], [sflag:$0x2] =	stream.indirect_vreg.gather [hbm4b:s6+s3], $0x80, v3, vm0, $0xb8;
	[tilespmem:$0x10100] =	vst v63  }
0x7c: {  	s0 =	simm.s32 $0x0;
	s4 =	simm.s32 $0x0;
	s8 =	simm.s32 $0x0  }
0x7d: {  	[tilespmem:s28], [sflag:$0x2] =	stream.indirect_vreg.gather [hbm4b:s7+s3], $0x80, v3, vm0, $0xb8;
	[tilespmem:$0x10100] =	vst v63  }
.LBB2_2:
0x7e: {  	s12 =	sshll.u32 s4, $0x2;
	s13 =	sand.u32 $0x7, s0  }
0x7f: {  	s12 =	sand.u32 $0xFFFF8000, s12;
	s13 =	sshll.u32 s13, $0x9  }
0x80: {  	s12 =	sor.u32 s13, s12  }
0x81: {  	s12 =	sshrl.u32 s12, $0x2  }
0x82: {  	s12 =	sadd.s32 $0x140, s12  }
0x83: {  	v4 =	vld [tilespmem:s12+$0xFFFFFFC0];
	_ =	sdelay $0x1  }
0x84: {  	v7 =	vld [tilespmem:s12+$0xFFFFFFD0]  }
0x85: {  	v9 =	vld [tilespmem:s12+$0xFFFFFFE0]  }
0x86: {  	v5 =	vld [tilespmem:s12+$0x0]  }
0x87: {  	v3 =	vld [tilespmem:s12+$0x10];
	v8 =	vmul.f32 $3.200000000e+01, v4  }
0x88: {  	v6 =	vld [tilespmem:s12+$0x20]  }
0x89: {  	v4 =	vld [tilespmem:s12+$0x30];
	[tilespmem:s12+$0xFFFFFFC0] =	vst v8;
	v8 =	vmul.f32 $3.200000000e+01, v7  }
0x8a: {  	s13 =	simm.s32 $0x0;
	s14 =	sadd.s32 $0x400, s12;
	v9 =	vmul.f32 $3.200000000e+01, v9;
	v7 =	vld [tilespmem:s12+$0xFFFFFFF0]  }
.LBB2_3:
0x8b: {  	v10 =	vld [tilespmem:s14+$0xFFFFFFC0];
	[tilespmem:s12+$0xFFFFFFD0] =	vst v8;
	v5 =	vmul.f32 $3.200000000e+01, v5  }
0x8c: {  	s13 =	sadd.s32 $0x8, s13;
	v8 =	vld [tilespmem:s14+$0xFFFFFFD0];
	[tilespmem:s12+$0xFFFFFFE0] =	vst v9;
	v3 =	vmul.f32 $3.200000000e+01, v3  }
0x8d: {  	p0 =	slt.u32 s13, $0x38;
	v9 =	vld [tilespmem:s14+$0xFFFFFFE0];
	[tilespmem:s12+$0x0] =	vst v5;
	v6 =	vmul.f32 $3.200000000e+01, v6  }
.Ltmp0:
0x8e: {  	v5 =	vld [tilespmem:s14+$0x0];
	[tilespmem:s12+$0x10] =	vst v3;
	v4 =	vmul.f32 $3.200000000e+01, v4;
	(pc) =	sbr.rel @p0 .LBB2_3-.Ltmp0, $4  }
0x8f: {  	v3 =	vld [tilespmem:s14+$0x10];
	v7 =	vmul.f32 $3.200000000e+01, v7;
	[tilespmem:s12+$0x20] =	vst v6  }
0x90: {  	v10 =	vmul.f32 $3.200000000e+01, v10;
	v6 =	vld [tilespmem:s14+$0x20];
	[tilespmem:s12+$0x30] =	vst v4  }
0x91: {  	v8 =	vmul.f32 $3.200000000e+01, v8;
	v4 =	vld [tilespmem:s14+$0x30];
	[tilespmem:s12+$0xFFFFFFF0] =	vst v7;
	s12 =	smov.u32 s14  }
0x92: {  	s14 =	sadd.s32 $0x400, s14;
	[tilespmem:s12+$0xFFFFFFC0] =	vst v10;
	v9 =	vmul.f32 $3.200000000e+01, v9;
	v7 =	vld [tilespmem:s12+$0xFFFFFFF0]  }
0x93: {  	[tilespmem:s12+$0xFFFFFFD0] =	vst v8;
	v5 =	vmul.f32 $3.200000000e+01, v5;
	s8 =	sadd.s32 $0x1, s8  }
0x94: {  	[tilespmem:s12+$0xFFFFFFE0] =	vst v9;
	v3 =	vmul.f32 $3.200000000e+01, v3;
	p0 =	sne.s32 s8, $0x20  }
.Ltmp1:
0x95: {  	[tilespmem:s12+$0x0] =	vst v5;
	v62 =	vmul.f32 $3.200000000e+01, v6;
	(pc) =	sbr.rel @p0 .LBB2_2-.Ltmp1, $4  }
0x96: {  	[tilespmem:s12+$0x10] =	vst v3;
	v3 =	vmul.f32 $3.200000000e+01, v4  }
0x97: {  	v63 =	vmul.f32 $3.200000000e+01, v7;
	[tilespmem:s12+$0x20] =	vst v62  }
0x98: {  	[tilespmem:s12+$0x30] =	vst v3  }
0x99: {  	s4 =	sadd.s32 $0x400, s4;
	s0 =	sadd.s32 $0x1, s0;
	[tilespmem:s12+$0xFFFFFFF0] =	vst v63  }
0x9a: {  	s0 =	simm.s32 $0x0;
	s4 =	rddreg [dreg:$0x6]  }
0x9b: {  	[hbm4b:s4+s0] =	stream.linear.scatter [tilespmem:s19], [sflag:$0x3], $0x8000, $0x38;
	[tilespmem:$0x10100] =	vst v63  }
0x9c: {  	_ =	swait.ge [sflag:s29], $0x8000  }
0x9d: {  	[sflag:s29] =	ssyncset.done $0x0  }
0x9e: {  	[sflag:s29] =	ssyncadd.s32 $0xFFFF8000  }
0x9f: {  	_ =	swait.ge [sflag:s30], $0x8000  }
0xa0: {  	[sflag:s30] =	ssyncset.done $0x0  }
0xa1: {  	[sflag:s30] =	ssyncadd.s32 $0xFFFF8000  }
0xa2: {  	v3 =	vld [tilespmem:$0x40];
	_ =	sdelay $0x4  }
0xa3: {  	v4 =	vshll.u32 v3, $0x3  }
0xa4: {  	v3 =	vand.u32 $0x7, v3;
	v4 =	vand.u32 $0xFFFFFFC0, v4  }
0xa5: {  	v3 =	vor.u32 v3, v4  }
0xa6: {  	v4 =	vperm.xlane v3, v0;
	_ =	sdelay $0x1  }
0xa7: {  	v4 =	vadd.s32 v1, v4;
	_ =	sdelay $0x4  }
0xa8: {  	[tilespmem:s19], [sflag:$0x1] =	stream.indirect_vreg.gather [hbm4b:s2+s0], $0x80, v4, vm0, $0xb8;
	[tilespmem:$0x10100] =	vst v63  }
0xa9: {  	s12 =	simm.s32 $0x900;
	v3 =	vperm.xlane v3, v2  }
0xaa: {  	[tilespmem:s12], [sflag:$0x1] =	stream.indirect_vreg.gather [hbm4b:s5+s0], $0x80, v4, vm0, $0xb8;
	[tilespmem:$0x10100] =	vst v63  }
0xab: {  	s13 =	simm.s32 $0x1100;
	v3 =	vadd.s32 v1, v3  }
0xac: {  	[tilespmem:s13], [sflag:$0x1] =	stream.indirect_vreg.gather [hbm4b:s6+s0], $0x80, v4, vm0, $0xb8;
	[tilespmem:$0x10100] =	vst v63  }
0xad: {  	s14 =	simm.s32 $0x1900  }
0xae: {  	[tilespmem:s14], [sflag:$0x1] =	stream.indirect_vreg.gather [hbm4b:s7+s0], $0x80, v4, vm0, $0xb8;
	[tilespmem:$0x10100] =	vst v63  }
0xaf: {  	s8 =	simm.s32 $0x2100  }
0xb0: {  	[tilespmem:s8], [sflag:$0x1] =	stream.indirect_vreg.gather [hbm4b:s2+s0], $0x80, v3, vm0, $0xb8;
	[tilespmem:$0x10100] =	vst v63  }
0xb1: {  	s12 =	simm.s32 $0x2900  }
0xb2: {  	[tilespmem:s12], [sflag:$0x1] =	stream.indirect_vreg.gather [hbm4b:s5+s0], $0x80, v3, vm0, $0xb8;
	[tilespmem:$0x10100] =	vst v63  }
0xb3: {  	s13 =	simm.s32 $0x3100  }
0xb4: {  	[tilespmem:s13], [sflag:$0x1] =	stream.indirect_vreg.gather [hbm4b:s6+s0], $0x80, v3, vm0, $0xb8;
	[tilespmem:$0x10100] =	vst v63  }
0xb5: {  	s14 =	simm.s32 $0x3900  }
0xb6: {  	[tilespmem:s14], [sflag:$0x1] =	stream.indirect_vreg.gather [hbm4b:s7+s0], $0x80, v3, vm0, $0xb8;
	[tilespmem:$0x10100] =	vst v63  }
0xb7: {  	v3 =	vld [tilespmem:$0x50];
	_ =	sdelay $0x4  }
0xb8: {  	v63 =	vshll.u32 v3, $0x3  }
0xb9: {  	v3 =	vand.u32 $0x7, v3;
	v4 =	vand.u32 $0xFFFFFFC0, v63  }
0xba: {  	v3 =	vor.u32 v3, v4  }
0xbb: {  	v4 =	vperm.xlane v3, v0;
	_ =	sdelay $0x1  }
0xbc: {  	v4 =	vadd.s32 v1, v4;
	_ =	sdelay $0x3  }
0xbd: {  	s8 =	simm.s32 $0x4100  }
0xbe: {  	[tilespmem:s8], [sflag:$0x1] =	stream.indirect_vreg.gather [hbm4b:s2+s0], $0x80, v4, vm0, $0xb8;
	[tilespmem:$0x10100] =	vst v63  }
0xbf: {  	s12 =	simm.s32 $0x4900;
	v3 =	vperm.xlane v3, v2  }
0xc0: {  	[tilespmem:s12], [sflag:$0x1] =	stream.indirect_vreg.gather [hbm4b:s5+s0], $0x80, v4, vm0, $0xb8;
	[tilespmem:$0x10100] =	vst v63  }
0xc1: {  	s13 =	simm.s32 $0x5100;
	v3 =	vadd.s32 v1, v3  }
0xc2: {  	[tilespmem:s13], [sflag:$0x1] =	stream.indirect_vreg.gather [hbm4b:s6+s0], $0x80, v4, vm0, $0xb8;
	[tilespmem:$0x10100] =	vst v63  }
0xc3: {  	s14 =	simm.s32 $0x5900  }
0xc4: {  	[tilespmem:s14], [sflag:$0x1] =	stream.indirect_vreg.gather [hbm4b:s7+s0], $0x80, v4, vm0, $0xb8;
	[tilespmem:$0x10100] =	vst v63  }
0xc5: {  	s8 =	simm.s32 $0x6100  }
0xc6: {  	[tilespmem:s8], [sflag:$0x1] =	stream.indirect_vreg.gather [hbm4b:s2+s0], $0x80, v3, vm0, $0xb8;
	[tilespmem:$0x10100] =	vst v63  }
0xc7: {  	s12 =	simm.s32 $0x6900  }
0xc8: {  	[tilespmem:s12], [sflag:$0x1] =	stream.indirect_vreg.gather [hbm4b:s5+s0], $0x80, v3, vm0, $0xb8;
	[tilespmem:$0x10100] =	vst v63  }
0xc9: {  	s13 =	simm.s32 $0x7100  }
0xca: {  	[tilespmem:s13], [sflag:$0x1] =	stream.indirect_vreg.gather [hbm4b:s6+s0], $0x80, v3, vm0, $0xb8;
	[tilespmem:$0x10100] =	vst v63  }
0xcb: {  	s4 =	simm.s32 $0x0;
	s14 =	simm.s32 $0x7900;
	s8 =	simm.s32 $0x0  }
0xcc: {  	[tilespmem:s14], [sflag:$0x1] =	stream.indirect_vreg.gather [hbm4b:s7+s0], $0x80, v3, vm0, $0xb8;
	[tilespmem:$0x10100] =	vst v63  }
.LBB2_6:
0xcd: {  	s12 =	sshll.u32 s4, $0x2;
	s13 =	sand.u32 $0x7, s0  }
0xce: {  	s12 =	sand.u32 $0xFFFF8000, s12;
	s13 =	sshll.u32 s13, $0x9  }
0xcf: {  	s12 =	sor.u32 s13, s12  }
0xd0: {  	s12 =	sshrl.u32 s12, $0x2  }
0xd1: {  	s12 =	sadd.s32 $0x8140, s12  }
0xd2: {  	v4 =	vld [tilespmem:s12+$0xFFFFFFC0];
	_ =	sdelay $0x1  }
0xd3: {  	v7 =	vld [tilespmem:s12+$0xFFFFFFD0]  }
0xd4: {  	v9 =	vld [tilespmem:s12+$0xFFFFFFE0]  }
0xd5: {  	v5 =	vld [tilespmem:s12+$0x0]  }
0xd6: {  	v3 =	vld [tilespmem:s12+$0x10];
	v8 =	vmul.f32 $3.200000000e+01, v4  }
0xd7: {  	v6 =	vld [tilespmem:s12+$0x20]  }
0xd8: {  	v4 =	vld [tilespmem:s12+$0x30];
	[tilespmem:s12+$0xFFFFFFC0] =	vst v8;
	v8 =	vmul.f32 $3.200000000e+01, v7  }
0xd9: {  	s13 =	simm.s32 $0x0;
	s14 =	sadd.s32 $0x400, s12;
	v9 =	vmul.f32 $3.200000000e+01, v9;
	v7 =	vld [tilespmem:s12+$0xFFFFFFF0]  }
.LBB2_7:
0xda: {  	v10 =	vld [tilespmem:s14+$0xFFFFFFC0];
	[tilespmem:s12+$0xFFFFFFD0] =	vst v8;
	v5 =	vmul.f32 $3.200000000e+01, v5  }
0xdb: {  	s13 =	sadd.s32 $0x8, s13;
	v8 =	vld [tilespmem:s14+$0xFFFFFFD0];
	[tilespmem:s12+$0xFFFFFFE0] =	vst v9;
	v3 =	vmul.f32 $3.200000000e+01, v3  }
0xdc: {  	p0 =	slt.u32 s13, $0x38;
	v9 =	vld [tilespmem:s14+$0xFFFFFFE0];
	[tilespmem:s12+$0x0] =	vst v5;
	v6 =	vmul.f32 $3.200000000e+01, v6  }
.Ltmp2:
0xdd: {  	v5 =	vld [tilespmem:s14+$0x0];
	[tilespmem:s12+$0x10] =	vst v3;
	v4 =	vmul.f32 $3.200000000e+01, v4;
	(pc) =	sbr.rel @p0 .LBB2_7-.Ltmp2, $4  }
0xde: {  	v3 =	vld [tilespmem:s14+$0x10];
	v7 =	vmul.f32 $3.200000000e+01, v7;
	[tilespmem:s12+$0x20] =	vst v6  }
0xdf: {  	v10 =	vmul.f32 $3.200000000e+01, v10;
	v6 =	vld [tilespmem:s14+$0x20];
	[tilespmem:s12+$0x30] =	vst v4  }
0xe0: {  	v8 =	vmul.f32 $3.200000000e+01, v8;
	v4 =	vld [tilespmem:s14+$0x30];
	[tilespmem:s12+$0xFFFFFFF0] =	vst v7;
	s12 =	smov.u32 s14  }
0xe1: {  	s14 =	sadd.s32 $0x400, s14;
	[tilespmem:s12+$0xFFFFFFC0] =	vst v10;
	v9 =	vmul.f32 $3.200000000e+01, v9;
	v7 =	vld [tilespmem:s12+$0xFFFFFFF0]  }
0xe2: {  	[tilespmem:s12+$0xFFFFFFD0] =	vst v8;
	v5 =	vmul.f32 $3.200000000e+01, v5;
	s8 =	sadd.s32 $0x1, s8  }
0xe3: {  	[tilespmem:s12+$0xFFFFFFE0] =	vst v9;
	v3 =	vmul.f32 $3.200000000e+01, v3;
	p0 =	sne.s32 s8, $0x20  }
.Ltmp3:
0xe4: {  	[tilespmem:s12+$0x0] =	vst v5;
	v62 =	vmul.f32 $3.200000000e+01, v6;
	(pc) =	sbr.rel @p0 .LBB2_6-.Ltmp3, $4  }
0xe5: {  	[tilespmem:s12+$0x10] =	vst v3;
	v3 =	vmul.f32 $3.200000000e+01, v4  }
0xe6: {  	v63 =	vmul.f32 $3.200000000e+01, v7;
	[tilespmem:s12+$0x20] =	vst v62  }
0xe7: {  	[tilespmem:s12+$0x30] =	vst v3  }
0xe8: {  	s4 =	sadd.s32 $0x400, s4;
	s0 =	sadd.s32 $0x1, s0;
	[tilespmem:s12+$0xFFFFFFF0] =	vst v63  }
0xe9: {  	s0 =	simm.s32 $0x0;
	s4 =	rddreg [dreg:$0x7]  }
0xea: {  	[hbm4b:s4+s0] =	stream.linear.scatter [tilespmem:s11], [sflag:$0x4], $0x8000, $0x38;
	[tilespmem:$0x10100] =	vst v63  }
0xeb: {  	_ =	swait.ge [sflag:s10], $0x8000  }
0xec: {  	[sflag:s10] =	ssyncset.done $0x0  }
0xed: {  	[sflag:s10] =	ssyncadd.s32 $0xFFFF8000  }
0xee: {  	_ =	swait.ge [sflag:s31], $0x8000  }
0xef: {  	[sflag:s31] =	ssyncset.done $0x0  }
0xf0: {  	[sflag:s31] =	ssyncadd.s32 $0xFFFF8000  }
0xf1: {  	v3 =	vld [tilespmem:$0x60];
	_ =	sdelay $0x4  }
0xf2: {  	v4 =	vshll.u32 v3, $0x3  }
0xf3: {  	v3 =	vand.u32 $0x7, v3;
	v4 =	vand.u32 $0xFFFFFFC0, v4  }
0xf4: {  	v3 =	vor.u32 v3, v4  }
0xf5: {  	v4 =	vperm.xlane v3, v0;
	_ =	sdelay $0x1  }
0xf6: {  	v4 =	vadd.s32 v1, v4;
	_ =	sdelay $0x4  }
0xf7: {  	[tilespmem:s11], [sflag:$0x2] =	stream.indirect_vreg.gather [hbm4b:s2+s0], $0x80, v4, vm0, $0xb8;
	[tilespmem:$0x10100] =	vst v63  }
0xf8: {  	s12 =	simm.s32 $0x8900;
	v3 =	vperm.xlane v3, v2  }
0xf9: {  	[tilespmem:s12], [sflag:$0x2] =	stream.indirect_vreg.gather [hbm4b:s5+s0], $0x80, v4, vm0, $0xb8;
	[tilespmem:$0x10100] =	vst v63  }
0xfa: {  	s13 =	simm.s32 $0x9100;
	v3 =	vadd.s32 v1, v3  }
0xfb: {  	[tilespmem:s13], [sflag:$0x2] =	stream.indirect_vreg.gather [hbm4b:s6+s0], $0x80, v4, vm0, $0xb8;
	[tilespmem:$0x10100] =	vst v63  }
0xfc: {  	s14 =	simm.s32 $0x9900  }
0xfd: {  	[tilespmem:s14], [sflag:$0x2] =	stream.indirect_vreg.gather [hbm4b:s7+s0], $0x80, v4, vm0, $0xb8;
	[tilespmem:$0x10100] =	vst v63  }
0xfe: {  	_ = 	snop  }
0xff: {  	[tilespmem:s15], [sflag:$0x2] =	stream.indirect_vreg.gather [hbm4b:s2+s0], $0x80, v3, vm0, $0xb8;
	[tilespmem:$0x10100] =	vst v63  }
0x100: {  	_ = 	snop  }
0x101: {  	[tilespmem:s16], [sflag:$0x2] =	stream.indirect_vreg.gather [hbm4b:s5+s0], $0x80, v3, vm0, $0xb8;
	[tilespmem:$0x10100] =	vst v63  }
0x102: {  	_ = 	snop  }
0x103: {  	[tilespmem:s17], [sflag:$0x2] =	stream.indirect_vreg.gather [hbm4b:s6+s0], $0x80, v3, vm0, $0xb8;
	[tilespmem:$0x10100] =	vst v63  }
0x104: {  	_ = 	snop  }
0x105: {  	[tilespmem:s9], [sflag:$0x2] =	stream.indirect_vreg.gather [hbm4b:s7+s0], $0x80, v3, vm0, $0xb8;
	[tilespmem:$0x10100] =	vst v63  }
0x106: {  	v3 =	vld [tilespmem:$0x70];
	_ =	sdelay $0x4  }
0x107: {  	v63 =	vshll.u32 v3, $0x3  }
0x108: {  	v3 =	vand.u32 $0x7, v3;
	v4 =	vand.u32 $0xFFFFFFC0, v63  }
0x109: {  	v3 =	vor.u32 v3, v4  }
0x10a: {  	v4 =	vperm.xlane v3, v0;
	_ =	sdelay $0x1  }
0x10b: {  	v4 =	vadd.s32 v1, v4;
	_ =	sdelay $0x4  }
0x10c: {  	[tilespmem:s20], [sflag:$0x2] =	stream.indirect_vreg.gather [hbm4b:s2+s0], $0x80, v4, vm0, $0xb8;
	[tilespmem:$0x10100] =	vst v63  }
0x10d: {  	v3 =	vperm.xlane v3, v2  }
0x10e: {  	[tilespmem:s21], [sflag:$0x2] =	stream.indirect_vreg.gather [hbm4b:s5+s0], $0x80, v4, vm0, $0xb8;
	[tilespmem:$0x10100] =	vst v63  }
0x10f: {  	v3 =	vadd.s32 v1, v3  }
0x110: {  	[tilespmem:s22], [sflag:$0x2] =	stream.indirect_vreg.gather [hbm4b:s6+s0], $0x80, v4, vm0, $0xb8;
	[tilespmem:$0x10100] =	vst v63  }
0x111: {  	_ = 	snop  }
0x112: {  	[tilespmem:s23], [sflag:$0x2] =	stream.indirect_vreg.gather [hbm4b:s7+s0], $0x80, v4, vm0, $0xb8;
	[tilespmem:$0x10100] =	vst v63  }
0x113: {  	_ = 	snop  }
0x114: {  	[tilespmem:s24], [sflag:$0x2] =	stream.indirect_vreg.gather [hbm4b:s2+s0], $0x80, v3, vm0, $0xb8;
	[tilespmem:$0x10100] =	vst v63  }
0x115: {  	_ = 	snop  }
0x116: {  	[tilespmem:s25], [sflag:$0x2] =	stream.indirect_vreg.gather [hbm4b:s5+s0], $0x80, v3, vm0, $0xb8;
	[tilespmem:$0x10100] =	vst v63  }
0x117: {  	_ = 	snop  }
0x118: {  	[tilespmem:s26], [sflag:$0x2] =	stream.indirect_vreg.gather [hbm4b:s6+s0], $0x80, v3, vm0, $0xb8;
	[tilespmem:$0x10100] =	vst v63  }
0x119: {  	s8 =	simm.s32 $0x0;
	s4 =	simm.s32 $0x0  }
0x11a: {  	[tilespmem:s28], [sflag:$0x2] =	stream.indirect_vreg.gather [hbm4b:s7+s0], $0x80, v3, vm0, $0xb8;
	[tilespmem:$0x10100] =	vst v63  }
.LBB2_10:
0x11b: {  	s12 =	sshll.u32 s4, $0x2;
	s13 =	sand.u32 $0x7, s0  }
0x11c: {  	s12 =	sand.u32 $0xFFFF8000, s12;
	s13 =	sshll.u32 s13, $0x9  }
0x11d: {  	s12 =	sor.u32 s13, s12  }
0x11e: {  	s12 =	sshrl.u32 s12, $0x2  }
0x11f: {  	s12 =	sadd.s32 $0x140, s12  }
0x120: {  	v4 =	vld [tilespmem:s12+$0xFFFFFFC0];
	_ =	sdelay $0x1  }
0x121: {  	v7 =	vld [tilespmem:s12+$0xFFFFFFD0]  }
0x122: {  	v9 =	vld [tilespmem:s12+$0xFFFFFFE0]  }
0x123: {  	v5 =	vld [tilespmem:s12+$0x0]  }
0x124: {  	v3 =	vld [tilespmem:s12+$0x10];
	v8 =	vmul.f32 $3.200000000e+01, v4  }
0x125: {  	v6 =	vld [tilespmem:s12+$0x20]  }
0x126: {  	v4 =	vld [tilespmem:s12+$0x30];
	[tilespmem:s12+$0xFFFFFFC0] =	vst v8;
	v8 =	vmul.f32 $3.200000000e+01, v7  }
0x127: {  	s13 =	simm.s32 $0x0;
	s14 =	sadd.s32 $0x400, s12;
	v9 =	vmul.f32 $3.200000000e+01, v9;
	v7 =	vld [tilespmem:s12+$0xFFFFFFF0]  }
.LBB2_11:
0x128: {  	v10 =	vld [tilespmem:s14+$0xFFFFFFC0];
	[tilespmem:s12+$0xFFFFFFD0] =	vst v8;
	v5 =	vmul.f32 $3.200000000e+01, v5  }
0x129: {  	s13 =	sadd.s32 $0x8, s13;
	v8 =	vld [tilespmem:s14+$0xFFFFFFD0];
	[tilespmem:s12+$0xFFFFFFE0] =	vst v9;
	v3 =	vmul.f32 $3.200000000e+01, v3  }
0x12a: {  	p0 =	slt.u32 s13, $0x38;
	v9 =	vld [tilespmem:s14+$0xFFFFFFE0];
	[tilespmem:s12+$0x0] =	vst v5;
	v6 =	vmul.f32 $3.200000000e+01, v6  }
.Ltmp4:
0x12b: {  	v5 =	vld [tilespmem:s14+$0x0];
	[tilespmem:s12+$0x10] =	vst v3;
	v4 =	vmul.f32 $3.200000000e+01, v4;
	(pc) =	sbr.rel @p0 .LBB2_11-.Ltmp4, $4  }
0x12c: {  	v3 =	vld [tilespmem:s14+$0x10];
	v7 =	vmul.f32 $3.200000000e+01, v7;
	[tilespmem:s12+$0x20] =	vst v6  }
0x12d: {  	v10 =	vmul.f32 $3.200000000e+01, v10;
	v6 =	vld [tilespmem:s14+$0x20];
	[tilespmem:s12+$0x30] =	vst v4  }
0x12e: {  	v8 =	vmul.f32 $3.200000000e+01, v8;
	v4 =	vld [tilespmem:s14+$0x30];
	[tilespmem:s12+$0xFFFFFFF0] =	vst v7;
	s12 =	smov.u32 s14  }
0x12f: {  	s14 =	sadd.s32 $0x400, s14;
	[tilespmem:s12+$0xFFFFFFC0] =	vst v10;
	v9 =	vmul.f32 $3.200000000e+01, v9;
	v7 =	vld [tilespmem:s12+$0xFFFFFFF0]  }
0x130: {  	[tilespmem:s12+$0xFFFFFFD0] =	vst v8;
	v5 =	vmul.f32 $3.200000000e+01, v5;
	s8 =	sadd.s32 $0x1, s8  }
0x131: {  	[tilespmem:s12+$0xFFFFFFE0] =	vst v9;
	v3 =	vmul.f32 $3.200000000e+01, v3;
	p0 =	sne.s32 s8, $0x20  }
.Ltmp5:
0x132: {  	[tilespmem:s12+$0x0] =	vst v5;
	v62 =	vmul.f32 $3.200000000e+01, v6;
	(pc) =	sbr.rel @p0 .LBB2_10-.Ltmp5, $4  }
0x133: {  	[tilespmem:s12+$0x10] =	vst v3;
	v3 =	vmul.f32 $3.200000000e+01, v4  }
0x134: {  	v63 =	vmul.f32 $3.200000000e+01, v7;
	[tilespmem:s12+$0x20] =	vst v62  }
0x135: {  	[tilespmem:s12+$0x30] =	vst v3  }
0x136: {  	s4 =	sadd.s32 $0x400, s4;
	s0 =	sadd.s32 $0x1, s0;
	[tilespmem:s12+$0xFFFFFFF0] =	vst v63  }
0x137: {  	s0 =	simm.s32 $0x0;
	s4 =	rddreg [dreg:$0x8]  }
0x138: {  	[hbm4b:s4+s0] =	stream.linear.scatter [tilespmem:s19], [sflag:$0x3], $0x8000, $0x38;
	[tilespmem:$0x10100] =	vst v63  }
0x139: {  	_ =	swait.ge [sflag:s29], $0x8000  }
0x13a: {  	[sflag:s29] =	ssyncset.done $0x0  }
0x13b: {  	[sflag:s29] =	ssyncadd.s32 $0xFFFF8000  }
0x13c: {  	_ =	swait.ge [sflag:s30], $0x8000  }
0x13d: {  	[sflag:s30] =	ssyncset.done $0x0  }
0x13e: {  	[sflag:s30] =	ssyncadd.s32 $0xFFFF8000  }
0x13f: {  	v3 =	vld [tilespmem:$0x80];
	_ =	sdelay $0x4  }
0x140: {  	v4 =	vshll.u32 v3, $0x3  }
0x141: {  	v3 =	vand.u32 $0x7, v3;
	v4 =	vand.u32 $0xFFFFFFC0, v4  }
0x142: {  	v3 =	vor.u32 v3, v4  }
0x143: {  	v4 =	vperm.xlane v3, v0;
	_ =	sdelay $0x1  }
0x144: {  	v4 =	vadd.s32 v1, v4;
	_ =	sdelay $0x4  }
0x145: {  	[tilespmem:s19], [sflag:$0x1] =	stream.indirect_vreg.gather [hbm4b:s2+s0], $0x80, v4, vm0, $0xb8;
	[tilespmem:$0x10100] =	vst v63  }
0x146: {  	s12 =	simm.s32 $0x900;
	v3 =	vperm.xlane v3, v2  }
0x147: {  	[tilespmem:s12], [sflag:$0x1] =	stream.indirect_vreg.gather [hbm4b:s5+s0], $0x80, v4, vm0, $0xb8;
	[tilespmem:$0x10100] =	vst v63  }
0x148: {  	s13 =	simm.s32 $0x1100;
	v3 =	vadd.s32 v1, v3  }
0x149: {  	[tilespmem:s13], [sflag:$0x1] =	stream.indirect_vreg.gather [hbm4b:s6+s0], $0x80, v4, vm0, $0xb8;
	[tilespmem:$0x10100] =	vst v63  }
0x14a: {  	s14 =	simm.s32 $0x1900  }
0x14b: {  	[tilespmem:s14], [sflag:$0x1] =	stream.indirect_vreg.gather [hbm4b:s7+s0], $0x80, v4, vm0, $0xb8;
	[tilespmem:$0x10100] =	vst v63  }
0x14c: {  	s8 =	simm.s32 $0x2100  }
0x14d: {  	[tilespmem:s8], [sflag:$0x1] =	stream.indirect_vreg.gather [hbm4b:s2+s0], $0x80, v3, vm0, $0xb8;
	[tilespmem:$0x10100] =	vst v63  }
0x14e: {  	s12 =	simm.s32 $0x2900  }
0x14f: {  	[tilespmem:s12], [sflag:$0x1] =	stream.indirect_vreg.gather [hbm4b:s5+s0], $0x80, v3, vm0, $0xb8;
	[tilespmem:$0x10100] =	vst v63  }
0x150: {  	s13 =	simm.s32 $0x3100  }
0x151: {  	[tilespmem:s13], [sflag:$0x1] =	stream.indirect_vreg.gather [hbm4b:s6+s0], $0x80, v3, vm0, $0xb8;
	[tilespmem:$0x10100] =	vst v63  }
0x152: {  	s14 =	simm.s32 $0x3900  }
0x153: {  	[tilespmem:s14], [sflag:$0x1] =	stream.indirect_vreg.gather [hbm4b:s7+s0], $0x80, v3, vm0, $0xb8;
	[tilespmem:$0x10100] =	vst v63  }
0x154: {  	v3 =	vld [tilespmem:$0x90];
	_ =	sdelay $0x4  }
0x155: {  	v63 =	vshll.u32 v3, $0x3  }
0x156: {  	v3 =	vand.u32 $0x7, v3;
	v4 =	vand.u32 $0xFFFFFFC0, v63  }
0x157: {  	v3 =	vor.u32 v3, v4  }
0x158: {  	v4 =	vperm.xlane v3, v0;
	_ =	sdelay $0x1  }
0x159: {  	v4 =	vadd.s32 v1, v4;
	_ =	sdelay $0x3  }
0x15a: {  	s8 =	simm.s32 $0x4100  }
0x15b: {  	[tilespmem:s8], [sflag:$0x1] =	stream.indirect_vreg.gather [hbm4b:s2+s0], $0x80, v4, vm0, $0xb8;
	[tilespmem:$0x10100] =	vst v63  }
0x15c: {  	s12 =	simm.s32 $0x4900;
	v3 =	vperm.xlane v3, v2  }
0x15d: {  	[tilespmem:s12], [sflag:$0x1] =	stream.indirect_vreg.gather [hbm4b:s5+s0], $0x80, v4, vm0, $0xb8;
	[tilespmem:$0x10100] =	vst v63  }
0x15e: {  	s13 =	simm.s32 $0x5100;
	v3 =	vadd.s32 v1, v3  }
0x15f: {  	[tilespmem:s13], [sflag:$0x1] =	stream.indirect_vreg.gather [hbm4b:s6+s0], $0x80, v4, vm0, $0xb8;
	[tilespmem:$0x10100] =	vst v63  }
0x160: {  	s14 =	simm.s32 $0x5900  }
0x161: {  	[tilespmem:s14], [sflag:$0x1] =	stream.indirect_vreg.gather [hbm4b:s7+s0], $0x80, v4, vm0, $0xb8;
	[tilespmem:$0x10100] =	vst v63  }
0x162: {  	s8 =	simm.s32 $0x6100  }
0x163: {  	[tilespmem:s8], [sflag:$0x1] =	stream.indirect_vreg.gather [hbm4b:s2+s0], $0x80, v3, vm0, $0xb8;
	[tilespmem:$0x10100] =	vst v63  }
0x164: {  	s12 =	simm.s32 $0x6900  }
0x165: {  	[tilespmem:s12], [sflag:$0x1] =	stream.indirect_vreg.gather [hbm4b:s5+s0], $0x80, v3, vm0, $0xb8;
	[tilespmem:$0x10100] =	vst v63  }
0x166: {  	s13 =	simm.s32 $0x7100  }
0x167: {  	[tilespmem:s13], [sflag:$0x1] =	stream.indirect_vreg.gather [hbm4b:s6+s0], $0x80, v3, vm0, $0xb8;
	[tilespmem:$0x10100] =	vst v63  }
0x168: {  	s4 =	simm.s32 $0x0;
	s14 =	simm.s32 $0x7900;
	s8 =	simm.s32 $0x0  }
0x169: {  	[tilespmem:s14], [sflag:$0x1] =	stream.indirect_vreg.gather [hbm4b:s7+s0], $0x80, v3, vm0, $0xb8;
	[tilespmem:$0x10100] =	vst v63  }
.LBB2_14:
0x16a: {  	s12 =	sshll.u32 s4, $0x2;
	s13 =	sand.u32 $0x7, s0  }
0x16b: {  	s12 =	sand.u32 $0xFFFF8000, s12;
	s13 =	sshll.u32 s13, $0x9  }
0x16c: {  	s12 =	sor.u32 s13, s12  }
0x16d: {  	s12 =	sshrl.u32 s12, $0x2  }
0x16e: {  	s12 =	sadd.s32 $0x8140, s12  }
0x16f: {  	v4 =	vld [tilespmem:s12+$0xFFFFFFC0];
	_ =	sdelay $0x1  }
0x170: {  	v7 =	vld [tilespmem:s12+$0xFFFFFFD0]  }
0x171: {  	v9 =	vld [tilespmem:s12+$0xFFFFFFE0]  }
0x172: {  	v5 =	vld [tilespmem:s12+$0x0]  }
0x173: {  	v3 =	vld [tilespmem:s12+$0x10];
	v8 =	vmul.f32 $3.200000000e+01, v4  }
0x174: {  	v6 =	vld [tilespmem:s12+$0x20]  }
0x175: {  	v4 =	vld [tilespmem:s12+$0x30];
	[tilespmem:s12+$0xFFFFFFC0] =	vst v8;
	v8 =	vmul.f32 $3.200000000e+01, v7  }
0x176: {  	s13 =	simm.s32 $0x0;
	s14 =	sadd.s32 $0x400, s12;
	v9 =	vmul.f32 $3.200000000e+01, v9;
	v7 =	vld [tilespmem:s12+$0xFFFFFFF0]  }
.LBB2_15:
0x177: {  	v10 =	vld [tilespmem:s14+$0xFFFFFFC0];
	[tilespmem:s12+$0xFFFFFFD0] =	vst v8;
	v5 =	vmul.f32 $3.200000000e+01, v5  }
0x178: {  	s13 =	sadd.s32 $0x8, s13;
	v8 =	vld [tilespmem:s14+$0xFFFFFFD0];
	[tilespmem:s12+$0xFFFFFFE0] =	vst v9;
	v3 =	vmul.f32 $3.200000000e+01, v3  }
0x179: {  	p0 =	slt.u32 s13, $0x38;
	v9 =	vld [tilespmem:s14+$0xFFFFFFE0];
	[tilespmem:s12+$0x0] =	vst v5;
	v6 =	vmul.f32 $3.200000000e+01, v6  }
.Ltmp6:
0x17a: {  	v5 =	vld [tilespmem:s14+$0x0];
	[tilespmem:s12+$0x10] =	vst v3;
	v4 =	vmul.f32 $3.200000000e+01, v4;
	(pc) =	sbr.rel @p0 .LBB2_15-.Ltmp6, $4  }
0x17b: {  	v3 =	vld [tilespmem:s14+$0x10];
	v7 =	vmul.f32 $3.200000000e+01, v7;
	[tilespmem:s12+$0x20] =	vst v6  }
0x17c: {  	v10 =	vmul.f32 $3.200000000e+01, v10;
	v6 =	vld [tilespmem:s14+$0x20];
	[tilespmem:s12+$0x30] =	vst v4  }
0x17d: {  	v8 =	vmul.f32 $3.200000000e+01, v8;
	v4 =	vld [tilespmem:s14+$0x30];
	[tilespmem:s12+$0xFFFFFFF0] =	vst v7;
	s12 =	smov.u32 s14  }
0x17e: {  	s14 =	sadd.s32 $0x400, s14;
	[tilespmem:s12+$0xFFFFFFC0] =	vst v10;
	v9 =	vmul.f32 $3.200000000e+01, v9;
	v7 =	vld [tilespmem:s12+$0xFFFFFFF0]  }
0x17f: {  	[tilespmem:s12+$0xFFFFFFD0] =	vst v8;
	v5 =	vmul.f32 $3.200000000e+01, v5;
	s8 =	sadd.s32 $0x1, s8  }
0x180: {  	[tilespmem:s12+$0xFFFFFFE0] =	vst v9;
	v3 =	vmul.f32 $3.200000000e+01, v3;
	p0 =	sne.s32 s8, $0x20  }
.Ltmp7:
0x181: {  	[tilespmem:s12+$0x0] =	vst v5;
	v62 =	vmul.f32 $3.200000000e+01, v6;
	(pc) =	sbr.rel @p0 .LBB2_14-.Ltmp7, $4  }
0x182: {  	[tilespmem:s12+$0x10] =	vst v3;
	v3 =	vmul.f32 $3.200000000e+01, v4  }
0x183: {  	v63 =	vmul.f32 $3.200000000e+01, v7;
	[tilespmem:s12+$0x20] =	vst v62  }
0x184: {  	[tilespmem:s12+$0x30] =	vst v3  }
0x185: {  	s4 =	sadd.s32 $0x400, s4;
	s0 =	sadd.s32 $0x1, s0;
	[tilespmem:s12+$0xFFFFFFF0] =	vst v63  }
0x186: {  	s0 =	simm.s32 $0x0;
	s4 =	rddreg [dreg:$0x9]  }
0x187: {  	[hbm4b:s4+s0] =	stream.linear.scatter [tilespmem:s11], [sflag:$0x4], $0x8000, $0x38;
	[tilespmem:$0x10100] =	vst v63  }
0x188: {  	_ =	swait.ge [sflag:s10], $0x8000  }
0x189: {  	[sflag:s10] =	ssyncset.done $0x0  }
0x18a: {  	[sflag:s10] =	ssyncadd.s32 $0xFFFF8000  }
0x18b: {  	_ =	swait.ge [sflag:s31], $0x8000  }
0x18c: {  	[sflag:s31] =	ssyncset.done $0x0  }
0x18d: {  	[sflag:s31] =	ssyncadd.s32 $0xFFFF8000  }
0x18e: {  	v3 =	vld [tilespmem:$0xA0];
	_ =	sdelay $0x4  }
0x18f: {  	v4 =	vshll.u32 v3, $0x3  }
0x190: {  	v3 =	vand.u32 $0x7, v3;
	v4 =	vand.u32 $0xFFFFFFC0, v4  }
0x191: {  	v3 =	vor.u32 v3, v4  }
0x192: {  	v4 =	vperm.xlane v3, v0;
	_ =	sdelay $0x1  }
0x193: {  	v4 =	vadd.s32 v1, v4;
	_ =	sdelay $0x4  }
0x194: {  	[tilespmem:s11], [sflag:$0x2] =	stream.indirect_vreg.gather [hbm4b:s2+s0], $0x80, v4, vm0, $0xb8;
	[tilespmem:$0x10100] =	vst v63  }
0x195: {  	s12 =	simm.s32 $0x8900;
	v3 =	vperm.xlane v3, v2  }
0x196: {  	[tilespmem:s12], [sflag:$0x2] =	stream.indirect_vreg.gather [hbm4b:s5+s0], $0x80, v4, vm0, $0xb8;
	[tilespmem:$0x10100] =	vst v63  }
0x197: {  	s13 =	simm.s32 $0x9100;
	v3 =	vadd.s32 v1, v3  }
0x198: {  	[tilespmem:s13], [sflag:$0x2] =	stream.indirect_vreg.gather [hbm4b:s6+s0], $0x80, v4, vm0, $0xb8;
	[tilespmem:$0x10100] =	vst v63  }
0x199: {  	s14 =	simm.s32 $0x9900  }
0x19a: {  	[tilespmem:s14], [sflag:$0x2] =	stream.indirect_vreg.gather [hbm4b:s7+s0], $0x80, v4, vm0, $0xb8;
	[tilespmem:$0x10100] =	vst v63  }
0x19b: {  	_ = 	snop  }
0x19c: {  	[tilespmem:s15], [sflag:$0x2] =	stream.indirect_vreg.gather [hbm4b:s2+s0], $0x80, v3, vm0, $0xb8;
	[tilespmem:$0x10100] =	vst v63  }
0x19d: {  	_ = 	snop  }
0x19e: {  	[tilespmem:s16], [sflag:$0x2] =	stream.indirect_vreg.gather [hbm4b:s5+s0], $0x80, v3, vm0, $0xb8;
	[tilespmem:$0x10100] =	vst v63  }
0x19f: {  	_ = 	snop  }
0x1a0: {  	[tilespmem:s17], [sflag:$0x2] =	stream.indirect_vreg.gather [hbm4b:s6+s0], $0x80, v3, vm0, $0xb8;
	[tilespmem:$0x10100] =	vst v63  }
0x1a1: {  	_ = 	snop  }
0x1a2: {  	[tilespmem:s9], [sflag:$0x2] =	stream.indirect_vreg.gather [hbm4b:s7+s0], $0x80, v3, vm0, $0xb8;
	[tilespmem:$0x10100] =	vst v63  }
0x1a3: {  	v3 =	vld [tilespmem:$0xB0];
	_ =	sdelay $0x4  }
0x1a4: {  	v63 =	vshll.u32 v3, $0x3  }
0x1a5: {  	v3 =	vand.u32 $0x7, v3;
	v4 =	vand.u32 $0xFFFFFFC0, v63  }
0x1a6: {  	v3 =	vor.u32 v3, v4  }
0x1a7: {  	v4 =	vperm.xlane v3, v0;
	_ =	sdelay $0x1  }
0x1a8: {  	v4 =	vadd.s32 v1, v4;
	_ =	sdelay $0x4  }
0x1a9: {  	[tilespmem:s20], [sflag:$0x2] =	stream.indirect_vreg.gather [hbm4b:s2+s0], $0x80, v4, vm0, $0xb8;
	[tilespmem:$0x10100] =	vst v63  }
0x1aa: {  	v3 =	vperm.xlane v3, v2  }
0x1ab: {  	[tilespmem:s21], [sflag:$0x2] =	stream.indirect_vreg.gather [hbm4b:s5+s0], $0x80, v4, vm0, $0xb8;
	[tilespmem:$0x10100] =	vst v63  }
0x1ac: {  	v3 =	vadd.s32 v1, v3  }
0x1ad: {  	[tilespmem:s22], [sflag:$0x2] =	stream.indirect_vreg.gather [hbm4b:s6+s0], $0x80, v4, vm0, $0xb8;
	[tilespmem:$0x10100] =	vst v63  }
0x1ae: {  	_ = 	snop  }
0x1af: {  	[tilespmem:s23], [sflag:$0x2] =	stream.indirect_vreg.gather [hbm4b:s7+s0], $0x80, v4, vm0, $0xb8;
	[tilespmem:$0x10100] =	vst v63  }
0x1b0: {  	_ = 	snop  }
0x1b1: {  	[tilespmem:s24], [sflag:$0x2] =	stream.indirect_vreg.gather [hbm4b:s2+s0], $0x80, v3, vm0, $0xb8;
	[tilespmem:$0x10100] =	vst v63  }
0x1b2: {  	_ = 	snop  }
0x1b3: {  	[tilespmem:s25], [sflag:$0x2] =	stream.indirect_vreg.gather [hbm4b:s5+s0], $0x80, v3, vm0, $0xb8;
	[tilespmem:$0x10100] =	vst v63  }
0x1b4: {  	_ = 	snop  }
0x1b5: {  	[tilespmem:s26], [sflag:$0x2] =	stream.indirect_vreg.gather [hbm4b:s6+s0], $0x80, v3, vm0, $0xb8;
	[tilespmem:$0x10100] =	vst v63  }
0x1b6: {  	s8 =	simm.s32 $0x0;
	s4 =	simm.s32 $0x0  }
0x1b7: {  	[tilespmem:s28], [sflag:$0x2] =	stream.indirect_vreg.gather [hbm4b:s7+s0], $0x80, v3, vm0, $0xb8;
	[tilespmem:$0x10100] =	vst v63  }
.LBB2_18:
0x1b8: {  	s12 =	sshll.u32 s4, $0x2;
	s13 =	sand.u32 $0x7, s0  }
0x1b9: {  	s12 =	sand.u32 $0xFFFF8000, s12;
	s13 =	sshll.u32 s13, $0x9  }
0x1ba: {  	s12 =	sor.u32 s13, s12  }
0x1bb: {  	s12 =	sshrl.u32 s12, $0x2  }
0x1bc: {  	s12 =	sadd.s32 $0x140, s12  }
0x1bd: {  	v4 =	vld [tilespmem:s12+$0xFFFFFFC0];
	_ =	sdelay $0x1  }
0x1be: {  	v7 =	vld [tilespmem:s12+$0xFFFFFFD0]  }
0x1bf: {  	v9 =	vld [tilespmem:s12+$0xFFFFFFE0]  }
0x1c0: {  	v5 =	vld [tilespmem:s12+$0x0]  }
0x1c1: {  	v3 =	vld [tilespmem:s12+$0x10];
	v8 =	vmul.f32 $3.200000000e+01, v4  }
0x1c2: {  	v6 =	vld [tilespmem:s12+$0x20]  }
0x1c3: {  	v4 =	vld [tilespmem:s12+$0x30];
	[tilespmem:s12+$0xFFFFFFC0] =	vst v8;
	v8 =	vmul.f32 $3.200000000e+01, v7  }
0x1c4: {  	s13 =	simm.s32 $0x0;
	s14 =	sadd.s32 $0x400, s12;
	v9 =	vmul.f32 $3.200000000e+01, v9;
	v7 =	vld [tilespmem:s12+$0xFFFFFFF0]  }
.LBB2_19:
0x1c5: {  	v10 =	vld [tilespmem:s14+$0xFFFFFFC0];
	[tilespmem:s12+$0xFFFFFFD0] =	vst v8;
	v5 =	vmul.f32 $3.200000000e+01, v5  }
0x1c6: {  	s13 =	sadd.s32 $0x8, s13;
	v8 =	vld [tilespmem:s14+$0xFFFFFFD0];
	[tilespmem:s12+$0xFFFFFFE0] =	vst v9;
	v3 =	vmul.f32 $3.200000000e+01, v3  }
0x1c7: {  	p0 =	slt.u32 s13, $0x38;
	v9 =	vld [tilespmem:s14+$0xFFFFFFE0];
	[tilespmem:s12+$0x0] =	vst v5;
	v6 =	vmul.f32 $3.200000000e+01, v6  }
.Ltmp8:
0x1c8: {  	v5 =	vld [tilespmem:s14+$0x0];
	[tilespmem:s12+$0x10] =	vst v3;
	v4 =	vmul.f32 $3.200000000e+01, v4;
	(pc) =	sbr.rel @p0 .LBB2_19-.Ltmp8, $4  }
0x1c9: {  	v3 =	vld [tilespmem:s14+$0x10];
	v7 =	vmul.f32 $3.200000000e+01, v7;
	[tilespmem:s12+$0x20] =	vst v6  }
0x1ca: {  	v10 =	vmul.f32 $3.200000000e+01, v10;
	v6 =	vld [tilespmem:s14+$0x20];
	[tilespmem:s12+$0x30] =	vst v4  }
0x1cb: {  	v8 =	vmul.f32 $3.200000000e+01, v8;
	v4 =	vld [tilespmem:s14+$0x30];
	[tilespmem:s12+$0xFFFFFFF0] =	vst v7;
	s12 =	smov.u32 s14  }
0x1cc: {  	s14 =	sadd.s32 $0x400, s14;
	[tilespmem:s12+$0xFFFFFFC0] =	vst v10;
	v9 =	vmul.f32 $3.200000000e+01, v9;
	v7 =	vld [tilespmem:s12+$0xFFFFFFF0]  }
0x1cd: {  	[tilespmem:s12+$0xFFFFFFD0] =	vst v8;
	v5 =	vmul.f32 $3.200000000e+01, v5;
	s8 =	sadd.s32 $0x1, s8  }
0x1ce: {  	[tilespmem:s12+$0xFFFFFFE0] =	vst v9;
	v3 =	vmul.f32 $3.200000000e+01, v3;
	p0 =	sne.s32 s8, $0x20  }
.Ltmp9:
0x1cf: {  	[tilespmem:s12+$0x0] =	vst v5;
	v62 =	vmul.f32 $3.200000000e+01, v6;
	(pc) =	sbr.rel @p0 .LBB2_18-.Ltmp9, $4  }
0x1d0: {  	[tilespmem:s12+$0x10] =	vst v3;
	v3 =	vmul.f32 $3.200000000e+01, v4  }
0x1d1: {  	v63 =	vmul.f32 $3.200000000e+01, v7;
	[tilespmem:s12+$0x20] =	vst v62  }
0x1d2: {  	[tilespmem:s12+$0x30] =	vst v3  }
0x1d3: {  	s4 =	sadd.s32 $0x400, s4;
	s0 =	sadd.s32 $0x1, s0;
	[tilespmem:s12+$0xFFFFFFF0] =	vst v63  }
0x1d4: {  	s0 =	simm.s32 $0x0;
	s4 =	rddreg [dreg:$0xa]  }
0x1d5: {  	[hbm4b:s4+s0] =	stream.linear.scatter [tilespmem:s19], [sflag:$0x3], $0x8000, $0x38;
	[tilespmem:$0x10100] =	vst v63  }
0x1d6: {  	_ =	swait.ge [sflag:s29], $0x8000  }
0x1d7: {  	[sflag:s29] =	ssyncset.done $0x0  }
0x1d8: {  	[sflag:s29] =	ssyncadd.s32 $0xFFFF8000  }
0x1d9: {  	_ =	swait.ge [sflag:s30], $0x8000  }
0x1da: {  	[sflag:s30] =	ssyncset.done $0x0  }
0x1db: {  	[sflag:s30] =	ssyncadd.s32 $0xFFFF8000  }
0x1dc: {  	v3 =	vld [tilespmem:$0xC0];
	_ =	sdelay $0x4  }
0x1dd: {  	v4 =	vshll.u32 v3, $0x3  }
0x1de: {  	v3 =	vand.u32 $0x7, v3;
	v4 =	vand.u32 $0xFFFFFFC0, v4  }
0x1df: {  	v3 =	vor.u32 v3, v4  }
0x1e0: {  	v4 =	vperm.xlane v3, v0;
	_ =	sdelay $0x1  }
0x1e1: {  	v4 =	vadd.s32 v1, v4;
	_ =	sdelay $0x4  }
0x1e2: {  	[tilespmem:s19], [sflag:$0x1] =	stream.indirect_vreg.gather [hbm4b:s2+s0], $0x80, v4, vm0, $0xb8;
	[tilespmem:$0x10100] =	vst v63  }
0x1e3: {  	s12 =	simm.s32 $0x900;
	v3 =	vperm.xlane v3, v2  }
0x1e4: {  	[tilespmem:s12], [sflag:$0x1] =	stream.indirect_vreg.gather [hbm4b:s5+s0], $0x80, v4, vm0, $0xb8;
	[tilespmem:$0x10100] =	vst v63  }
0x1e5: {  	s13 =	simm.s32 $0x1100;
	v3 =	vadd.s32 v1, v3  }
0x1e6: {  	[tilespmem:s13], [sflag:$0x1] =	stream.indirect_vreg.gather [hbm4b:s6+s0], $0x80, v4, vm0, $0xb8;
	[tilespmem:$0x10100] =	vst v63  }
0x1e7: {  	s14 =	simm.s32 $0x1900  }
0x1e8: {  	[tilespmem:s14], [sflag:$0x1] =	stream.indirect_vreg.gather [hbm4b:s7+s0], $0x80, v4, vm0, $0xb8;
	[tilespmem:$0x10100] =	vst v63  }
0x1e9: {  	s8 =	simm.s32 $0x2100  }
0x1ea: {  	[tilespmem:s8], [sflag:$0x1] =	stream.indirect_vreg.gather [hbm4b:s2+s0], $0x80, v3, vm0, $0xb8;
	[tilespmem:$0x10100] =	vst v63  }
0x1eb: {  	s12 =	simm.s32 $0x2900  }
0x1ec: {  	[tilespmem:s12], [sflag:$0x1] =	stream.indirect_vreg.gather [hbm4b:s5+s0], $0x80, v3, vm0, $0xb8;
	[tilespmem:$0x10100] =	vst v63  }
0x1ed: {  	s13 =	simm.s32 $0x3100  }
0x1ee: {  	[tilespmem:s13], [sflag:$0x1] =	stream.indirect_vreg.gather [hbm4b:s6+s0], $0x80, v3, vm0, $0xb8;
	[tilespmem:$0x10100] =	vst v63  }
0x1ef: {  	s14 =	simm.s32 $0x3900  }
0x1f0: {  	[tilespmem:s14], [sflag:$0x1] =	stream.indirect_vreg.gather [hbm4b:s7+s0], $0x80, v3, vm0, $0xb8;
	[tilespmem:$0x10100] =	vst v63  }
0x1f1: {  	v3 =	vld [tilespmem:$0xD0];
	_ =	sdelay $0x4  }
0x1f2: {  	v63 =	vshll.u32 v3, $0x3  }
0x1f3: {  	v3 =	vand.u32 $0x7, v3;
	v4 =	vand.u32 $0xFFFFFFC0, v63  }
0x1f4: {  	v3 =	vor.u32 v3, v4  }
0x1f5: {  	v4 =	vperm.xlane v3, v0;
	_ =	sdelay $0x1  }
0x1f6: {  	v4 =	vadd.s32 v1, v4;
	_ =	sdelay $0x3  }
0x1f7: {  	s8 =	simm.s32 $0x4100  }
0x1f8: {  	[tilespmem:s8], [sflag:$0x1] =	stream.indirect_vreg.gather [hbm4b:s2+s0], $0x80, v4, vm0, $0xb8;
	[tilespmem:$0x10100] =	vst v63  }
0x1f9: {  	s12 =	simm.s32 $0x4900;
	v3 =	vperm.xlane v3, v2  }
0x1fa: {  	[tilespmem:s12], [sflag:$0x1] =	stream.indirect_vreg.gather [hbm4b:s5+s0], $0x80, v4, vm0, $0xb8;
	[tilespmem:$0x10100] =	vst v63  }
0x1fb: {  	s13 =	simm.s32 $0x5100;
	v3 =	vadd.s32 v1, v3  }
0x1fc: {  	[tilespmem:s13], [sflag:$0x1] =	stream.indirect_vreg.gather [hbm4b:s6+s0], $0x80, v4, vm0, $0xb8;
	[tilespmem:$0x10100] =	vst v63  }
0x1fd: {  	s14 =	simm.s32 $0x5900  }
0x1fe: {  	[tilespmem:s14], [sflag:$0x1] =	stream.indirect_vreg.gather [hbm4b:s7+s0], $0x80, v4, vm0, $0xb8;
	[tilespmem:$0x10100] =	vst v63  }
0x1ff: {  	s8 =	simm.s32 $0x6100  }
0x200: {  	[tilespmem:s8], [sflag:$0x1] =	stream.indirect_vreg.gather [hbm4b:s2+s0], $0x80, v3, vm0, $0xb8;
	[tilespmem:$0x10100] =	vst v63  }
0x201: {  	s12 =	simm.s32 $0x6900  }
0x202: {  	[tilespmem:s12], [sflag:$0x1] =	stream.indirect_vreg.gather [hbm4b:s5+s0], $0x80, v3, vm0, $0xb8;
	[tilespmem:$0x10100] =	vst v63  }
0x203: {  	s13 =	simm.s32 $0x7100  }
0x204: {  	[tilespmem:s13], [sflag:$0x1] =	stream.indirect_vreg.gather [hbm4b:s6+s0], $0x80, v3, vm0, $0xb8;
	[tilespmem:$0x10100] =	vst v63  }
0x205: {  	s4 =	simm.s32 $0x0;
	s14 =	simm.s32 $0x7900;
	s8 =	simm.s32 $0x0  }
0x206: {  	[tilespmem:s14], [sflag:$0x1] =	stream.indirect_vreg.gather [hbm4b:s7+s0], $0x80, v3, vm0, $0xb8;
	[tilespmem:$0x10100] =	vst v63  }
.LBB2_22:
0x207: {  	s12 =	sshll.u32 s4, $0x2;
	s13 =	sand.u32 $0x7, s0  }
0x208: {  	s12 =	sand.u32 $0xFFFF8000, s12;
	s13 =	sshll.u32 s13, $0x9  }
0x209: {  	s12 =	sor.u32 s13, s12  }
0x20a: {  	s12 =	sshrl.u32 s12, $0x2  }
0x20b: {  	s12 =	sadd.s32 $0x8140, s12  }
0x20c: {  	v4 =	vld [tilespmem:s12+$0xFFFFFFC0];
	_ =	sdelay $0x1  }
0x20d: {  	v7 =	vld [tilespmem:s12+$0xFFFFFFD0]  }
0x20e: {  	v9 =	vld [tilespmem:s12+$0xFFFFFFE0]  }
0x20f: {  	v5 =	vld [tilespmem:s12+$0x0]  }
0x210: {  	v3 =	vld [tilespmem:s12+$0x10];
	v8 =	vmul.f32 $3.200000000e+01, v4  }
0x211: {  	v6 =	vld [tilespmem:s12+$0x20]  }
0x212: {  	v4 =	vld [tilespmem:s12+$0x30];
	[tilespmem:s12+$0xFFFFFFC0] =	vst v8;
	v8 =	vmul.f32 $3.200000000e+01, v7  }
0x213: {  	s13 =	simm.s32 $0x0;
	s14 =	sadd.s32 $0x400, s12;
	v9 =	vmul.f32 $3.200000000e+01, v9;
	v7 =	vld [tilespmem:s12+$0xFFFFFFF0]  }
.LBB2_23:
0x214: {  	v10 =	vld [tilespmem:s14+$0xFFFFFFC0];
	[tilespmem:s12+$0xFFFFFFD0] =	vst v8;
	v5 =	vmul.f32 $3.200000000e+01, v5  }
0x215: {  	s13 =	sadd.s32 $0x8, s13;
	v8 =	vld [tilespmem:s14+$0xFFFFFFD0];
	[tilespmem:s12+$0xFFFFFFE0] =	vst v9;
	v3 =	vmul.f32 $3.200000000e+01, v3  }
0x216: {  	p0 =	slt.u32 s13, $0x38;
	v9 =	vld [tilespmem:s14+$0xFFFFFFE0];
	[tilespmem:s12+$0x0] =	vst v5;
	v6 =	vmul.f32 $3.200000000e+01, v6  }
.Ltmp10:
0x217: {  	v5 =	vld [tilespmem:s14+$0x0];
	[tilespmem:s12+$0x10] =	vst v3;
	v4 =	vmul.f32 $3.200000000e+01, v4;
	(pc) =	sbr.rel @p0 .LBB2_23-.Ltmp10, $4  }
0x218: {  	v3 =	vld [tilespmem:s14+$0x10];
	v7 =	vmul.f32 $3.200000000e+01, v7;
	[tilespmem:s12+$0x20] =	vst v6  }
0x219: {  	v10 =	vmul.f32 $3.200000000e+01, v10;
	v6 =	vld [tilespmem:s14+$0x20];
	[tilespmem:s12+$0x30] =	vst v4  }
0x21a: {  	v8 =	vmul.f32 $3.200000000e+01, v8;
	v4 =	vld [tilespmem:s14+$0x30];
	[tilespmem:s12+$0xFFFFFFF0] =	vst v7;
	s12 =	smov.u32 s14  }
0x21b: {  	s14 =	sadd.s32 $0x400, s14;
	[tilespmem:s12+$0xFFFFFFC0] =	vst v10;
	v9 =	vmul.f32 $3.200000000e+01, v9;
	v7 =	vld [tilespmem:s12+$0xFFFFFFF0]  }
0x21c: {  	[tilespmem:s12+$0xFFFFFFD0] =	vst v8;
	v5 =	vmul.f32 $3.200000000e+01, v5;
	s8 =	sadd.s32 $0x1, s8  }
0x21d: {  	[tilespmem:s12+$0xFFFFFFE0] =	vst v9;
	v3 =	vmul.f32 $3.200000000e+01, v3;
	p0 =	sne.s32 s8, $0x20  }
.Ltmp11:
0x21e: {  	[tilespmem:s12+$0x0] =	vst v5;
	v62 =	vmul.f32 $3.200000000e+01, v6;
	(pc) =	sbr.rel @p0 .LBB2_22-.Ltmp11, $4  }
0x21f: {  	[tilespmem:s12+$0x10] =	vst v3;
	v3 =	vmul.f32 $3.200000000e+01, v4  }
0x220: {  	v63 =	vmul.f32 $3.200000000e+01, v7;
	[tilespmem:s12+$0x20] =	vst v62  }
0x221: {  	[tilespmem:s12+$0x30] =	vst v3  }
0x222: {  	s4 =	sadd.s32 $0x400, s4;
	s0 =	sadd.s32 $0x1, s0;
	[tilespmem:s12+$0xFFFFFFF0] =	vst v63  }
0x223: {  	s0 =	simm.s32 $0x0;
	s4 =	rddreg [dreg:$0xb]  }
0x224: {  	[hbm4b:s4+s0] =	stream.linear.scatter [tilespmem:s11], [sflag:$0x4], $0x8000, $0x38;
	[tilespmem:$0x10100] =	vst v63  }
0x225: {  	_ =	swait.ge [sflag:s10], $0x8000  }
0x226: {  	[sflag:s10] =	ssyncset.done $0x0  }
0x227: {  	[sflag:s10] =	ssyncadd.s32 $0xFFFF8000  }
0x228: {  	_ =	swait.ge [sflag:s31], $0x8000  }
0x229: {  	[sflag:s31] =	ssyncset.done $0x0  }
0x22a: {  	[sflag:s31] =	ssyncadd.s32 $0xFFFF8000  }
0x22b: {  	v3 =	vld [tilespmem:$0xE0];
	_ =	sdelay $0x4  }
0x22c: {  	v4 =	vshll.u32 v3, $0x3  }
0x22d: {  	v3 =	vand.u32 $0x7, v3;
	v4 =	vand.u32 $0xFFFFFFC0, v4  }
0x22e: {  	v3 =	vor.u32 v3, v4  }
0x22f: {  	v4 =	vperm.xlane v3, v0;
	_ =	sdelay $0x1  }
0x230: {  	v4 =	vadd.s32 v1, v4;
	_ =	sdelay $0x4  }
0x231: {  	[tilespmem:s11], [sflag:$0x2] =	stream.indirect_vreg.gather [hbm4b:s2+s0], $0x80, v4, vm0, $0xb8;
	[tilespmem:$0x10100] =	vst v63  }
0x232: {  	s12 =	simm.s32 $0x8900;
	v3 =	vperm.xlane v3, v2  }
0x233: {  	[tilespmem:s12], [sflag:$0x2] =	stream.indirect_vreg.gather [hbm4b:s5+s0], $0x80, v4, vm0, $0xb8;
	[tilespmem:$0x10100] =	vst v63  }
0x234: {  	s13 =	simm.s32 $0x9100;
	v3 =	vadd.s32 v1, v3  }
0x235: {  	[tilespmem:s13], [sflag:$0x2] =	stream.indirect_vreg.gather [hbm4b:s6+s0], $0x80, v4, vm0, $0xb8;
	[tilespmem:$0x10100] =	vst v63  }
0x236: {  	s14 =	simm.s32 $0x9900  }
0x237: {  	[tilespmem:s14], [sflag:$0x2] =	stream.indirect_vreg.gather [hbm4b:s7+s0], $0x80, v4, vm0, $0xb8;
	[tilespmem:$0x10100] =	vst v63  }
0x238: {  	_ = 	snop  }
0x239: {  	[tilespmem:s15], [sflag:$0x2] =	stream.indirect_vreg.gather [hbm4b:s2+s0], $0x80, v3, vm0, $0xb8;
	[tilespmem:$0x10100] =	vst v63  }
0x23a: {  	_ = 	snop  }
0x23b: {  	[tilespmem:s16], [sflag:$0x2] =	stream.indirect_vreg.gather [hbm4b:s5+s0], $0x80, v3, vm0, $0xb8;
	[tilespmem:$0x10100] =	vst v63  }
0x23c: {  	_ = 	snop  }
0x23d: {  	[tilespmem:s17], [sflag:$0x2] =	stream.indirect_vreg.gather [hbm4b:s6+s0], $0x80, v3, vm0, $0xb8;
	[tilespmem:$0x10100] =	vst v63  }
0x23e: {  	_ = 	snop  }
0x23f: {  	[tilespmem:s9], [sflag:$0x2] =	stream.indirect_vreg.gather [hbm4b:s7+s0], $0x80, v3, vm0, $0xb8;
	[tilespmem:$0x10100] =	vst v63  }
0x240: {  	v3 =	vld [tilespmem:$0xF0];
	_ =	sdelay $0x4  }
0x241: {  	v63 =	vshll.u32 v3, $0x3  }
0x242: {  	v3 =	vand.u32 $0x7, v3;
	v4 =	vand.u32 $0xFFFFFFC0, v63  }
0x243: {  	v3 =	vor.u32 v3, v4  }
0x244: {  	v4 =	vperm.xlane v3, v0;
	_ =	sdelay $0x1  }
0x245: {  	v4 =	vadd.s32 v1, v4;
	_ =	sdelay $0x4  }
0x246: {  	[tilespmem:s20], [sflag:$0x2] =	stream.indirect_vreg.gather [hbm4b:s2+s0], $0x80, v4, vm0, $0xb8;
	[tilespmem:$0x10100] =	vst v63  }
0x247: {  	v3 =	vperm.xlane v3, v2  }
0x248: {  	[tilespmem:s21], [sflag:$0x2] =	stream.indirect_vreg.gather [hbm4b:s5+s0], $0x80, v4, vm0, $0xb8;
	[tilespmem:$0x10100] =	vst v63  }
0x249: {  	v3 =	vadd.s32 v1, v3  }
0x24a: {  	[tilespmem:s22], [sflag:$0x2] =	stream.indirect_vreg.gather [hbm4b:s6+s0], $0x80, v4, vm0, $0xb8;
	[tilespmem:$0x10100] =	vst v63  }
0x24b: {  	_ = 	snop  }
0x24c: {  	[tilespmem:s23], [sflag:$0x2] =	stream.indirect_vreg.gather [hbm4b:s7+s0], $0x80, v4, vm0, $0xb8;
	[tilespmem:$0x10100] =	vst v63  }
0x24d: {  	_ = 	snop  }
0x24e: {  	[tilespmem:s24], [sflag:$0x2] =	stream.indirect_vreg.gather [hbm4b:s2+s0], $0x80, v3, vm0, $0xb8;
	[tilespmem:$0x10100] =	vst v63  }
0x24f: {  	_ = 	snop  }
0x250: {  	[tilespmem:s25], [sflag:$0x2] =	stream.indirect_vreg.gather [hbm4b:s5+s0], $0x80, v3, vm0, $0xb8;
	[tilespmem:$0x10100] =	vst v63  }
0x251: {  	_ = 	snop  }
0x252: {  	[tilespmem:s26], [sflag:$0x2] =	stream.indirect_vreg.gather [hbm4b:s6+s0], $0x80, v3, vm0, $0xb8;
	[tilespmem:$0x10100] =	vst v63  }
0x253: {  	s8 =	simm.s32 $0x0;
	s4 =	simm.s32 $0x0  }
0x254: {  	[tilespmem:s28], [sflag:$0x2] =	stream.indirect_vreg.gather [hbm4b:s7+s0], $0x80, v3, vm0, $0xb8;
	[tilespmem:$0x10100] =	vst v63  }
.LBB2_26:
0x255: {  	s12 =	sshll.u32 s4, $0x2;
	s13 =	sand.u32 $0x7, s0  }
0x256: {  	s12 =	sand.u32 $0xFFFF8000, s12;
	s13 =	sshll.u32 s13, $0x9  }
0x257: {  	s12 =	sor.u32 s13, s12  }
0x258: {  	s12 =	sshrl.u32 s12, $0x2  }
0x259: {  	s12 =	sadd.s32 $0x140, s12  }
0x25a: {  	v4 =	vld [tilespmem:s12+$0xFFFFFFC0];
	_ =	sdelay $0x1  }
0x25b: {  	v7 =	vld [tilespmem:s12+$0xFFFFFFD0]  }
0x25c: {  	v9 =	vld [tilespmem:s12+$0xFFFFFFE0]  }
0x25d: {  	v5 =	vld [tilespmem:s12+$0x0]  }
0x25e: {  	v3 =	vld [tilespmem:s12+$0x10];
	v8 =	vmul.f32 $3.200000000e+01, v4  }
0x25f: {  	v6 =	vld [tilespmem:s12+$0x20]  }
0x260: {  	v4 =	vld [tilespmem:s12+$0x30];
	[tilespmem:s12+$0xFFFFFFC0] =	vst v8;
	v8 =	vmul.f32 $3.200000000e+01, v7  }
0x261: {  	s13 =	simm.s32 $0x0;
	s14 =	sadd.s32 $0x400, s12;
	v9 =	vmul.f32 $3.200000000e+01, v9;
	v7 =	vld [tilespmem:s12+$0xFFFFFFF0]  }
.LBB2_27:
0x262: {  	v10 =	vld [tilespmem:s14+$0xFFFFFFC0];
	[tilespmem:s12+$0xFFFFFFD0] =	vst v8;
	v5 =	vmul.f32 $3.200000000e+01, v5  }
0x263: {  	s13 =	sadd.s32 $0x8, s13;
	v8 =	vld [tilespmem:s14+$0xFFFFFFD0];
	[tilespmem:s12+$0xFFFFFFE0] =	vst v9;
	v3 =	vmul.f32 $3.200000000e+01, v3  }
0x264: {  	p0 =	slt.u32 s13, $0x38;
	v9 =	vld [tilespmem:s14+$0xFFFFFFE0];
	[tilespmem:s12+$0x0] =	vst v5;
	v6 =	vmul.f32 $3.200000000e+01, v6  }
.Ltmp12:
0x265: {  	v5 =	vld [tilespmem:s14+$0x0];
	[tilespmem:s12+$0x10] =	vst v3;
	v4 =	vmul.f32 $3.200000000e+01, v4;
	(pc) =	sbr.rel @p0 .LBB2_27-.Ltmp12, $4  }
0x266: {  	v3 =	vld [tilespmem:s14+$0x10];
	v7 =	vmul.f32 $3.200000000e+01, v7;
	[tilespmem:s12+$0x20] =	vst v6  }
0x267: {  	v10 =	vmul.f32 $3.200000000e+01, v10;
	v6 =	vld [tilespmem:s14+$0x20];
	[tilespmem:s12+$0x30] =	vst v4  }
0x268: {  	v8 =	vmul.f32 $3.200000000e+01, v8;
	v4 =	vld [tilespmem:s14+$0x30];
	[tilespmem:s12+$0xFFFFFFF0] =	vst v7;
	s12 =	smov.u32 s14  }
0x269: {  	s14 =	sadd.s32 $0x400, s14;
	[tilespmem:s12+$0xFFFFFFC0] =	vst v10;
	v9 =	vmul.f32 $3.200000000e+01, v9;
	v7 =	vld [tilespmem:s12+$0xFFFFFFF0]  }
0x26a: {  	[tilespmem:s12+$0xFFFFFFD0] =	vst v8;
	v5 =	vmul.f32 $3.200000000e+01, v5;
	s8 =	sadd.s32 $0x1, s8  }
0x26b: {  	[tilespmem:s12+$0xFFFFFFE0] =	vst v9;
	v3 =	vmul.f32 $3.200000000e+01, v3;
	p0 =	sne.s32 s8, $0x20  }
.Ltmp13:
0x26c: {  	[tilespmem:s12+$0x0] =	vst v5;
	v62 =	vmul.f32 $3.200000000e+01, v6;
	(pc) =	sbr.rel @p0 .LBB2_26-.Ltmp13, $4  }
0x26d: {  	[tilespmem:s12+$0x10] =	vst v3;
	v3 =	vmul.f32 $3.200000000e+01, v4  }
0x26e: {  	v63 =	vmul.f32 $3.200000000e+01, v7;
	[tilespmem:s12+$0x20] =	vst v62  }
0x26f: {  	[tilespmem:s12+$0x30] =	vst v3  }
0x270: {  	s4 =	sadd.s32 $0x400, s4;
	s0 =	sadd.s32 $0x1, s0;
	[tilespmem:s12+$0xFFFFFFF0] =	vst v63  }
0x271: {  	s0 =	simm.s32 $0x0;
	s4 =	rddreg [dreg:$0xc]  }
0x272: {  	[hbm4b:s4+s0] =	stream.linear.scatter [tilespmem:s19], [sflag:$0x3], $0x8000, $0x38;
	[tilespmem:$0x10100] =	vst v63  }
0x273: {  	_ =	swait.ge [sflag:s29], $0x8000  }
0x274: {  	[sflag:s29] =	ssyncset.done $0x0  }
0x275: {  	s8 =	simm.s32 $0x0;
	s4 =	simm.s32 $0x0;
	[sflag:s29] =	ssyncadd.s32 $0xFFFF8000  }
.LBB2_30:
0x276: {  	s12 =	sshll.u32 s4, $0x2;
	s13 =	sand.u32 $0x7, s0  }
0x277: {  	s12 =	sand.u32 $0xFFFF8000, s12;
	s13 =	sshll.u32 s13, $0x9  }
0x278: {  	s12 =	sor.u32 s13, s12  }
0x279: {  	s12 =	sshrl.u32 s12, $0x2  }
0x27a: {  	s12 =	sadd.s32 $0x8140, s12  }
0x27b: {  	v4 =	vld [tilespmem:s12+$0xFFFFFFC0];
	_ =	sdelay $0x1  }
0x27c: {  	v7 =	vld [tilespmem:s12+$0xFFFFFFD0]  }
0x27d: {  	v9 =	vld [tilespmem:s12+$0xFFFFFFE0]  }
0x27e: {  	v5 =	vld [tilespmem:s12+$0x0]  }
0x27f: {  	v3 =	vld [tilespmem:s12+$0x10];
	v8 =	vmul.f32 $3.200000000e+01, v4  }
0x280: {  	v6 =	vld [tilespmem:s12+$0x20]  }
0x281: {  	v4 =	vld [tilespmem:s12+$0x30];
	[tilespmem:s12+$0xFFFFFFC0] =	vst v8;
	v8 =	vmul.f32 $3.200000000e+01, v7  }
0x282: {  	s13 =	simm.s32 $0x0;
	s14 =	sadd.s32 $0x400, s12;
	v9 =	vmul.f32 $3.200000000e+01, v9;
	v7 =	vld [tilespmem:s12+$0xFFFFFFF0]  }
.LBB2_31:
0x283: {  	v10 =	vld [tilespmem:s14+$0xFFFFFFC0];
	[tilespmem:s12+$0xFFFFFFD0] =	vst v8;
	v5 =	vmul.f32 $3.200000000e+01, v5  }
0x284: {  	s13 =	sadd.s32 $0x8, s13;
	v8 =	vld [tilespmem:s14+$0xFFFFFFD0];
	[tilespmem:s12+$0xFFFFFFE0] =	vst v9;
	v3 =	vmul.f32 $3.200000000e+01, v3  }
0x285: {  	p0 =	slt.u32 s13, $0x38;
	v9 =	vld [tilespmem:s14+$0xFFFFFFE0];
	[tilespmem:s12+$0x0] =	vst v5;
	v6 =	vmul.f32 $3.200000000e+01, v6  }
.Ltmp14:
0x286: {  	v5 =	vld [tilespmem:s14+$0x0];
	[tilespmem:s12+$0x10] =	vst v3;
	v4 =	vmul.f32 $3.200000000e+01, v4;
	(pc) =	sbr.rel @p0 .LBB2_31-.Ltmp14, $4  }
0x287: {  	v3 =	vld [tilespmem:s14+$0x10];
	v7 =	vmul.f32 $3.200000000e+01, v7;
	[tilespmem:s12+$0x20] =	vst v6  }
0x288: {  	v10 =	vmul.f32 $3.200000000e+01, v10;
	v6 =	vld [tilespmem:s14+$0x20];
	[tilespmem:s12+$0x30] =	vst v4  }
0x289: {  	v8 =	vmul.f32 $3.200000000e+01, v8;
	v4 =	vld [tilespmem:s14+$0x30];
	[tilespmem:s12+$0xFFFFFFF0] =	vst v7;
	s12 =	smov.u32 s14  }
0x28a: {  	s14 =	sadd.s32 $0x400, s14;
	[tilespmem:s12+$0xFFFFFFC0] =	vst v10;
	v9 =	vmul.f32 $3.200000000e+01, v9;
	v7 =	vld [tilespmem:s12+$0xFFFFFFF0]  }
0x28b: {  	[tilespmem:s12+$0xFFFFFFD0] =	vst v8;
	v5 =	vmul.f32 $3.200000000e+01, v5;
	s8 =	sadd.s32 $0x1, s8  }
0x28c: {  	[tilespmem:s12+$0xFFFFFFE0] =	vst v9;
	v3 =	vmul.f32 $3.200000000e+01, v3;
	p0 =	sne.s32 s8, $0x20  }
.Ltmp15:
0x28d: {  	[tilespmem:s12+$0x0] =	vst v5;
	v62 =	vmul.f32 $3.200000000e+01, v6;
	(pc) =	sbr.rel @p0 .LBB2_30-.Ltmp15, $4  }
0x28e: {  	[tilespmem:s12+$0x10] =	vst v3;
	v3 =	vmul.f32 $3.200000000e+01, v4  }
0x28f: {  	v63 =	vmul.f32 $3.200000000e+01, v7;
	[tilespmem:s12+$0x20] =	vst v62  }
0x290: {  	[tilespmem:s12+$0x30] =	vst v3  }
0x291: {  	s4 =	sadd.s32 $0x400, s4;
	s0 =	sadd.s32 $0x1, s0;
	[tilespmem:s12+$0xFFFFFFF0] =	vst v63  }
0x292: {  	s0 =	rddreg [dreg:$0xd]  }
0x293: {  	[hbm4b:s0+s3] =	stream.linear.scatter [tilespmem:s11], [sflag:$0x4], $0x8000, $0x38;
	[tilespmem:$0x10100] =	vst v63  }
0x294: {  	_ =	swait.ge [sflag:s30], $0x8000  }
0x295: {  	[sflag:s30] =	ssyncset.done $0x0  }
0x296: {  	[sflag:s30] =	ssyncadd.s32 $0xFFFF8000  }
0x297: {  	_ =	swait.ge [sflag:s31], $0x8000  }
0x298: {  	s1 =	sadd.s32 $0x1, s1;
	s14 =	rddreg [dreg:$0xe]  }
0x299: {  	p0 =	sne.s32 s1, s14  }
.Ltmp16:
0x29a: {  	_ = 	snop;
	(pc) =	sbr.rel @p0 .LBB2_1-.Ltmp16, $3  }
0x29b: {  	_ =	sdelay $0x1  }
0x29c: {  	[sflag:s31] =	ssyncset.done $0x0  }
0x29d: {  	[sflag:s31] =	ssyncadd.s32 $0xFFFF8000  }
0x29e: {  	_ =	sfence.sel $0x180000  }
0x29f: {  	[bflag:$0x0] =	sbarrier.arrive $0xFFFF  }
0x2a0: {  	_ =	strace $0x90000047  }
0x2a1: {  	s0 =	stileid.u32;
	[bflag:$0x2] =	sbarrier.arrive $0xFFFF  }
0x2a2: {  	p0 =	sne.s32 s0, $0x0;
	s0 =	rddreg [dreg:$0x3]  }
0x2a3: {  	s0 =	sadd.s32 @!p0 $0x100000, s0  }
0x2a4: {  	[sflag:s0] =	ssyncadd.tile.s32 @!p0 $0x1;
	_ =	shalt  }
.Lfunc_end2:
_tile_overlayer_lowered:
.L_overlay_start_2:
0x2a5: {  	(tag) =	ssettag $0x2  }
0x2a6: {  	s0 =	rddreg [dreg:$0x0];
	s2 =	stileid.u32  }
0x2a7: {  	s1 =	rddreg [dreg:$0x1];
	p0 =	sne.s32 s2, $0x0  }
0x2a8: {  	s3 =	rddreg [dreg:$0x2];
	[bflag:$0x3] =	sbarrier.arrive $0xFFFF;
	s2 =	simm.s32 @!p0 $0x1C05  }
0x2a9: {  	[timem:s3], [sflag:s2] =	dma.local @!p0 [hbm:s0], s1  }
0x2aa: {  	s0 =	simm.s32 @!p0 $0x5  }
0x2ab: {  	_ =	swait.ge @!p0 [sflag:s0], s1  }
0x2ac: {  	s1 =	ssub.s32 @!p0 $0x0, s1;
	[sflag:s0] =	ssyncset.done @!p0 $0x0  }
0x2ad: {  	[sflag:s0] =	ssyncadd.s32 @!p0 s1  }
0x2ae: {  	[bflag:$0x3] =	sbarrier.arrive $0xFFFF  }
0x2af: {  	_ =	shalt  }

</sc_bundles>
